<compile_context>
chip_gen: v7x
topology: tpu7x:2x2x1
jax: 0.10.2.dev20260603
libtpu: 0.0.44.dev20260713+nightly
codegen_flags: <defaults>
</compile_context>

<pallas_src>
import functools

import jax
import jax.numpy as jnp
from jax import lax
from jax.experimental import pallas as pl
from jax.experimental.pallas import tpu as pltpu
from jax.experimental.pallas import tpu_sc as plsc

N = 64
H = 8
CIN = 768
COUT = 768
B = 8192
LAYER_NUM = 5

BM = 256
MT = B // BM
G = MT + N

NV = B // 16


def _sc_router(in_feats, in_coords):
    info = plsc.get_sparse_core_info()
    NC, NS = info.num_cores, info.num_subcores
    NW = NC * NS
    TPW = B // NW
    VPW = TPW // 16

    mesh = plsc.VectorSubcoreMesh(core_axis_name="c", subcore_axis_name="s")

    @functools.partial(
        pl.kernel,
        mesh=mesh,
        out_type=(
            jax.ShapeDtypeStruct((B, CIN), jnp.float32),
            jax.ShapeDtypeStruct((B,), jnp.int32),
            jax.ShapeDtypeStruct((4, G), jnp.int32),
        ),
        scratch_types=[
            pltpu.VMEM((2 * B,), jnp.float32),
            pltpu.VMEM((B,), jnp.int32),
            pltpu.VMEM((TPW,), jnp.int32),
            pltpu.VMEM((64,), jnp.int32),
            pltpu.VMEM((64,), jnp.int32),
            pltpu.VMEM((64, CIN), jnp.float32),
            pltpu.VMEM((64, CIN), jnp.float32),
            pltpu.VMEM((16,), jnp.int32),
            pltpu.VMEM((16,), jnp.int32),
            pltpu.VMEM((N,), jnp.int32),
            pltpu.VMEM((N,), jnp.int32),
            pltpu.VMEM((N,), jnp.int32),
            pltpu.VMEM((N,), jnp.int32),
            pltpu.VMEM((N,), jnp.int32),
            pltpu.VMEM((N,), jnp.int32),
            pltpu.VMEM((G,), jnp.int32),
            pltpu.VMEM((G,), jnp.int32),
            pltpu.VMEM((G,), jnp.int32),
            pltpu.VMEM((G,), jnp.int32),
            pltpu.SemaphoreType.DMA,
            pltpu.SemaphoreType.DMA,
            pltpu.SemaphoreType.DMA,
            pltpu.SemaphoreType.DMA,
        ],
        compiler_params=pltpu.CompilerParams(needs_layout_passes=False),
    )
    def k(feats_hbm, coords_hbm, xs_hbm, pos_hbm, meta_hbm,
          coords_v, tiles_v, pos_v, idx64_v, idx64_b, rows_v, rows_b,
          skv, tmp16,
          cnt_all, cnt_pre, base_run, starts_v, blocks_v, u_v,
          grp_v, mt_v, lo_v, hi_v, lsem0, lsem1, ssem0, ssem1):
        wid = lax.axis_index("s") * NC + lax.axis_index("c")
        iota = jnp.arange(16, dtype=jnp.int32)

        pltpu.sync_copy(coords_hbm, coords_v)

        def f2i_floor(a):
            t = a.astype(jnp.int32)
            return t - (t.astype(jnp.float32) > a).astype(jnp.int32)

        zeros16 = jnp.zeros((16,), jnp.int32)
        ones16 = jnp.ones((16,), jnp.int32)
        for c in range(N // 16):
            cnt_all[pl.ds(c * 16, 16)] = zeros16
            cnt_pre[pl.ds(c * 16, 16)] = zeros16

        def vreg_stats(keys):
            sk, sl = plsc.sort_key_val(keys, iota)
            skv[...] = sk
            prv = plsc.load_gather(skv, [jnp.maximum(iota - 1, 0)])
            nxt = plsc.load_gather(skv, [jnp.minimum(iota + 1, 15)])
            change = (iota == 0) | (sk != prv)
            first = plsc.cummax(jnp.where(change, iota, 0))
            rank = iota - first
            is_last = (iota == 15) | (sk != nxt)
            return sk, sl, rank, is_last

        myv0 = wid * VPW

        def hist_body(kv, _):
            rows2 = (kv * 16 + iota) * 2
            cx = plsc.load_gather(coords_v, [rows2])
            cy = plsc.load_gather(coords_v, [rows2 + 1])
            tx = f2i_floor(cx * 16.0 + 0.5) & (H - 1)
            ty = f2i_floor(cy * 16.0 + 0.5) & (H - 1)
            keys = tx * H + ty
            tiles_v[pl.ds(kv * 16, 16)] = keys
            plsc.addupdate_scatter(cnt_all, [keys], ones16)
            plsc.addupdate_scatter(
                cnt_pre, [keys], ones16,
                mask=jnp.broadcast_to(kv < myv0, (16,)),
            )
            return 0

        lax.fori_loop(0, NV, hist_body, 0)

        carry = jnp.int32(0)
        for c in range(N // 16):
            tot = cnt_all[pl.ds(c * 16, 16)]
            start = plsc.cumsum(tot) - tot + carry
            carry = carry + jnp.sum(tot)
            starts_v[pl.ds(c * 16, 16)] = start
            base_run[pl.ds(c * 16, 16)] = start + cnt_pre[pl.ds(c * 16, 16)]

        def pos_body(kv, _):
            keys = tiles_v[pl.ds((myv0 + kv) * 16, 16)]
            sk, sl, rank, is_last = vreg_stats(keys)
            basek = plsc.load_gather(base_run, [sk])
            plsc.store_scatter(tmp16, [sl], basek + rank)
            pos_v[pl.ds(kv * 16, 16)] = tmp16[...]
            plsc.addupdate_scatter(base_run, [sk], rank + 1, mask=is_last)
            return 0

        lax.fori_loop(0, VPW, pos_body, 0)
        pltpu.sync_copy(pos_v, pos_hbm.at[pl.ds(wid * TPW, TPW)])

        rbufs, ibufs = [rows_v, rows_b], [idx64_v, idx64_b]
        lsems, ssems = [lsem0, lsem1], [ssem0, ssem1]
        lh, sh = [None, None], [None, None]
        n_ch = TPW // 64
        for c in range(n_ch):
            p = c % 2
            if sh[p] is not None:
                sh[p].wait()
            b0 = wid * TPW + c * 64
            lh[p] = pltpu.async_copy(feats_hbm.at[pl.ds(b0, 64)], rbufs[p],
                                     lsems[p])
            for q in range(4):
                ibufs[p][pl.ds(q * 16, 16)] = pos_v[pl.ds(c * 64 + q * 16, 16)]
            if c > 0:
                qq = (c - 1) % 2
                lh[qq].wait()
                sh[qq] = pltpu.async_copy(rbufs[qq], xs_hbm.at[ibufs[qq]],
                                          ssems[qq])
        p = (n_ch - 1) % 2
        lh[p].wait()
        sh[p] = pltpu.async_copy(rbufs[p], xs_hbm.at[ibufs[p]], ssems[p])
        sh[1 - p].wait()
        sh[p].wait()

        @pl.when(wid == 0)
        def _():
            carry2 = jnp.int32(0)
            for c in range(N // 16):
                sz = cnt_all[pl.ds(c * 16, 16)]
                st = starts_v[pl.ds(c * 16, 16)]
                en = st + sz
                blk = jnp.where(
                    sz > 0,
                    ((en - 1) >> 8) - (st >> 8) + 1,
                    0,
                )
                blocks_v[pl.ds(c * 16, 16)] = blk
                u_v[pl.ds(c * 16, 16)] = plsc.cumsum(blk) + carry2
                carry2 = carry2 + jnp.sum(blk)

            total = plsc.load_gather(u_v, [jnp.full((16,), N - 1, jnp.int32)])

            def meta_body(jv, _):
                j = jv * 16 + iota
                g0 = jnp.zeros((16,), jnp.int32)

                def count_body(t, g):
                    ut = plsc.load_gather(
                        u_v, [jnp.full((16,), t, jnp.int32)]
                    )
                    return g + (ut <= j).astype(jnp.int32)

                g = lax.fori_loop(0, N, count_body, g0)
                gc = jnp.minimum(g, N - 1)
                u_gc = plsc.load_gather(u_v, [gc])
                blk_gc = plsc.load_gather(blocks_v, [gc])
                st_gc = plsc.load_gather(starts_v, [gc])
                sz_gc = plsc.load_gather(cnt_all, [gc])
                en_gc = st_gc + sz_gc
                valid = j < total
                k_in = j - (u_gc - blk_gc)
                mtj = jnp.where(valid, (st_gc >> 8) + k_in, MT - 1)
                loj = jnp.where(valid, jnp.maximum(st_gc, mtj * BM), B)
                hij = jnp.where(valid, jnp.minimum(en_gc, (mtj + 1) * BM), B)
                grpj = jnp.where(valid, gc, N - 1)
                grp_v[pl.ds(jv * 16, 16)] = grpj
                mt_v[pl.ds(jv * 16, 16)] = mtj
                lo_v[pl.ds(jv * 16, 16)] = loj
                hi_v[pl.ds(jv * 16, 16)] = hij
                return 0

            lax.fori_loop(0, G // 16, meta_body, 0)
            pltpu.sync_copy(grp_v, meta_hbm.at[0])
            pltpu.sync_copy(mt_v, meta_hbm.at[1])
            pltpu.sync_copy(lo_v, meta_hbm.at[2])
            pltpu.sync_copy(hi_v, meta_hbm.at[3])

    return k(in_feats, in_coords.reshape(2 * B))


def _sc_row_gather(table, idx):
    R, D = table.shape
    info = plsc.get_sparse_core_info()
    NC, NS = info.num_cores, info.num_subcores
    NW = NC * NS
    rows_per_w = R // NW
    CH = 64
    n_chunks = rows_per_w // CH

    mesh = plsc.VectorSubcoreMesh(core_axis_name="c", subcore_axis_name="s")

    @functools.partial(
        pl.kernel,
        mesh=mesh,
        out_type=jax.ShapeDtypeStruct((R, D), table.dtype),
        scratch_types=[
            pltpu.VMEM((CH,), jnp.int32),
            pltpu.VMEM((CH,), jnp.int32),
            pltpu.VMEM((CH, D), table.dtype),
            pltpu.VMEM((CH, D), table.dtype),
            pltpu.SemaphoreType.DMA,
            pltpu.SemaphoreType.DMA,
            pltpu.SemaphoreType.DMA,
            pltpu.SemaphoreType.DMA,
        ],
    )
    def k(table_hbm, idx_hbm, out_hbm, i0, i1, r0, r1, g0, g1, w0, w1):
        wid = lax.axis_index("s") * NC + lax.axis_index("c")
        idxs, rows, gs, ws = [i0, i1], [r0, r1], [g0, g1], [w0, w1]
        gh, wh = [None, None], [None, None]
        for c in range(n_chunks):
            p = c % 2
            if wh[p] is not None:
                wh[p].wait()
            base = wid * rows_per_w + c * CH
            pltpu.sync_copy(idx_hbm.at[pl.ds(base, CH)], idxs[p])
            gh[p] = pltpu.async_copy(table_hbm.at[idxs[p]], rows[p], gs[p])
            if c > 0:
                q = (c - 1) % 2
                gh[q].wait()
                b_prev = wid * rows_per_w + (c - 1) * CH
                wh[q] = pltpu.async_copy(
                    rows[q], out_hbm.at[pl.ds(b_prev, CH)], ws[q]
                )
        p = (n_chunks - 1) % 2
        gh[p].wait()
        b_last = wid * rows_per_w + (n_chunks - 1) * CH
        wh[p] = pltpu.async_copy(rows[p], out_hbm.at[pl.ds(b_last, CH)], ws[p])
        wh[1 - p].wait()
        wh[p].wait()

    return k(table, idx)


def _gmm_body(meta_s, x_ref, w_ref, b_ref, o_ref):
    j = pl.program_id(0)
    mt = meta_s[1, j]
    lo = meta_s[2, j]
    hi = meta_s[3, j]
    rows = mt * BM + lax.broadcasted_iota(jnp.int32, (BM, 1), 0)
    mask = (rows >= lo) & (rows < hi)

    x = x_ref[...].astype(jnp.bfloat16)
    w = w_ref[0].astype(jnp.bfloat16)
    part = lax.dot_general(
        x, w, (((1,), (1,)), ((), ())), preferred_element_type=jnp.float32
    )
    part = jnp.where(mask, part, 0.0)

    prev_mt = meta_s[1, jnp.maximum(j - 1, 0)]
    next_mt = meta_s[1, jnp.minimum(j + 1, G - 1)]
    is_first = (j == 0) | (mt != prev_mt)
    is_last = (j == G - 1) | (mt != next_mt)

    prev = jnp.where(is_first, jnp.zeros_like(part), o_ref[...])
    acc = prev + part
    final = acc + b_ref[...]
    final = jnp.where(final >= 0, final, 0.2 * final)
    o_ref[...] = jnp.where(is_last, final, acc)


def _gmm(x_sorted, W, bias2d, meta):
    grid_spec = pltpu.PrefetchScalarGridSpec(
        num_scalar_prefetch=1,
        grid=(G,),
        in_specs=[
            pl.BlockSpec((BM, CIN), lambda j, m: (m[1, j], 0)),
            pl.BlockSpec((1, COUT, CIN), lambda j, m: (m[0, j], 0, 0)),
            pl.BlockSpec((1, COUT), lambda j, m: (0, 0)),
        ],
        out_specs=pl.BlockSpec((BM, COUT), lambda j, m: (m[1, j], 0)),
    )
    return pl.pallas_call(
        _gmm_body,
        grid_spec=grid_spec,
        out_shape=jax.ShapeDtypeStruct((B, COUT), jnp.float32),
        compiler_params=pltpu.CompilerParams(
            dimension_semantics=("arbitrary",),
        ),
    )(meta, x_sorted, W, bias2d)


def kernel(in_feats, in_coords, W, bias):
    x_sorted, pos, meta = _sc_router(in_feats, in_coords)
    out_sorted = _gmm(x_sorted, W, bias.reshape(1, COUT), meta)
    return _sc_row_gather(out_sorted, pos)

# --- scband reference (transcript-rebuilt; emitter-appended) ---
"""Pipeline reference for scband-positional-dependent-layer-26156350832796 (READ-ONLY COPY).

The authoritative reference and input builder live on the scoring server;
editing this copy changes nothing except your own understanding.
"""

import jax, jax.numpy as jnp
import numpy as np
import math

N = 64
H = 8  # int(sqrt(N))
CIN = 768
COUT = 768
B = 8192
LAYER_NUM = 5  # == hidden_layers + 1, so forward returns a single tensor


def setup_inputs(seed: int = 0) -> dict:
    key = jax.random.key(seed)
    k1, k2, k3 = jax.random.split(key, 3)
    in_feats = jax.random.normal(k1, (B, CIN), dtype=jnp.float32)
    in_coords = jax.random.normal(k2, (B, 2), dtype=jnp.float32)
    # kaiming_uniform-like init for each of the N weight tiles (Cout, Cin)
    bound = math.sqrt(6.0 / CIN)
    W = jax.random.uniform(k3, (N, COUT, CIN), dtype=jnp.float32, minval=-bound, maxval=bound)
    bias = jnp.zeros((COUT,), dtype=jnp.float32)
    return {"in_feats": in_feats, "in_coords": in_coords, "W": W, "bias": bias}


def _tile_ids(in_coords):
    # gray_code arrangement, layer_num > 1: _A = 2**(layer_num-1), _b = 0.5
    A = 2 ** (LAYER_NUM - 1)
    b = 0.5
    aff = in_coords * A + b
    x = jnp.floor(aff[:, 0]).astype(jnp.int32) % H
    y = jnp.floor(aff[:, 1]).astype(jnp.int32) % H
    return H * x + y  # [B]


def reference(in_feats, in_coords, W, bias):
    # positional_dependent_linear_1d: per-token tile-indexed linear.
    # torch loops over tiles with masked_select/masked_scatter_; the math is
    # out[b] = W[tile_id[b]] @ in_feats[b] + bias, implemented as a SparseCore-
    # friendly gather of weight tiles followed by batched matvec.
    tile = _tile_ids(in_coords)                     # int32[B], constant w.r.t. grads
    W_sel = jnp.take(W, tile, axis=0)               # gather -> [B, Cout, Cin]
    out = jnp.einsum('boi,bi->bo', W_sel, in_feats) + bias
    # LeakyReLU(negative_slope=0.2)
    out = jnp.where(out >= 0, out, 0.2 * out)
    # layer_num == total_hidden_layers + 1 -> return output only
    return out

if __name__ == "__main__":
    import jax
    _d = setup_inputs()
    print(jax.jit(kernel)(*tuple(_d.values())))

</pallas_src>

<mosaic_0001>
#map = affine_map<(d0, d1) -> (0, 0)>
#map1 = affine_map<(d0, d1) -> (0)>
module attributes {stable_mosaic.version = 14 : i64} {
  func.func @k(%arg0: i32, %arg1: i32, %arg2: memref<8192x768xf32, #tpu.memory_space<hbm>>, %arg3: memref<8192xi32, #tpu.memory_space<hbm>>, %arg4: memref<8192x768xf32, #tpu.memory_space<hbm>>, %arg5: memref<64xi32, #tpu.memory_space<vmem>>, %arg6: memref<64xi32, #tpu.memory_space<vmem>>, %arg7: memref<64x768xf32, #tpu.memory_space<vmem>>, %arg8: memref<64x768xf32, #tpu.memory_space<vmem>>, %arg9: memref<!tpu.dma_semaphore, #tpu.memory_space<semaphore_mem>>, %arg10: memref<!tpu.dma_semaphore, #tpu.memory_space<semaphore_mem>>, %arg11: memref<!tpu.dma_semaphore, #tpu.memory_space<semaphore_mem>>, %arg12: memref<!tpu.dma_semaphore, #tpu.memory_space<semaphore_mem>>) attributes {dimension_semantics = [#tpu.dimension_semantics<core_parallel>, #tpu.dimension_semantics<subcore_parallel>], iteration_bounds = array<i64: 2, 16>, scalar_prefetch = 0 : i64, scratch_operands = 8 : i64, tpu.core_type = #tpu.core_type<sc_vector_subcore>, window_params = [{transform_indices = #map}, {transform_indices = #map1}, {transform_indices = #map}]} {
    %mul3A = arith.constant 2 : i32
    %mul3A_0 = arith.muli %arg1, %mul3A : i32
    %add3A = arith.addi %mul3A_0, %arg0 : i32
    %mul3A_1 = arith.constant 256 : i32
    %mul3A_2 = arith.muli %add3A, %mul3A_1 : i32
    %add3A_3 = arith.constant 0 : i32
    %add3A_4 = arith.addi %mul3A_2, %add3A_3 : i32
    "tpu.region"() ({
      %run_scoped3A = tpu.sem_alloc : memref<!tpu.dma_semaphore, #tpu.memory_space<semaphore_mem>>
      %dma_start3A_87 = tpu.memref_slice %arg3[%add3A_4] : memref<8192xi32, #tpu.memory_space<hbm>> -> memref<64xi32, #tpu.memory_space<hbm>>
      %dma_start3A_88 = tpu.memref_slice %arg3[%add3A_4] : memref<8192xi32, #tpu.memory_space<hbm>> -> memref<64xi32, #tpu.memory_space<hbm>>
      tpu.enqueue_dma source(%dma_start3A_88 : memref<64xi32, #tpu.memory_space<hbm>>) target(%arg5 : memref<64xi32, #tpu.memory_space<vmem>>) target_semaphore(%run_scoped3A : memref<!tpu.dma_semaphore, #tpu.memory_space<semaphore_mem>>)
      %dma_wait3A_89 = tpu.memref_slice %arg3[%add3A_4] : memref<8192xi32, #tpu.memory_space<hbm>> -> memref<64xi32, #tpu.memory_space<hbm>>
      %dma_wait3A_90 = tpu.memref_slice %arg3[%add3A_4] : memref<8192xi32, #tpu.memory_space<hbm>> -> memref<64xi32, #tpu.memory_space<hbm>>
      tpu.wait_dma2 semaphore(%run_scoped3A : memref<!tpu.dma_semaphore, #tpu.memory_space<semaphore_mem>>) src(%dma_wait3A_90 : memref<64xi32, #tpu.memory_space<hbm>>) dst(%arg5 : memref<64xi32, #tpu.memory_space<vmem>>)
      tpu.yield
    }) : () -> ()
    %dma_start3A = arith.constant 0 : i32
    %dma_start3A_5 = arith.constant 0 : i32
    %dma_start3A_6 = tpu.memref_slice %arg2[%dma_start3A, %dma_start3A_5] : memref<8192x768xf32, #tpu.memory_space<hbm>> -> memref<8192x768xf32, #tpu.memory_space<hbm>>
    tpu.enqueue_indirect_dma source(%dma_start3A_6 : memref<8192x768xf32, #tpu.memory_space<hbm>>) target(%arg7 : memref<64x768xf32, #tpu.memory_space<vmem>>) offsets(%arg5 : memref<64xi32, #tpu.memory_space<vmem>>) semaphore(%arg9 : memref<!tpu.dma_semaphore, #tpu.memory_space<semaphore_mem>>)
    %mul3A_7 = arith.constant 256 : i32
    %mul3A_8 = arith.muli %add3A, %mul3A_7 : i32
    %add3A_9 = arith.constant 64 : i32
    %add3A_10 = arith.addi %mul3A_8, %add3A_9 : i32
    "tpu.region"() ({
      %run_scoped3A = tpu.sem_alloc : memref<!tpu.dma_semaphore, #tpu.memory_space<semaphore_mem>>
      %dma_start3A_87 = tpu.memref_slice %arg3[%add3A_10] : memref<8192xi32, #tpu.memory_space<hbm>> -> memref<64xi32, #tpu.memory_space<hbm>>
      %dma_start3A_88 = tpu.memref_slice %arg3[%add3A_10] : memref<8192xi32, #tpu.memory_space<hbm>> -> memref<64xi32, #tpu.memory_space<hbm>>
      tpu.enqueue_dma source(%dma_start3A_88 : memref<64xi32, #tpu.memory_space<hbm>>) target(%arg6 : memref<64xi32, #tpu.memory_space<vmem>>) target_semaphore(%run_scoped3A : memref<!tpu.dma_semaphore, #tpu.memory_space<semaphore_mem>>)
      %dma_wait3A_89 = tpu.memref_slice %arg3[%add3A_10] : memref<8192xi32, #tpu.memory_space<hbm>> -> memref<64xi32, #tpu.memory_space<hbm>>
      %dma_wait3A_90 = tpu.memref_slice %arg3[%add3A_10] : memref<8192xi32, #tpu.memory_space<hbm>> -> memref<64xi32, #tpu.memory_space<hbm>>
      tpu.wait_dma2 semaphore(%run_scoped3A : memref<!tpu.dma_semaphore, #tpu.memory_space<semaphore_mem>>) src(%dma_wait3A_90 : memref<64xi32, #tpu.memory_space<hbm>>) dst(%arg6 : memref<64xi32, #tpu.memory_space<vmem>>)
      tpu.yield
    }) : () -> ()
    %dma_start3A_11 = arith.constant 0 : i32
    %dma_start3A_12 = arith.constant 0 : i32
    %dma_start3A_13 = tpu.memref_slice %arg2[%dma_start3A_11, %dma_start3A_12] : memref<8192x768xf32, #tpu.memory_space<hbm>> -> memref<8192x768xf32, #tpu.memory_space<hbm>>
    tpu.enqueue_indirect_dma source(%dma_start3A_13 : memref<8192x768xf32, #tpu.memory_space<hbm>>) target(%arg8 : memref<64x768xf32, #tpu.memory_space<vmem>>) offsets(%arg6 : memref<64xi32, #tpu.memory_space<vmem>>) semaphore(%arg10 : memref<!tpu.dma_semaphore, #tpu.memory_space<semaphore_mem>>)
    %dma_wait3A = arith.constant 0 : i32
    %dma_wait3A_14 = arith.constant 0 : i32
    %dma_wait3A_15 = tpu.memref_slice %arg2[%dma_wait3A, %dma_wait3A_14] : memref<8192x768xf32, #tpu.memory_space<hbm>> -> memref<8192x768xf32, #tpu.memory_space<hbm>>
    tpu.wait_indirect_dma semaphore(%arg9 : memref<!tpu.dma_semaphore, #tpu.memory_space<semaphore_mem>>) src(%dma_wait3A_15 : memref<8192x768xf32, #tpu.memory_space<hbm>>) dst(%arg7 : memref<64x768xf32, #tpu.memory_space<vmem>>)
    %mul3A_16 = arith.constant 256 : i32
    %mul3A_17 = arith.muli %add3A, %mul3A_16 : i32
    %add3A_18 = arith.constant 0 : i32
    %add3A_19 = arith.addi %mul3A_17, %add3A_18 : i32
    %dma_start3A_20 = arith.constant 0 : i32
    %dma_start3A_21 = tpu.memref_slice %arg4[%add3A_19, %dma_start3A_20] : memref<8192x768xf32, #tpu.memory_space<hbm>> -> memref<64x768xf32, #tpu.memory_space<hbm>>
    %dma_start3A_22 = arith.constant 0 : i32
    %dma_start3A_23 = tpu.memref_slice %arg4[%add3A_19, %dma_start3A_22] : memref<8192x768xf32, #tpu.memory_space<hbm>> -> memref<64x768xf32, #tpu.memory_space<hbm>>
    tpu.enqueue_dma source(%arg7 : memref<64x768xf32, #tpu.memory_space<vmem>>) target(%dma_start3A_23 : memref<64x768xf32, #tpu.memory_space<hbm>>) target_semaphore(%arg11 : memref<!tpu.dma_semaphore, #tpu.memory_space<semaphore_mem>>)
    %dma_wait3A_24 = arith.constant 0 : i32
    %dma_wait3A_25 = tpu.memref_slice %arg4[%add3A_19, %dma_wait3A_24] : memref<8192x768xf32, #tpu.memory_space<hbm>> -> memref<64x768xf32, #tpu.memory_space<hbm>>
    %dma_wait3A_26 = arith.constant 0 : i32
    %dma_wait3A_27 = tpu.memref_slice %arg4[%add3A_19, %dma_wait3A_26] : memref<8192x768xf32, #tpu.memory_space<hbm>> -> memref<64x768xf32, #tpu.memory_space<hbm>>
    tpu.wait_dma2 semaphore(%arg11 : memref<!tpu.dma_semaphore, #tpu.memory_space<semaphore_mem>>) src(%arg7 : memref<64x768xf32, #tpu.memory_space<vmem>>) dst(%dma_wait3A_27 : memref<64x768xf32, #tpu.memory_space<hbm>>)
    %mul3A_28 = arith.constant 256 : i32
    %mul3A_29 = arith.muli %add3A, %mul3A_28 : i32
    %add3A_30 = arith.constant 128 : i32
    %add3A_31 = arith.addi %mul3A_29, %add3A_30 : i32
    "tpu.region"() ({
      %run_scoped3A = tpu.sem_alloc : memref<!tpu.dma_semaphore, #tpu.memory_space<semaphore_mem>>
      %dma_start3A_87 = tpu.memref_slice %arg3[%add3A_31] : memref<8192xi32, #tpu.memory_space<hbm>> -> memref<64xi32, #tpu.memory_space<hbm>>
      %dma_start3A_88 = tpu.memref_slice %arg3[%add3A_31] : memref<8192xi32, #tpu.memory_space<hbm>> -> memref<64xi32, #tpu.memory_space<hbm>>
      tpu.enqueue_dma source(%dma_start3A_88 : memref<64xi32, #tpu.memory_space<hbm>>) target(%arg5 : memref<64xi32, #tpu.memory_space<vmem>>) target_semaphore(%run_scoped3A : memref<!tpu.dma_semaphore, #tpu.memory_space<semaphore_mem>>)
      %dma_wait3A_89 = tpu.memref_slice %arg3[%add3A_31] : memref<8192xi32, #tpu.memory_space<hbm>> -> memref<64xi32, #tpu.memory_space<hbm>>
      %dma_wait3A_90 = tpu.memref_slice %arg3[%add3A_31] : memref<8192xi32, #tpu.memory_space<hbm>> -> memref<64xi32, #tpu.memory_space<hbm>>
      tpu.wait_dma2 semaphore(%run_scoped3A : memref<!tpu.dma_semaphore, #tpu.memory_space<semaphore_mem>>) src(%dma_wait3A_90 : memref<64xi32, #tpu.memory_space<hbm>>) dst(%arg5 : memref<64xi32, #tpu.memory_space<vmem>>)
      tpu.yield
    }) : () -> ()
    %dma_start3A_32 = arith.constant 0 : i32
    %dma_start3A_33 = arith.constant 0 : i32
    %dma_start3A_34 = tpu.memref_slice %arg2[%dma_start3A_32, %dma_start3A_33] : memref<8192x768xf32, #tpu.memory_space<hbm>> -> memref<8192x768xf32, #tpu.memory_space<hbm>>
    tpu.enqueue_indirect_dma source(%dma_start3A_34 : memref<8192x768xf32, #tpu.memory_space<hbm>>) target(%arg7 : memref<64x768xf32, #tpu.memory_space<vmem>>) offsets(%arg5 : memref<64xi32, #tpu.memory_space<vmem>>) semaphore(%arg9 : memref<!tpu.dma_semaphore, #tpu.memory_space<semaphore_mem>>)
    %dma_wait3A_35 = arith.constant 0 : i32
    %dma_wait3A_36 = arith.constant 0 : i32
    %dma_wait3A_37 = tpu.memref_slice %arg2[%dma_wait3A_35, %dma_wait3A_36] : memref<8192x768xf32, #tpu.memory_space<hbm>> -> memref<8192x768xf32, #tpu.memory_space<hbm>>
    tpu.wait_indirect_dma semaphore(%arg10 : memref<!tpu.dma_semaphore, #tpu.memory_space<semaphore_mem>>) src(%dma_wait3A_37 : memref<8192x768xf32, #tpu.memory_space<hbm>>) dst(%arg8 : memref<64x768xf32, #tpu.memory_space<vmem>>)
    %mul3A_38 = arith.constant 256 : i32
    %mul3A_39 = arith.muli %add3A, %mul3A_38 : i32
    %add3A_40 = arith.constant 64 : i32
    %add3A_41 = arith.addi %mul3A_39, %add3A_40 : i32
    %dma_start3A_42 = arith.constant 0 : i32
    %dma_start3A_43 = tpu.memref_slice %arg4[%add3A_41, %dma_start3A_42] : memref<8192x768xf32, #tpu.memory_space<hbm>> -> memref<64x768xf32, #tpu.memory_space<hbm>>
    %dma_start3A_44 = arith.constant 0 : i32
    %dma_start3A_45 = tpu.memref_slice %arg4[%add3A_41, %dma_start3A_44] : memref<8192x768xf32, #tpu.memory_space<hbm>> -> memref<64x768xf32, #tpu.memory_space<hbm>>
    tpu.enqueue_dma source(%arg8 : memref<64x768xf32, #tpu.memory_space<vmem>>) target(%dma_start3A_45 : memref<64x768xf32, #tpu.memory_space<hbm>>) target_semaphore(%arg12 : memref<!tpu.dma_semaphore, #tpu.memory_space<semaphore_mem>>)
    %dma_wait3A_46 = arith.constant 0 : i32
    %dma_wait3A_47 = tpu.memref_slice %arg4[%add3A_41, %dma_wait3A_46] : memref<8192x768xf32, #tpu.memory_space<hbm>> -> memref<64x768xf32, #tpu.memory_space<hbm>>
    %dma_wait3A_48 = arith.constant 0 : i32
    %dma_wait3A_49 = tpu.memref_slice %arg4[%add3A_41, %dma_wait3A_48] : memref<8192x768xf32, #tpu.memory_space<hbm>> -> memref<64x768xf32, #tpu.memory_space<hbm>>
    tpu.wait_dma2 semaphore(%arg12 : memref<!tpu.dma_semaphore, #tpu.memory_space<semaphore_mem>>) src(%arg8 : memref<64x768xf32, #tpu.memory_space<vmem>>) dst(%dma_wait3A_49 : memref<64x768xf32, #tpu.memory_space<hbm>>)
    %mul3A_50 = arith.constant 256 : i32
    %mul3A_51 = arith.muli %add3A, %mul3A_50 : i32
    %add3A_52 = arith.constant 192 : i32
    %add3A_53 = arith.addi %mul3A_51, %add3A_52 : i32
    "tpu.region"() ({
      %run_scoped3A = tpu.sem_alloc : memref<!tpu.dma_semaphore, #tpu.memory_space<semaphore_mem>>
      %dma_start3A_87 = tpu.memref_slice %arg3[%add3A_53] : memref<8192xi32, #tpu.memory_space<hbm>> -> memref<64xi32, #tpu.memory_space<hbm>>
      %dma_start3A_88 = tpu.memref_slice %arg3[%add3A_53] : memref<8192xi32, #tpu.memory_space<hbm>> -> memref<64xi32, #tpu.memory_space<hbm>>
      tpu.enqueue_dma source(%dma_start3A_88 : memref<64xi32, #tpu.memory_space<hbm>>) target(%arg6 : memref<64xi32, #tpu.memory_space<vmem>>) target_semaphore(%run_scoped3A : memref<!tpu.dma_semaphore, #tpu.memory_space<semaphore_mem>>)
      %dma_wait3A_89 = tpu.memref_slice %arg3[%add3A_53] : memref<8192xi32, #tpu.memory_space<hbm>> -> memref<64xi32, #tpu.memory_space<hbm>>
      %dma_wait3A_90 = tpu.memref_slice %arg3[%add3A_53] : memref<8192xi32, #tpu.memory_space<hbm>> -> memref<64xi32, #tpu.memory_space<hbm>>
      tpu.wait_dma2 semaphore(%run_scoped3A : memref<!tpu.dma_semaphore, #tpu.memory_space<semaphore_mem>>) src(%dma_wait3A_90 : memref<64xi32, #tpu.memory_space<hbm>>) dst(%arg6 : memref<64xi32, #tpu.memory_space<vmem>>)
      tpu.yield
    }) : () -> ()
    %dma_start3A_54 = arith.constant 0 : i32
    %dma_start3A_55 = arith.constant 0 : i32
    %dma_start3A_56 = tpu.memref_slice %arg2[%dma_start3A_54, %dma_start3A_55] : memref<8192x768xf32, #tpu.memory_space<hbm>> -> memref<8192x768xf32, #tpu.memory_space<hbm>>
    tpu.enqueue_indirect_dma source(%dma_start3A_56 : memref<8192x768xf32, #tpu.memory_space<hbm>>) target(%arg8 : memref<64x768xf32, #tpu.memory_space<vmem>>) offsets(%arg6 : memref<64xi32, #tpu.memory_space<vmem>>) semaphore(%arg10 : memref<!tpu.dma_semaphore, #tpu.memory_space<semaphore_mem>>)
    %dma_wait3A_57 = arith.constant 0 : i32
    %dma_wait3A_58 = arith.constant 0 : i32
    %dma_wait3A_59 = tpu.memref_slice %arg2[%dma_wait3A_57, %dma_wait3A_58] : memref<8192x768xf32, #tpu.memory_space<hbm>> -> memref<8192x768xf32, #tpu.memory_space<hbm>>
    tpu.wait_indirect_dma semaphore(%arg9 : memref<!tpu.dma_semaphore, #tpu.memory_space<semaphore_mem>>) src(%dma_wait3A_59 : memref<8192x768xf32, #tpu.memory_space<hbm>>) dst(%arg7 : memref<64x768xf32, #tpu.memory_space<vmem>>)
    %mul3A_60 = arith.constant 256 : i32
    %mul3A_61 = arith.muli %add3A, %mul3A_60 : i32
    %add3A_62 = arith.constant 128 : i32
    %add3A_63 = arith.addi %mul3A_61, %add3A_62 : i32
    %dma_start3A_64 = arith.constant 0 : i32
    %dma_start3A_65 = tpu.memref_slice %arg4[%add3A_63, %dma_start3A_64] : memref<8192x768xf32, #tpu.memory_space<hbm>> -> memref<64x768xf32, #tpu.memory_space<hbm>>
    %dma_start3A_66 = arith.constant 0 : i32
    %dma_start3A_67 = tpu.memref_slice %arg4[%add3A_63, %dma_start3A_66] : memref<8192x768xf32, #tpu.memory_space<hbm>> -> memref<64x768xf32, #tpu.memory_space<hbm>>
    tpu.enqueue_dma source(%arg7 : memref<64x768xf32, #tpu.memory_space<vmem>>) target(%dma_start3A_67 : memref<64x768xf32, #tpu.memory_space<hbm>>) target_semaphore(%arg11 : memref<!tpu.dma_semaphore, #tpu.memory_space<semaphore_mem>>)
    %dma_wait3A_68 = arith.constant 0 : i32
    %dma_wait3A_69 = arith.constant 0 : i32
    %dma_wait3A_70 = tpu.memref_slice %arg2[%dma_wait3A_68, %dma_wait3A_69] : memref<8192x768xf32, #tpu.memory_space<hbm>> -> memref<8192x768xf32, #tpu.memory_space<hbm>>
    tpu.wait_indirect_dma semaphore(%arg10 : memref<!tpu.dma_semaphore, #tpu.memory_space<semaphore_mem>>) src(%dma_wait3A_70 : memref<8192x768xf32, #tpu.memory_space<hbm>>) dst(%arg8 : memref<64x768xf32, #tpu.memory_space<vmem>>)
    %mul3A_71 = arith.constant 256 : i32
    %mul3A_72 = arith.muli %add3A, %mul3A_71 : i32
    %add3A_73 = arith.constant 192 : i32
    %add3A_74 = arith.addi %mul3A_72, %add3A_73 : i32
    %dma_start3A_75 = arith.constant 0 : i32
    %dma_start3A_76 = tpu.memref_slice %arg4[%add3A_74, %dma_start3A_75] : memref<8192x768xf32, #tpu.memory_space<hbm>> -> memref<64x768xf32, #tpu.memory_space<hbm>>
    %dma_start3A_77 = arith.constant 0 : i32
    %dma_start3A_78 = tpu.memref_slice %arg4[%add3A_74, %dma_start3A_77] : memref<8192x768xf32, #tpu.memory_space<hbm>> -> memref<64x768xf32, #tpu.memory_space<hbm>>
    tpu.enqueue_dma source(%arg8 : memref<64x768xf32, #tpu.memory_space<vmem>>) target(%dma_start3A_78 : memref<64x768xf32, #tpu.memory_space<hbm>>) target_semaphore(%arg12 : memref<!tpu.dma_semaphore, #tpu.memory_space<semaphore_mem>>)
    %dma_wait3A_79 = arith.constant 0 : i32
    %dma_wait3A_80 = tpu.memref_slice %arg4[%add3A_63, %dma_wait3A_79] : memref<8192x768xf32, #tpu.memory_space<hbm>> -> memref<64x768xf32, #tpu.memory_space<hbm>>
    %dma_wait3A_81 = arith.constant 0 : i32
    %dma_wait3A_82 = tpu.memref_slice %arg4[%add3A_63, %dma_wait3A_81] : memref<8192x768xf32, #tpu.memory_space<hbm>> -> memref<64x768xf32, #tpu.memory_space<hbm>>
    tpu.wait_dma2 semaphore(%arg11 : memref<!tpu.dma_semaphore, #tpu.memory_space<semaphore_mem>>) src(%arg7 : memref<64x768xf32, #tpu.memory_space<vmem>>) dst(%dma_wait3A_82 : memref<64x768xf32, #tpu.memory_space<hbm>>)
    %dma_wait3A_83 = arith.constant 0 : i32
    %dma_wait3A_84 = tpu.memref_slice %arg4[%add3A_74, %dma_wait3A_83] : memref<8192x768xf32, #tpu.memory_space<hbm>> -> memref<64x768xf32, #tpu.memory_space<hbm>>
    %dma_wait3A_85 = arith.constant 0 : i32
    %dma_wait3A_86 = tpu.memref_slice %arg4[%add3A_74, %dma_wait3A_85] : memref<8192x768xf32, #tpu.memory_space<hbm>> -> memref<64x768xf32, #tpu.memory_space<hbm>>
    tpu.wait_dma2 semaphore(%arg12 : memref<!tpu.dma_semaphore, #tpu.memory_space<semaphore_mem>>) src(%arg8 : memref<64x768xf32, #tpu.memory_space<vmem>>) dst(%dma_wait3A_86 : memref<64x768xf32, #tpu.memory_space<hbm>>)
    return
  }
}

#map = affine_map<(d0, d1) -> (0, 0)>
#map1 = affine_map<(d0, d1) -> (0)>
module attributes {stable_mosaic.version = 14 : i64} {
  func.func @k(%arg0: i32, %arg1: i32, %arg2: memref<8192x768xf32, #tpu.memory_space<hbm>>, %arg3: memref<16384xf32, #tpu.memory_space<hbm>>, %arg4: memref<8192x768xf32, #tpu.memory_space<hbm>>, %arg5: memref<8192xi32, #tpu.memory_space<hbm>>, %arg6: memref<4x96xi32, #tpu.memory_space<hbm>>, %arg7: memref<16384xf32, #tpu.memory_space<vmem>>, %arg8: memref<8192xi32, #tpu.memory_space<vmem>>, %arg9: memref<256xi32, #tpu.memory_space<vmem>>, %arg10: memref<64xi32, #tpu.memory_space<vmem>>, %arg11: memref<64xi32, #tpu.memory_space<vmem>>, %arg12: memref<64x768xf32, #tpu.memory_space<vmem>>, %arg13: memref<64x768xf32, #tpu.memory_space<vmem>>, %arg14: memref<16xi32, #tpu.memory_space<vmem>>, %arg15: memref<16xi32, #tpu.memory_space<vmem>>, %arg16: memref<64xi32, #tpu.memory_space<vmem>>, %arg17: memref<64xi32, #tpu.memory_space<vmem>>, %arg18: memref<64xi32, #tpu.memory_space<vmem>>, %arg19: memref<64xi32, #tpu.memory_space<vmem>>, %arg20: memref<64xi32, #tpu.memory_space<vmem>>, %arg21: memref<64xi32, #tpu.memory_space<vmem>>, %arg22: memref<96xi32, #tpu.memory_space<vmem>>, %arg23: memref<96xi32, #tpu.memory_space<vmem>>, %arg24: memref<96xi32, #tpu.memory_space<vmem>>, %arg25: memref<96xi32, #tpu.memory_space<vmem>>, %arg26: memref<!tpu.dma_semaphore, #tpu.memory_space<semaphore_mem>>, %arg27: memref<!tpu.dma_semaphore, #tpu.memory_space<semaphore_mem>>, %arg28: memref<!tpu.dma_semaphore, #tpu.memory_space<semaphore_mem>>, %arg29: memref<!tpu.dma_semaphore, #tpu.memory_space<semaphore_mem>>) attributes {dimension_semantics = [#tpu.dimension_semantics<core_parallel>, #tpu.dimension_semantics<subcore_parallel>], iteration_bounds = array<i64: 2, 16>, scalar_prefetch = 0 : i64, scratch_operands = 23 : i64, tpu.core_type = #tpu.core_type<sc_vector_subcore>, window_params = [{transform_indices = #map}, {transform_indices = #map1}, {transform_indices = #map}, {transform_indices = #map1}, {transform_indices = #map}]} {
    %mul3A = arith.constant 2 : i32
    %mul3A_0 = arith.muli %arg1, %mul3A : i32
    %add3A = arith.addi %mul3A_0, %arg0 : i32
    %iota3A = tpu.iota {dimensions = array<i32: 0>} : vector<16xi32>
    "tpu.region"() ({
      %run_scoped3A = tpu.sem_alloc : memref<!tpu.dma_semaphore, #tpu.memory_space<semaphore_mem>>
      tpu.enqueue_dma source(%arg3 : memref<16384xf32, #tpu.memory_space<hbm>>) target(%arg7 : memref<16384xf32, #tpu.memory_space<vmem>>) target_semaphore(%run_scoped3A : memref<!tpu.dma_semaphore, #tpu.memory_space<semaphore_mem>>)
      tpu.wait_dma2 semaphore(%run_scoped3A : memref<!tpu.dma_semaphore, #tpu.memory_space<semaphore_mem>>) src(%arg3 : memref<16384xf32, #tpu.memory_space<hbm>>) dst(%arg7 : memref<16384xf32, #tpu.memory_space<vmem>>)
      tpu.yield
    }) : () -> ()
    %broadcast_in_dim3A = arith.constant 0 : i32
    %broadcast_in_dim3A_1 = vector.broadcast %broadcast_in_dim3A : i32 to vector<16xi32>
    %broadcast_in_dim3A_2 = arith.constant 1 : i32
    %broadcast_in_dim3A_3 = vector.broadcast %broadcast_in_dim3A_2 : i32 to vector<16xi32>
    %swap3A = arith.constant 0 : index
    %swap3A_4 = tpu.vector_load %arg16[%swap3A] {strides = array<i32>} : memref<64xi32, #tpu.memory_space<vmem>>, vector<16xi32>,
    tpu.vector_store %arg16[%swap3A], %broadcast_in_dim3A_1 {strides = array<i32>} : memref<64xi32, #tpu.memory_space<vmem>>, vector<16xi32>,
    %swap3A_5 = arith.constant 0 : index
    %swap3A_6 = tpu.vector_load %arg17[%swap3A_5] {strides = array<i32>} : memref<64xi32, #tpu.memory_space<vmem>>, vector<16xi32>,
    tpu.vector_store %arg17[%swap3A_5], %broadcast_in_dim3A_1 {strides = array<i32>} : memref<64xi32, #tpu.memory_space<vmem>>, vector<16xi32>,
    %swap3A_7 = arith.constant 16 : index
    %swap3A_8 = tpu.vector_load %arg16[%swap3A_7] {strides = array<i32>} : memref<64xi32, #tpu.memory_space<vmem>>, vector<16xi32>,
    tpu.vector_store %arg16[%swap3A_7], %broadcast_in_dim3A_1 {strides = array<i32>} : memref<64xi32, #tpu.memory_space<vmem>>, vector<16xi32>,
    %swap3A_9 = arith.constant 16 : index
    %swap3A_10 = tpu.vector_load %arg17[%swap3A_9] {strides = array<i32>} : memref<64xi32, #tpu.memory_space<vmem>>, vector<16xi32>,
    tpu.vector_store %arg17[%swap3A_9], %broadcast_in_dim3A_1 {strides = array<i32>} : memref<64xi32, #tpu.memory_space<vmem>>, vector<16xi32>,
    %swap3A_11 = arith.constant 32 : index
    %swap3A_12 = tpu.vector_load %arg16[%swap3A_11] {strides = array<i32>} : memref<64xi32, #tpu.memory_space<vmem>>, vector<16xi32>,
    tpu.vector_store %arg16[%swap3A_11], %broadcast_in_dim3A_1 {strides = array<i32>} : memref<64xi32, #tpu.memory_space<vmem>>, vector<16xi32>,
    %swap3A_13 = arith.constant 32 : index
    %swap3A_14 = tpu.vector_load %arg17[%swap3A_13] {strides = array<i32>} : memref<64xi32, #tpu.memory_space<vmem>>, vector<16xi32>,
    tpu.vector_store %arg17[%swap3A_13], %broadcast_in_dim3A_1 {strides = array<i32>} : memref<64xi32, #tpu.memory_space<vmem>>, vector<16xi32>,
    %swap3A_15 = arith.constant 48 : index
    %swap3A_16 = tpu.vector_load %arg16[%swap3A_15] {strides = array<i32>} : memref<64xi32, #tpu.memory_space<vmem>>, vector<16xi32>,
    tpu.vector_store %arg16[%swap3A_15], %broadcast_in_dim3A_1 {strides = array<i32>} : memref<64xi32, #tpu.memory_space<vmem>>, vector<16xi32>,
    %swap3A_17 = arith.constant 48 : index
    %swap3A_18 = tpu.vector_load %arg17[%swap3A_17] {strides = array<i32>} : memref<64xi32, #tpu.memory_space<vmem>>, vector<16xi32>,
    tpu.vector_store %arg17[%swap3A_17], %broadcast_in_dim3A_1 {strides = array<i32>} : memref<64xi32, #tpu.memory_space<vmem>>, vector<16xi32>,
    %mul3A_19 = arith.constant 16 : i32
    %mul3A_20 = arith.muli %add3A, %mul3A_19 : i32
    %scan3A = arith.constant 0 : i32
    %scan3A_21 = arith.constant 0 : i32
    %scan3A_22 = arith.constant 512 : i32
    %scan3A_23 = arith.addi %scan3A_21, %scan3A_22 : i32
    %scan3A_24 = arith.constant 1 : i32
    %scan3A_25 = scf.for %scan3A_250 = %scan3A_21 to %scan3A_23 step %scan3A_24 iter_args(%scan3A_251 = %scan3A) -> (i32)  : i32 {
      %mul3A_252 = arith.constant 16 : i32
      %mul3A_253 = arith.muli %scan3A_250, %mul3A_252 : i32
      %add3A_254 = vector.broadcast %mul3A_253 : i32 to vector<16xi32>
      %add3A_255 = arith.addi %add3A_254, %iota3A : vector<16xi32>
      %mul3A_256 = arith.constant 2 : i32
      %mul3A_257 = vector.broadcast %mul3A_256 : i32 to vector<16xi32>
      %mul3A_258 = arith.muli %add3A_255, %mul3A_257 : vector<16xi32>
      %gather3A = tpu.vector_load_idx %arg7[%mul3A_258] : memref<16384xf32, #tpu.memory_space<vmem>>[vector<16xi32>], vector<16xf32>,
      %add3A_259 = arith.constant 1 : i32
      %add3A_260 = vector.broadcast %add3A_259 : i32 to vector<16xi32>
      %add3A_261 = arith.addi %mul3A_258, %add3A_260 : vector<16xi32>
      %gather3A_262 = tpu.vector_load_idx %arg7[%add3A_261] : memref<16384xf32, #tpu.memory_space<vmem>>[vector<16xi32>], vector<16xf32>,
      %mul3A_263 = arith.constant 1.600000e+01 : f32
      %mul3A_264 = vector.broadcast %mul3A_263 : f32 to vector<16xf32>
      %mul3A_265 = arith.mulf %gather3A, %mul3A_264 : vector<16xf32>
      %add3A_266 = arith.constant 5.000000e-01 : f32
      %add3A_267 = vector.broadcast %add3A_266 : f32 to vector<16xf32>
      %add3A_268 = arith.addf %mul3A_265, %add3A_267 : vector<16xf32>
      %convert_element_type3A_269 = arith.fptosi %add3A_268 : vector<16xf32> to vector<16xi32>
      %convert_element_type3A_270 = arith.sitofp %convert_element_type3A_269 : vector<16xi32> to vector<16xf32>
      %gt3A = arith.cmpf ogt, %convert_element_type3A_270, %add3A_268 : vector<16xf32>
      %convert_element_type3A_271 = arith.extui %gt3A : vector<16xi1> to vector<16xi32>
      %sub3A_272 = arith.subi %convert_element_type3A_269, %convert_element_type3A_271 : vector<16xi32>
      %and3A = arith.constant 7 : i32
      %and3A_273 = vector.broadcast %and3A : i32 to vector<16xi32>
      %and3A_274 = arith.andi %sub3A_272, %and3A_273 : vector<16xi32>
      %mul3A_275 = arith.constant 1.600000e+01 : f32
      %mul3A_276 = vector.broadcast %mul3A_275 : f32 to vector<16xf32>
      %mul3A_277 = arith.mulf %gather3A_262, %mul3A_276 : vector<16xf32>
      %add3A_278 = arith.constant 5.000000e-01 : f32
      %add3A_279 = vector.broadcast %add3A_278 : f32 to vector<16xf32>
      %add3A_280 = arith.addf %mul3A_277, %add3A_279 : vector<16xf32>
      %convert_element_type3A_281 = arith.fptosi %add3A_280 : vector<16xf32> to vector<16xi32>
      %convert_element_type3A_282 = arith.sitofp %convert_element_type3A_281 : vector<16xi32> to vector<16xf32>
      %gt3A_283 = arith.cmpf ogt, %convert_element_type3A_282, %add3A_280 : vector<16xf32>
      %convert_element_type3A_284 = arith.extui %gt3A_283 : vector<16xi1> to vector<16xi32>
      %sub3A_285 = arith.subi %convert_element_type3A_281, %convert_element_type3A_284 : vector<16xi32>
      %and3A_286 = arith.constant 7 : i32
      %and3A_287 = vector.broadcast %and3A_286 : i32 to vector<16xi32>
      %and3A_288 = arith.andi %sub3A_285, %and3A_287 : vector<16xi32>
      %mul3A_289 = arith.constant 8 : i32
      %mul3A_290 = vector.broadcast %mul3A_289 : i32 to vector<16xi32>
      %mul3A_291 = arith.muli %and3A_274, %mul3A_290 : vector<16xi32>
      %add3A_292 = arith.addi %mul3A_291, %and3A_288 : vector<16xi32>
      %mul3A_293 = arith.constant 16 : i32
      %mul3A_294 = arith.muli %scan3A_250, %mul3A_293 : i32
      %swap3A_295 = arith.index_cast %mul3A_294 : i32 to index
      %swap3A_296 = tpu.vector_load %arg8[%swap3A_295] {strides = array<i32>} : memref<8192xi32, #tpu.memory_space<vmem>>, vector<16xi32>,
      tpu.vector_store %arg8[%swap3A_295], %add3A_292 {strides = array<i32>} : memref<8192xi32, #tpu.memory_space<vmem>>, vector<16xi32>,
      tpu.vector_store_idx %arg16[%add3A_292], %broadcast_in_dim3A_3 {add = true} : memref<64xi32, #tpu.memory_space<vmem>>[vector<16xi32>], vector<16xi32>,
      %lt3A = arith.cmpi slt, %scan3A_250, %mul3A_20 : i32
      %broadcast_in_dim3A_297 = vector.broadcast %lt3A : i1 to vector<16xi1>
      tpu.vector_store_idx %arg17[%add3A_292], %broadcast_in_dim3A_3 masked %broadcast_in_dim3A_297 {add = true} : memref<64xi32, #tpu.memory_space<vmem>>[vector<16xi32>], vector<16xi32>, vector<16xi1>
      %scan3A_298 = arith.constant 0 : i32
      scf.yield %scan3A_298 : i32
    }
    %scan3A_26 = arith.constant 512 : i32
    %get3A = arith.constant 0 : index
    %get3A_27 = tpu.vector_load %arg16[%get3A] {strides = array<i32>} : memref<64xi32, #tpu.memory_space<vmem>>, vector<16xi32>,
    %broadcast_in_dim3A_28 = arith.constant true
    %broadcast_in_dim3A_29 = vector.broadcast %broadcast_in_dim3A_28 : i1 to vector<16xi1>
    %masked_cumsum3A = tpu.scan <sum>, %get3A_27 masked %broadcast_in_dim3A_29 : vector<16xi32>, vector<16xi1> -> vector<16xi32>
    %sub3A = arith.subi %masked_cumsum3A, %get3A_27 : vector<16xi32>
    %add3A_30 = arith.constant 0 : i32
    %add3A_31 = vector.broadcast %add3A_30 : i32 to vector<16xi32>
    %add3A_32 = arith.addi %sub3A, %add3A_31 : vector<16xi32>
    %reduce_sum3A = arith.constant true
    %reduce_sum3A_33 = vector.broadcast %reduce_sum3A : i1 to vector<16xi1>
    %reduce_sum3A_34 = tpu.scan <sum>, %get3A_27 masked %reduce_sum3A_33 : vector<16xi32>, vector<16xi1> -> vector<16xi32>
    %reduce_sum3A_35 = vector.extract %reduce_sum3A_34[15] : i32 from vector<16xi32>
    %add3A_36 = arith.constant 0 : i32
    %add3A_37 = arith.addi %add3A_36, %reduce_sum3A_35 : i32
    %swap3A_38 = arith.constant 0 : index
    %swap3A_39 = tpu.vector_load %arg19[%swap3A_38] {strides = array<i32>} : memref<64xi32, #tpu.memory_space<vmem>>, vector<16xi32>,
    tpu.vector_store %arg19[%swap3A_38], %add3A_32 {strides = array<i32>} : memref<64xi32, #tpu.memory_space<vmem>>, vector<16xi32>,
    %get3A_40 = arith.constant 0 : index
    %get3A_41 = tpu.vector_load %arg17[%get3A_40] {strides = array<i32>} : memref<64xi32, #tpu.memory_space<vmem>>, vector<16xi32>,
    %add3A_42 = arith.addi %add3A_32, %get3A_41 : vector<16xi32>
    %swap3A_43 = arith.constant 0 : index
    %swap3A_44 = tpu.vector_load %arg18[%swap3A_43] {strides = array<i32>} : memref<64xi32, #tpu.memory_space<vmem>>, vector<16xi32>,
    tpu.vector_store %arg18[%swap3A_43], %add3A_42 {strides = array<i32>} : memref<64xi32, #tpu.memory_space<vmem>>, vector<16xi32>,
    %get3A_45 = arith.constant 16 : index
    %get3A_46 = tpu.vector_load %arg16[%get3A_45] {strides = array<i32>} : memref<64xi32, #tpu.memory_space<vmem>>, vector<16xi32>,
    %broadcast_in_dim3A_47 = arith.constant true
    %broadcast_in_dim3A_48 = vector.broadcast %broadcast_in_dim3A_47 : i1 to vector<16xi1>
    %masked_cumsum3A_49 = tpu.scan <sum>, %get3A_46 masked %broadcast_in_dim3A_48 : vector<16xi32>, vector<16xi1> -> vector<16xi32>
    %sub3A_50 = arith.subi %masked_cumsum3A_49, %get3A_46 : vector<16xi32>
    %add3A_51 = vector.broadcast %add3A_37 : i32 to vector<16xi32>
    %add3A_52 = arith.addi %sub3A_50, %add3A_51 : vector<16xi32>
    %reduce_sum3A_53 = arith.constant true
    %reduce_sum3A_54 = vector.broadcast %reduce_sum3A_53 : i1 to vector<16xi1>
    %reduce_sum3A_55 = tpu.scan <sum>, %get3A_46 masked %reduce_sum3A_54 : vector<16xi32>, vector<16xi1> -> vector<16xi32>
    %reduce_sum3A_56 = vector.extract %reduce_sum3A_55[15] : i32 from vector<16xi32>
    %add3A_57 = arith.addi %add3A_37, %reduce_sum3A_56 : i32
    %swap3A_58 = arith.constant 16 : index
    %swap3A_59 = tpu.vector_load %arg19[%swap3A_58] {strides = array<i32>} : memref<64xi32, #tpu.memory_space<vmem>>, vector<16xi32>,
    tpu.vector_store %arg19[%swap3A_58], %add3A_52 {strides = array<i32>} : memref<64xi32, #tpu.memory_space<vmem>>, vector<16xi32>,
    %get3A_60 = arith.constant 16 : index
    %get3A_61 = tpu.vector_load %arg17[%get3A_60] {strides = array<i32>} : memref<64xi32, #tpu.memory_space<vmem>>, vector<16xi32>,
    %add3A_62 = arith.addi %add3A_52, %get3A_61 : vector<16xi32>
    %swap3A_63 = arith.constant 16 : index
    %swap3A_64 = tpu.vector_load %arg18[%swap3A_63] {strides = array<i32>} : memref<64xi32, #tpu.memory_space<vmem>>, vector<16xi32>,
    tpu.vector_store %arg18[%swap3A_63], %add3A_62 {strides = array<i32>} : memref<64xi32, #tpu.memory_space<vmem>>, vector<16xi32>,
    %get3A_65 = arith.constant 32 : index
    %get3A_66 = tpu.vector_load %arg16[%get3A_65] {strides = array<i32>} : memref<64xi32, #tpu.memory_space<vmem>>, vector<16xi32>,
    %broadcast_in_dim3A_67 = arith.constant true
    %broadcast_in_dim3A_68 = vector.broadcast %broadcast_in_dim3A_67 : i1 to vector<16xi1>
    %masked_cumsum3A_69 = tpu.scan <sum>, %get3A_66 masked %broadcast_in_dim3A_68 : vector<16xi32>, vector<16xi1> -> vector<16xi32>
    %sub3A_70 = arith.subi %masked_cumsum3A_69, %get3A_66 : vector<16xi32>
    %add3A_71 = vector.broadcast %add3A_57 : i32 to vector<16xi32>
    %add3A_72 = arith.addi %sub3A_70, %add3A_71 : vector<16xi32>
    %reduce_sum3A_73 = arith.constant true
    %reduce_sum3A_74 = vector.broadcast %reduce_sum3A_73 : i1 to vector<16xi1>
    %reduce_sum3A_75 = tpu.scan <sum>, %get3A_66 masked %reduce_sum3A_74 : vector<16xi32>, vector<16xi1> -> vector<16xi32>
    %reduce_sum3A_76 = vector.extract %reduce_sum3A_75[15] : i32 from vector<16xi32>
    %add3A_77 = arith.addi %add3A_57, %reduce_sum3A_76 : i32
    %swap3A_78 = arith.constant 32 : index
    %swap3A_79 = tpu.vector_load %arg19[%swap3A_78] {strides = array<i32>} : memref<64xi32, #tpu.memory_space<vmem>>, vector<16xi32>,
    tpu.vector_store %arg19[%swap3A_78], %add3A_72 {strides = array<i32>} : memref<64xi32, #tpu.memory_space<vmem>>, vector<16xi32>,
    %get3A_80 = arith.constant 32 : index
    %get3A_81 = tpu.vector_load %arg17[%get3A_80] {strides = array<i32>} : memref<64xi32, #tpu.memory_space<vmem>>, vector<16xi32>,
    %add3A_82 = arith.addi %add3A_72, %get3A_81 : vector<16xi32>
    %swap3A_83 = arith.constant 32 : index
    %swap3A_84 = tpu.vector_load %arg18[%swap3A_83] {strides = array<i32>} : memref<64xi32, #tpu.memory_space<vmem>>, vector<16xi32>,
    tpu.vector_store %arg18[%swap3A_83], %add3A_82 {strides = array<i32>} : memref<64xi32, #tpu.memory_space<vmem>>, vector<16xi32>,
    %get3A_85 = arith.constant 48 : index
    %get3A_86 = tpu.vector_load %arg16[%get3A_85] {strides = array<i32>} : memref<64xi32, #tpu.memory_space<vmem>>, vector<16xi32>,
    %broadcast_in_dim3A_87 = arith.constant true
    %broadcast_in_dim3A_88 = vector.broadcast %broadcast_in_dim3A_87 : i1 to vector<16xi1>
    %masked_cumsum3A_89 = tpu.scan <sum>, %get3A_86 masked %broadcast_in_dim3A_88 : vector<16xi32>, vector<16xi1> -> vector<16xi32>
    %sub3A_90 = arith.subi %masked_cumsum3A_89, %get3A_86 : vector<16xi32>
    %add3A_91 = vector.broadcast %add3A_77 : i32 to vector<16xi32>
    %add3A_92 = arith.addi %sub3A_90, %add3A_91 : vector<16xi32>
    %reduce_sum3A_93 = arith.constant true
    %reduce_sum3A_94 = vector.broadcast %reduce_sum3A_93 : i1 to vector<16xi1>
    %reduce_sum3A_95 = tpu.scan <sum>, %get3A_86 masked %reduce_sum3A_94 : vector<16xi32>, vector<16xi1> -> vector<16xi32>
    %reduce_sum3A_96 = vector.extract %reduce_sum3A_95[15] : i32 from vector<16xi32>
    %add3A_97 = arith.addi %add3A_77, %reduce_sum3A_96 : i32
    %swap3A_98 = arith.constant 48 : index
    %swap3A_99 = tpu.vector_load %arg19[%swap3A_98] {strides = array<i32>} : memref<64xi32, #tpu.memory_space<vmem>>, vector<16xi32>,
    tpu.vector_store %arg19[%swap3A_98], %add3A_92 {strides = array<i32>} : memref<64xi32, #tpu.memory_space<vmem>>, vector<16xi32>,
    %get3A_100 = arith.constant 48 : index
    %get3A_101 = tpu.vector_load %arg17[%get3A_100] {strides = array<i32>} : memref<64xi32, #tpu.memory_space<vmem>>, vector<16xi32>,
    %add3A_102 = arith.addi %add3A_92, %get3A_101 : vector<16xi32>
    %swap3A_103 = arith.constant 48 : index
    %swap3A_104 = tpu.vector_load %arg18[%swap3A_103] {strides = array<i32>} : memref<64xi32, #tpu.memory_space<vmem>>, vector<16xi32>,
    tpu.vector_store %arg18[%swap3A_103], %add3A_102 {strides = array<i32>} : memref<64xi32, #tpu.memory_space<vmem>>, vector<16xi32>,
    %scan3A_105 = arith.constant 0 : i32
    %scan3A_106 = arith.constant 0 : i32
    %scan3A_107 = arith.constant 16 : i32
    %scan3A_108 = arith.addi %scan3A_106, %scan3A_107 : i32
    %scan3A_109 = arith.constant 1 : i32
    %scan3A_110 = scf.for %scan3A_250 = %scan3A_106 to %scan3A_108 step %scan3A_109 iter_args(%scan3A_251 = %scan3A_105) -> (i32)  : i32 {
      %add3A_252 = arith.addi %mul3A_20, %scan3A_250 : i32
      %mul3A_253 = arith.constant 16 : i32
      %mul3A_254 = arith.muli %add3A_252, %mul3A_253 : i32
      %get3A_255 = arith.index_cast %mul3A_254 : i32 to index
      %get3A_256 = tpu.vector_load %arg8[%get3A_255] {strides = array<i32>} : memref<8192xi32, #tpu.memory_space<vmem>>, vector<16xi32>,
      %masked_sort3A = arith.constant dense<true> : vector<16xi1>
      %masked_sort3A_257 = arith.constant -2147483648 : i32
      %masked_sort3A_258 = vector.broadcast %masked_sort3A_257 : i32 to vector<16xi32>
      %masked_sort3A_259 = arith.xori %get3A_256, %masked_sort3A_258 : vector<16xi32>
      %masked_sort3A_260, %masked_sort3A_261, %masked_sort3A_262 = tpu.sort %masked_sort3A_259, %iota3A masked %masked_sort3A : (vector<16xi32>, vector<16xi32>, vector<16xi1>) -> (vector<16xi1>, vector<16xi32>, vector<16xi32>)
      %masked_sort3A_263 = arith.xori %masked_sort3A_261, %masked_sort3A_258 : vector<16xi32>
      %swap3A_264 = arith.constant 0 : index
      %swap3A_265 = tpu.vector_load %arg14[%swap3A_264] {strides = array<i32>} : memref<16xi32, #tpu.memory_space<vmem>>, vector<16xi32>,
      tpu.vector_store %arg14[%swap3A_264], %masked_sort3A_263 {strides = array<i32>} : memref<16xi32, #tpu.memory_space<vmem>>, vector<16xi32>,
      %sub3A_266 = arith.constant 1 : i32
      %sub3A_267 = vector.broadcast %sub3A_266 : i32 to vector<16xi32>
      %sub3A_268 = arith.subi %iota3A, %sub3A_267 : vector<16xi32>
      %max3A = arith.constant 0 : i32
      %max3A_269 = vector.broadcast %max3A : i32 to vector<16xi32>
      %max3A_270 = arith.maxsi %sub3A_268, %max3A_269 : vector<16xi32>
      %gather3A = tpu.vector_load_idx %arg14[%max3A_270] : memref<16xi32, #tpu.memory_space<vmem>>[vector<16xi32>], vector<16xi32>,
      %add3A_271 = arith.constant 1 : i32
      %add3A_272 = vector.broadcast %add3A_271 : i32 to vector<16xi32>
      %add3A_273 = arith.addi %iota3A, %add3A_272 : vector<16xi32>
      %min3A = arith.constant 15 : i32
      %min3A_274 = vector.broadcast %min3A : i32 to vector<16xi32>
      %min3A_275 = arith.minsi %add3A_273, %min3A_274 : vector<16xi32>
      %gather3A_276 = tpu.vector_load_idx %arg14[%min3A_275] : memref<16xi32, #tpu.memory_space<vmem>>[vector<16xi32>], vector<16xi32>,
      %eq3A_277 = arith.constant 0 : i32
      %eq3A_278 = vector.broadcast %eq3A_277 : i32 to vector<16xi32>
      %eq3A_279 = arith.cmpi eq, %iota3A, %eq3A_278 : vector<16xi32>
      %ne3A = arith.cmpi ne, %masked_sort3A_263, %gather3A : vector<16xi32>
      %or3A = arith.ori %eq3A_279, %ne3A : vector<16xi1>
      %jit3A = arith.constant 0 : i32
      %broadcast_in_dim3A_280 = vector.broadcast %jit3A : i32 to vector<16xi32>
      %select_n3A = arith.select %or3A, %iota3A, %broadcast_in_dim3A_280 : vector<16xi1>, vector<16xi32>
      %broadcast_in_dim3A_281 = arith.constant true
      %broadcast_in_dim3A_282 = vector.broadcast %broadcast_in_dim3A_281 : i1 to vector<16xi1>
      %masked_cummax3A = arith.constant -2147483648 : i32
      %masked_cummax3A_283 = vector.broadcast %masked_cummax3A : i32 to vector<16xi32>
      %masked_cummax3A_284 = arith.xori %select_n3A, %masked_cummax3A_283 : vector<16xi32>
      %masked_cummax3A_285 = tpu.scan <max>, %masked_cummax3A_284 masked %broadcast_in_dim3A_282 : vector<16xi32>, vector<16xi1> -> vector<16xi32>
      %masked_cummax3A_286 = arith.xori %masked_cummax3A_285, %masked_cummax3A_283 : vector<16xi32>
      %sub3A_287 = arith.subi %iota3A, %masked_cummax3A_286 : vector<16xi32>
      %eq3A_288 = arith.constant 15 : i32
      %eq3A_289 = vector.broadcast %eq3A_288 : i32 to vector<16xi32>
      %eq3A_290 = arith.cmpi eq, %iota3A, %eq3A_289 : vector<16xi32>
      %ne3A_291 = arith.cmpi ne, %masked_sort3A_263, %gather3A_276 : vector<16xi32>
      %or3A_292 = arith.ori %eq3A_290, %ne3A_291 : vector<16xi1>
      %gather3A_293 = tpu.vector_load_idx %arg18[%masked_sort3A_263] : memref<64xi32, #tpu.memory_space<vmem>>[vector<16xi32>], vector<16xi32>,
      %add3A_294 = arith.addi %gather3A_293, %sub3A_287 : vector<16xi32>
      tpu.vector_store_idx %arg15[%masked_sort3A_262], %add3A_294 : memref<16xi32, #tpu.memory_space<vmem>>[vector<16xi32>], vector<16xi32>,
      %get3A_295 = arith.constant 0 : index
      %get3A_296 = tpu.vector_load %arg15[%get3A_295] {strides = array<i32>} : memref<16xi32, #tpu.memory_space<vmem>>, vector<16xi32>,
      %mul3A_297 = arith.constant 16 : i32
      %mul3A_298 = arith.muli %scan3A_250, %mul3A_297 : i32
      %swap3A_299 = arith.index_cast %mul3A_298 : i32 to index
      %swap3A_300 = tpu.vector_load %arg9[%swap3A_299] {strides = array<i32>} : memref<256xi32, #tpu.memory_space<vmem>>, vector<16xi32>,
      tpu.vector_store %arg9[%swap3A_299], %get3A_296 {strides = array<i32>} : memref<256xi32, #tpu.memory_space<vmem>>, vector<16xi32>,
      %add3A_301 = arith.constant 1 : i32
      %add3A_302 = vector.broadcast %add3A_301 : i32 to vector<16xi32>
      %add3A_303 = arith.addi %sub3A_287, %add3A_302 : vector<16xi32>
      tpu.vector_store_idx %arg18[%masked_sort3A_263], %add3A_303 masked %or3A_292 {add = true} : memref<64xi32, #tpu.memory_space<vmem>>[vector<16xi32>], vector<16xi32>, vector<16xi1>
      %scan3A_304 = arith.constant 0 : i32
      scf.yield %scan3A_304 : i32
    }
    %scan3A_111 = arith.constant 16 : i32
    %mul3A_112 = arith.constant 256 : i32
    %mul3A_113 = arith.muli %add3A, %mul3A_112 : i32
    "tpu.region"() ({
      %run_scoped3A = tpu.sem_alloc : memref<!tpu.dma_semaphore, #tpu.memory_space<semaphore_mem>>
      %dma_start3A_250 = tpu.memref_slice %arg5[%mul3A_113] : memref<8192xi32, #tpu.memory_space<hbm>> -> memref<256xi32, #tpu.memory_space<hbm>>
      %dma_start3A_251 = tpu.memref_slice %arg5[%mul3A_113] : memref<8192xi32, #tpu.memory_space<hbm>> -> memref<256xi32, #tpu.memory_space<hbm>>
      tpu.enqueue_dma source(%arg9 : memref<256xi32, #tpu.memory_space<vmem>>) target(%dma_start3A_251 : memref<256xi32, #tpu.memory_space<hbm>>) target_semaphore(%run_scoped3A : memref<!tpu.dma_semaphore, #tpu.memory_space<semaphore_mem>>)
      %dma_wait3A_252 = tpu.memref_slice %arg5[%mul3A_113] : memref<8192xi32, #tpu.memory_space<hbm>> -> memref<256xi32, #tpu.memory_space<hbm>>
      %dma_wait3A_253 = tpu.memref_slice %arg5[%mul3A_113] : memref<8192xi32, #tpu.memory_space<hbm>> -> memref<256xi32, #tpu.memory_space<hbm>>
      tpu.wait_dma2 semaphore(%run_scoped3A : memref<!tpu.dma_semaphore, #tpu.memory_space<semaphore_mem>>) src(%arg9 : memref<256xi32, #tpu.memory_space<vmem>>) dst(%dma_wait3A_253 : memref<256xi32, #tpu.memory_space<hbm>>)
      tpu.yield
    }) : () -> ()
    %mul3A_114 = arith.constant 256 : i32
    %mul3A_115 = arith.muli %add3A, %mul3A_114 : i32
    %add3A_116 = arith.constant 0 : i32
    %add3A_117 = arith.addi %mul3A_115, %add3A_116 : i32
    %dma_start3A = arith.constant 0 : i32
    %dma_start3A_118 = tpu.memref_slice %arg2[%add3A_117, %dma_start3A] : memref<8192x768xf32, #tpu.memory_space<hbm>> -> memref<64x768xf32, #tpu.memory_space<hbm>>
    %dma_start3A_119 = arith.constant 0 : i32
    %dma_start3A_120 = tpu.memref_slice %arg2[%add3A_117, %dma_start3A_119] : memref<8192x768xf32, #tpu.memory_space<hbm>> -> memref<64x768xf32, #tpu.memory_space<hbm>>
    tpu.enqueue_dma source(%dma_start3A_120 : memref<64x768xf32, #tpu.memory_space<hbm>>) target(%arg12 : memref<64x768xf32, #tpu.memory_space<vmem>>) target_semaphore(%arg26 : memref<!tpu.dma_semaphore, #tpu.memory_space<semaphore_mem>>)
    %get3A_121 = arith.constant 0 : index
    %get3A_122 = tpu.vector_load %arg9[%get3A_121] {strides = array<i32>} : memref<256xi32, #tpu.memory_space<vmem>>, vector<16xi32>,
    %swap3A_123 = arith.constant 0 : index
    %swap3A_124 = tpu.vector_load %arg10[%swap3A_123] {strides = array<i32>} : memref<64xi32, #tpu.memory_space<vmem>>, vector<16xi32>,
    tpu.vector_store %arg10[%swap3A_123], %get3A_122 {strides = array<i32>} : memref<64xi32, #tpu.memory_space<vmem>>, vector<16xi32>,
    %get3A_125 = arith.constant 16 : index
    %get3A_126 = tpu.vector_load %arg9[%get3A_125] {strides = array<i32>} : memref<256xi32, #tpu.memory_space<vmem>>, vector<16xi32>,
    %swap3A_127 = arith.constant 16 : index
    %swap3A_128 = tpu.vector_load %arg10[%swap3A_127] {strides = array<i32>} : memref<64xi32, #tpu.memory_space<vmem>>, vector<16xi32>,
    tpu.vector_store %arg10[%swap3A_127], %get3A_126 {strides = array<i32>} : memref<64xi32, #tpu.memory_space<vmem>>, vector<16xi32>,
    %get3A_129 = arith.constant 32 : index
    %get3A_130 = tpu.vector_load %arg9[%get3A_129] {strides = array<i32>} : memref<256xi32, #tpu.memory_space<vmem>>, vector<16xi32>,
    %swap3A_131 = arith.constant 32 : index
    %swap3A_132 = tpu.vector_load %arg10[%swap3A_131] {strides = array<i32>} : memref<64xi32, #tpu.memory_space<vmem>>, vector<16xi32>,
    tpu.vector_store %arg10[%swap3A_131], %get3A_130 {strides = array<i32>} : memref<64xi32, #tpu.memory_space<vmem>>, vector<16xi32>,
    %get3A_133 = arith.constant 48 : index
    %get3A_134 = tpu.vector_load %arg9[%get3A_133] {strides = array<i32>} : memref<256xi32, #tpu.memory_space<vmem>>, vector<16xi32>,
    %swap3A_135 = arith.constant 48 : index
    %swap3A_136 = tpu.vector_load %arg10[%swap3A_135] {strides = array<i32>} : memref<64xi32, #tpu.memory_space<vmem>>, vector<16xi32>,
    tpu.vector_store %arg10[%swap3A_135], %get3A_134 {strides = array<i32>} : memref<64xi32, #tpu.memory_space<vmem>>, vector<16xi32>,
    %mul3A_137 = arith.constant 256 : i32
    %mul3A_138 = arith.muli %add3A, %mul3A_137 : i32
    %add3A_139 = arith.constant 64 : i32
    %add3A_140 = arith.addi %mul3A_138, %add3A_139 : i32
    %dma_start3A_141 = arith.constant 0 : i32
    %dma_start3A_142 = tpu.memref_slice %arg2[%add3A_140, %dma_start3A_141] : memref<8192x768xf32, #tpu.memory_space<hbm>> -> memref<64x768xf32, #tpu.memory_space<hbm>>
    %dma_start3A_143 = arith.constant 0 : i32
    %dma_start3A_144 = tpu.memref_slice %arg2[%add3A_140, %dma_start3A_143] : memref<8192x768xf32, #tpu.memory_space<hbm>> -> memref<64x768xf32, #tpu.memory_space<hbm>>
    tpu.enqueue_dma source(%dma_start3A_144 : memref<64x768xf32, #tpu.memory_space<hbm>>) target(%arg13 : memref<64x768xf32, #tpu.memory_space<vmem>>) target_semaphore(%arg27 : memref<!tpu.dma_semaphore, #tpu.memory_space<semaphore_mem>>)
    %get3A_145 = arith.constant 64 : index
    %get3A_146 = tpu.vector_load %arg9[%get3A_145] {strides = array<i32>} : memref<256xi32, #tpu.memory_space<vmem>>, vector<16xi32>,
    %swap3A_147 = arith.constant 0 : index
    %swap3A_148 = tpu.vector_load %arg11[%swap3A_147] {strides = array<i32>} : memref<64xi32, #tpu.memory_space<vmem>>, vector<16xi32>,
    tpu.vector_store %arg11[%swap3A_147], %get3A_146 {strides = array<i32>} : memref<64xi32, #tpu.memory_space<vmem>>, vector<16xi32>,
    %get3A_149 = arith.constant 80 : index
    %get3A_150 = tpu.vector_load %arg9[%get3A_149] {strides = array<i32>} : memref<256xi32, #tpu.memory_space<vmem>>, vector<16xi32>,
    %swap3A_151 = arith.constant 16 : index
    %swap3A_152 = tpu.vector_load %arg11[%swap3A_151] {strides = array<i32>} : memref<64xi32, #tpu.memory_space<vmem>>, vector<16xi32>,
    tpu.vector_store %arg11[%swap3A_151], %get3A_150 {strides = array<i32>} : memref<64xi32, #tpu.memory_space<vmem>>, vector<16xi32>,
    %get3A_153 = arith.constant 96 : index
    %get3A_154 = tpu.vector_load %arg9[%get3A_153] {strides = array<i32>} : memref<256xi32, #tpu.memory_space<vmem>>, vector<16xi32>,
    %swap3A_155 = arith.constant 32 : index
    %swap3A_156 = tpu.vector_load %arg11[%swap3A_155] {strides = array<i32>} : memref<64xi32, #tpu.memory_space<vmem>>, vector<16xi32>,
    tpu.vector_store %arg11[%swap3A_155], %get3A_154 {strides = array<i32>} : memref<64xi32, #tpu.memory_space<vmem>>, vector<16xi32>,
    %get3A_157 = arith.constant 112 : index
    %get3A_158 = tpu.vector_load %arg9[%get3A_157] {strides = array<i32>} : memref<256xi32, #tpu.memory_space<vmem>>, vector<16xi32>,
    %swap3A_159 = arith.constant 48 : index
    %swap3A_160 = tpu.vector_load %arg11[%swap3A_159] {strides = array<i32>} : memref<64xi32, #tpu.memory_space<vmem>>, vector<16xi32>,
    tpu.vector_store %arg11[%swap3A_159], %get3A_158 {strides = array<i32>} : memref<64xi32, #tpu.memory_space<vmem>>, vector<16xi32>,
    %dma_wait3A = arith.constant 0 : i32
    %dma_wait3A_161 = tpu.memref_slice %arg2[%add3A_117, %dma_wait3A] : memref<8192x768xf32, #tpu.memory_space<hbm>> -> memref<64x768xf32, #tpu.memory_space<hbm>>
    %dma_wait3A_162 = arith.constant 0 : i32
    %dma_wait3A_163 = tpu.memref_slice %arg2[%add3A_117, %dma_wait3A_162] : memref<8192x768xf32, #tpu.memory_space<hbm>> -> memref<64x768xf32, #tpu.memory_space<hbm>>
    tpu.wait_dma2 semaphore(%arg26 : memref<!tpu.dma_semaphore, #tpu.memory_space<semaphore_mem>>) src(%dma_wait3A_163 : memref<64x768xf32, #tpu.memory_space<hbm>>) dst(%arg12 : memref<64x768xf32, #tpu.memory_space<vmem>>)
    %dma_start3A_164 = arith.constant 0 : i32
    %dma_start3A_165 = arith.constant 0 : i32
    %dma_start3A_166 = tpu.memref_slice %arg4[%dma_start3A_164, %dma_start3A_165] : memref<8192x768xf32, #tpu.memory_space<hbm>> -> memref<8192x768xf32, #tpu.memory_space<hbm>>
    tpu.enqueue_indirect_dma source(%arg12 : memref<64x768xf32, #tpu.memory_space<vmem>>) target(%dma_start3A_166 : memref<8192x768xf32, #tpu.memory_space<hbm>>) offsets(%arg10 : memref<64xi32, #tpu.memory_space<vmem>>) semaphore(%arg28 : memref<!tpu.dma_semaphore, #tpu.memory_space<semaphore_mem>>)
    %dma_wait3A_167 = arith.constant 0 : i32
    %dma_wait3A_168 = arith.constant 0 : i32
    %dma_wait3A_169 = tpu.memref_slice %arg4[%dma_wait3A_167, %dma_wait3A_168] : memref<8192x768xf32, #tpu.memory_space<hbm>> -> memref<8192x768xf32, #tpu.memory_space<hbm>>
    tpu.wait_indirect_dma semaphore(%arg28 : memref<!tpu.dma_semaphore, #tpu.memory_space<semaphore_mem>>) src(%arg12 : memref<64x768xf32, #tpu.memory_space<vmem>>) dst(%dma_wait3A_169 : memref<8192x768xf32, #tpu.memory_space<hbm>>)
    %mul3A_170 = arith.constant 256 : i32
    %mul3A_171 = arith.muli %add3A, %mul3A_170 : i32
    %add3A_172 = arith.constant 128 : i32
    %add3A_173 = arith.addi %mul3A_171, %add3A_172 : i32
    %dma_start3A_174 = arith.constant 0 : i32
    %dma_start3A_175 = tpu.memref_slice %arg2[%add3A_173, %dma_start3A_174] : memref<8192x768xf32, #tpu.memory_space<hbm>> -> memref<64x768xf32, #tpu.memory_space<hbm>>
    %dma_start3A_176 = arith.constant 0 : i32
    %dma_start3A_177 = tpu.memref_slice %arg2[%add3A_173, %dma_start3A_176] : memref<8192x768xf32, #tpu.memory_space<hbm>> -> memref<64x768xf32, #tpu.memory_space<hbm>>
    tpu.enqueue_dma source(%dma_start3A_177 : memref<64x768xf32, #tpu.memory_space<hbm>>) target(%arg12 : memref<64x768xf32, #tpu.memory_space<vmem>>) target_semaphore(%arg26 : memref<!tpu.dma_semaphore, #tpu.memory_space<semaphore_mem>>)
    %get3A_178 = arith.constant 128 : index
    %get3A_179 = tpu.vector_load %arg9[%get3A_178] {strides = array<i32>} : memref<256xi32, #tpu.memory_space<vmem>>, vector<16xi32>,
    %swap3A_180 = arith.constant 0 : index
    %swap3A_181 = tpu.vector_load %arg10[%swap3A_180] {strides = array<i32>} : memref<64xi32, #tpu.memory_space<vmem>>, vector<16xi32>,
    tpu.vector_store %arg10[%swap3A_180], %get3A_179 {strides = array<i32>} : memref<64xi32, #tpu.memory_space<vmem>>, vector<16xi32>,
    %get3A_182 = arith.constant 144 : index
    %get3A_183 = tpu.vector_load %arg9[%get3A_182] {strides = array<i32>} : memref<256xi32, #tpu.memory_space<vmem>>, vector<16xi32>,
    %swap3A_184 = arith.constant 16 : index
    %swap3A_185 = tpu.vector_load %arg10[%swap3A_184] {strides = array<i32>} : memref<64xi32, #tpu.memory_space<vmem>>, vector<16xi32>,
    tpu.vector_store %arg10[%swap3A_184], %get3A_183 {strides = array<i32>} : memref<64xi32, #tpu.memory_space<vmem>>, vector<16xi32>,
    %get3A_186 = arith.constant 160 : index
    %get3A_187 = tpu.vector_load %arg9[%get3A_186] {strides = array<i32>} : memref<256xi32, #tpu.memory_space<vmem>>, vector<16xi32>,
    %swap3A_188 = arith.constant 32 : index
    %swap3A_189 = tpu.vector_load %arg10[%swap3A_188] {strides = array<i32>} : memref<64xi32, #tpu.memory_space<vmem>>, vector<16xi32>,
    tpu.vector_store %arg10[%swap3A_188], %get3A_187 {strides = array<i32>} : memref<64xi32, #tpu.memory_space<vmem>>, vector<16xi32>,
    %get3A_190 = arith.constant 176 : index
    %get3A_191 = tpu.vector_load %arg9[%get3A_190] {strides = array<i32>} : memref<256xi32, #tpu.memory_space<vmem>>, vector<16xi32>,
    %swap3A_192 = arith.constant 48 : index
    %swap3A_193 = tpu.vector_load %arg10[%swap3A_192] {strides = array<i32>} : memref<64xi32, #tpu.memory_space<vmem>>, vector<16xi32>,
    tpu.vector_store %arg10[%swap3A_192], %get3A_191 {strides = array<i32>} : memref<64xi32, #tpu.memory_space<vmem>>, vector<16xi32>,
    %dma_wait3A_194 = arith.constant 0 : i32
    %dma_wait3A_195 = tpu.memref_slice %arg2[%add3A_140, %dma_wait3A_194] : memref<8192x768xf32, #tpu.memory_space<hbm>> -> memref<64x768xf32, #tpu.memory_space<hbm>>
    %dma_wait3A_196 = arith.constant 0 : i32
    %dma_wait3A_197 = tpu.memref_slice %arg2[%add3A_140, %dma_wait3A_196] : memref<8192x768xf32, #tpu.memory_space<hbm>> -> memref<64x768xf32, #tpu.memory_space<hbm>>
    tpu.wait_dma2 semaphore(%arg27 : memref<!tpu.dma_semaphore, #tpu.memory_space<semaphore_mem>>) src(%dma_wait3A_197 : memref<64x768xf32, #tpu.memory_space<hbm>>) dst(%arg13 : memref<64x768xf32, #tpu.memory_space<vmem>>)
    %dma_start3A_198 = arith.constant 0 : i32
    %dma_start3A_199 = arith.constant 0 : i32
    %dma_start3A_200 = tpu.memref_slice %arg4[%dma_start3A_198, %dma_start3A_199] : memref<8192x768xf32, #tpu.memory_space<hbm>> -> memref<8192x768xf32, #tpu.memory_space<hbm>>
    tpu.enqueue_indirect_dma source(%arg13 : memref<64x768xf32, #tpu.memory_space<vmem>>) target(%dma_start3A_200 : memref<8192x768xf32, #tpu.memory_space<hbm>>) offsets(%arg11 : memref<64xi32, #tpu.memory_space<vmem>>) semaphore(%arg29 : memref<!tpu.dma_semaphore, #tpu.memory_space<semaphore_mem>>)
    %dma_wait3A_201 = arith.constant 0 : i32
    %dma_wait3A_202 = arith.constant 0 : i32
    %dma_wait3A_203 = tpu.memref_slice %arg4[%dma_wait3A_201, %dma_wait3A_202] : memref<8192x768xf32, #tpu.memory_space<hbm>> -> memref<8192x768xf32, #tpu.memory_space<hbm>>
    tpu.wait_indirect_dma semaphore(%arg29 : memref<!tpu.dma_semaphore, #tpu.memory_space<semaphore_mem>>) src(%arg13 : memref<64x768xf32, #tpu.memory_space<vmem>>) dst(%dma_wait3A_203 : memref<8192x768xf32, #tpu.memory_space<hbm>>)
    %mul3A_204 = arith.constant 256 : i32
    %mul3A_205 = arith.muli %add3A, %mul3A_204 : i32
    %add3A_206 = arith.constant 192 : i32
    %add3A_207 = arith.addi %mul3A_205, %add3A_206 : i32
    %dma_start3A_208 = arith.constant 0 : i32
    %dma_start3A_209 = tpu.memref_slice %arg2[%add3A_207, %dma_start3A_208] : memref<8192x768xf32, #tpu.memory_space<hbm>> -> memref<64x768xf32, #tpu.memory_space<hbm>>
    %dma_start3A_210 = arith.constant 0 : i32
    %dma_start3A_211 = tpu.memref_slice %arg2[%add3A_207, %dma_start3A_210] : memref<8192x768xf32, #tpu.memory_space<hbm>> -> memref<64x768xf32, #tpu.memory_space<hbm>>
    tpu.enqueue_dma source(%dma_start3A_211 : memref<64x768xf32, #tpu.memory_space<hbm>>) target(%arg13 : memref<64x768xf32, #tpu.memory_space<vmem>>) target_semaphore(%arg27 : memref<!tpu.dma_semaphore, #tpu.memory_space<semaphore_mem>>)
    %get3A_212 = arith.constant 192 : index
    %get3A_213 = tpu.vector_load %arg9[%get3A_212] {strides = array<i32>} : memref<256xi32, #tpu.memory_space<vmem>>, vector<16xi32>,
    %swap3A_214 = arith.constant 0 : index
    %swap3A_215 = tpu.vector_load %arg11[%swap3A_214] {strides = array<i32>} : memref<64xi32, #tpu.memory_space<vmem>>, vector<16xi32>,
    tpu.vector_store %arg11[%swap3A_214], %get3A_213 {strides = array<i32>} : memref<64xi32, #tpu.memory_space<vmem>>, vector<16xi32>,
    %get3A_216 = arith.constant 208 : index
    %get3A_217 = tpu.vector_load %arg9[%get3A_216] {strides = array<i32>} : memref<256xi32, #tpu.memory_space<vmem>>, vector<16xi32>,
    %swap3A_218 = arith.constant 16 : index
    %swap3A_219 = tpu.vector_load %arg11[%swap3A_218] {strides = array<i32>} : memref<64xi32, #tpu.memory_space<vmem>>, vector<16xi32>,
    tpu.vector_store %arg11[%swap3A_218], %get3A_217 {strides = array<i32>} : memref<64xi32, #tpu.memory_space<vmem>>, vector<16xi32>,
    %get3A_220 = arith.constant 224 : index
    %get3A_221 = tpu.vector_load %arg9[%get3A_220] {strides = array<i32>} : memref<256xi32, #tpu.memory_space<vmem>>, vector<16xi32>,
    %swap3A_222 = arith.constant 32 : index
    %swap3A_223 = tpu.vector_load %arg11[%swap3A_222] {strides = array<i32>} : memref<64xi32, #tpu.memory_space<vmem>>, vector<16xi32>,
    tpu.vector_store %arg11[%swap3A_222], %get3A_221 {strides = array<i32>} : memref<64xi32, #tpu.memory_space<vmem>>, vector<16xi32>,
    %get3A_224 = arith.constant 240 : index
    %get3A_225 = tpu.vector_load %arg9[%get3A_224] {strides = array<i32>} : memref<256xi32, #tpu.memory_space<vmem>>, vector<16xi32>,
    %swap3A_226 = arith.constant 48 : index
    %swap3A_227 = tpu.vector_load %arg11[%swap3A_226] {strides = array<i32>} : memref<64xi32, #tpu.memory_space<vmem>>, vector<16xi32>,
    tpu.vector_store %arg11[%swap3A_226], %get3A_225 {strides = array<i32>} : memref<64xi32, #tpu.memory_space<vmem>>, vector<16xi32>,
    %dma_wait3A_228 = arith.constant 0 : i32
    %dma_wait3A_229 = tpu.memref_slice %arg2[%add3A_173, %dma_wait3A_228] : memref<8192x768xf32, #tpu.memory_space<hbm>> -> memref<64x768xf32, #tpu.memory_space<hbm>>
    %dma_wait3A_230 = arith.constant 0 : i32
    %dma_wait3A_231 = tpu.memref_slice %arg2[%add3A_173, %dma_wait3A_230] : memref<8192x768xf32, #tpu.memory_space<hbm>> -> memref<64x768xf32, #tpu.memory_space<hbm>>
    tpu.wait_dma2 semaphore(%arg26 : memref<!tpu.dma_semaphore, #tpu.memory_space<semaphore_mem>>) src(%dma_wait3A_231 : memref<64x768xf32, #tpu.memory_space<hbm>>) dst(%arg12 : memref<64x768xf32, #tpu.memory_space<vmem>>)
    %dma_start3A_232 = arith.constant 0 : i32
    %dma_start3A_233 = arith.constant 0 : i32
    %dma_start3A_234 = tpu.memref_slice %arg4[%dma_start3A_232, %dma_start3A_233] : memref<8192x768xf32, #tpu.memory_space<hbm>> -> memref<8192x768xf32, #tpu.memory_space<hbm>>
    tpu.enqueue_indirect_dma source(%arg12 : memref<64x768xf32, #tpu.memory_space<vmem>>) target(%dma_start3A_234 : memref<8192x768xf32, #tpu.memory_space<hbm>>) offsets(%arg10 : memref<64xi32, #tpu.memory_space<vmem>>) semaphore(%arg28 : memref<!tpu.dma_semaphore, #tpu.memory_space<semaphore_mem>>)
    %dma_wait3A_235 = arith.constant 0 : i32
    %dma_wait3A_236 = tpu.memref_slice %arg2[%add3A_207, %dma_wait3A_235] : memref<8192x768xf32, #tpu.memory_space<hbm>> -> memref<64x768xf32, #tpu.memory_space<hbm>>
    %dma_wait3A_237 = arith.constant 0 : i32
    %dma_wait3A_238 = tpu.memref_slice %arg2[%add3A_207, %dma_wait3A_237] : memref<8192x768xf32, #tpu.memory_space<hbm>> -> memref<64x768xf32, #tpu.memory_space<hbm>>
    tpu.wait_dma2 semaphore(%arg27 : memref<!tpu.dma_semaphore, #tpu.memory_space<semaphore_mem>>) src(%dma_wait3A_238 : memref<64x768xf32, #tpu.memory_space<hbm>>) dst(%arg13 : memref<64x768xf32, #tpu.memory_space<vmem>>)
    %dma_start3A_239 = arith.constant 0 : i32
    %dma_start3A_240 = arith.constant 0 : i32
    %dma_start3A_241 = tpu.memref_slice %arg4[%dma_start3A_239, %dma_start3A_240] : memref<8192x768xf32, #tpu.memory_space<hbm>> -> memref<8192x768xf32, #tpu.memory_space<hbm>>
    tpu.enqueue_indirect_dma source(%arg13 : memref<64x768xf32, #tpu.memory_space<vmem>>) target(%dma_start3A_241 : memref<8192x768xf32, #tpu.memory_space<hbm>>) offsets(%arg11 : memref<64xi32, #tpu.memory_space<vmem>>) semaphore(%arg29 : memref<!tpu.dma_semaphore, #tpu.memory_space<semaphore_mem>>)
    %dma_wait3A_242 = arith.constant 0 : i32
    %dma_wait3A_243 = arith.constant 0 : i32
    %dma_wait3A_244 = tpu.memref_slice %arg4[%dma_wait3A_242, %dma_wait3A_243] : memref<8192x768xf32, #tpu.memory_space<hbm>> -> memref<8192x768xf32, #tpu.memory_space<hbm>>
    tpu.wait_indirect_dma semaphore(%arg28 : memref<!tpu.dma_semaphore, #tpu.memory_space<semaphore_mem>>) src(%arg12 : memref<64x768xf32, #tpu.memory_space<vmem>>) dst(%dma_wait3A_244 : memref<8192x768xf32, #tpu.memory_space<hbm>>)
    %dma_wait3A_245 = arith.constant 0 : i32
    %dma_wait3A_246 = arith.constant 0 : i32
    %dma_wait3A_247 = tpu.memref_slice %arg4[%dma_wait3A_245, %dma_wait3A_246] : memref<8192x768xf32, #tpu.memory_space<hbm>> -> memref<8192x768xf32, #tpu.memory_space<hbm>>
    tpu.wait_indirect_dma semaphore(%arg29 : memref<!tpu.dma_semaphore, #tpu.memory_space<semaphore_mem>>) src(%arg13 : memref<64x768xf32, #tpu.memory_space<vmem>>) dst(%dma_wait3A_247 : memref<8192x768xf32, #tpu.memory_space<hbm>>)
    %eq3A = arith.constant 0 : i32
    %eq3A_248 = arith.cmpi eq, %add3A, %eq3A : i32
    %convert_element_type3A = arith.extui %eq3A_248 : i1 to i32
    %cond3A = arith.constant 0 : i32
    %cond3A_249 = arith.cmpi ne, %convert_element_type3A, %cond3A : i32
    scf.if %cond3A_249 {
      %get3A_250 = arith.constant 0 : index
      %get3A_251 = tpu.vector_load %arg16[%get3A_250] {strides = array<i32>} : memref<64xi32, #tpu.memory_space<vmem>>, vector<16xi32>,
      %get3A_252 = arith.constant 0 : index
      %get3A_253 = tpu.vector_load %arg19[%get3A_252] {strides = array<i32>} : memref<64xi32, #tpu.memory_space<vmem>>, vector<16xi32>,
      %add3A_254 = arith.addi %get3A_253, %get3A_251 : vector<16xi32>
      %gt3A = arith.constant 0 : i32
      %gt3A_255 = vector.broadcast %gt3A : i32 to vector<16xi32>
      %gt3A_256 = arith.cmpi sgt, %get3A_251, %gt3A_255 : vector<16xi32>
      %sub3A_257 = arith.constant 1 : i32
      %sub3A_258 = vector.broadcast %sub3A_257 : i32 to vector<16xi32>
      %sub3A_259 = arith.subi %add3A_254, %sub3A_258 : vector<16xi32>
      %shift_right_arithmetic3A = arith.constant 8 : i32
      %shift_right_arithmetic3A_260 = vector.broadcast %shift_right_arithmetic3A : i32 to vector<16xi32>
      %shift_right_arithmetic3A_261 = arith.shrsi %sub3A_259, %shift_right_arithmetic3A_260 : vector<16xi32>
      %shift_right_arithmetic3A_262 = arith.constant 8 : i32
      %shift_right_arithmetic3A_263 = vector.broadcast %shift_right_arithmetic3A_262 : i32 to vector<16xi32>
      %shift_right_arithmetic3A_264 = arith.shrsi %get3A_253, %shift_right_arithmetic3A_263 : vector<16xi32>
      %sub3A_265 = arith.subi %shift_right_arithmetic3A_261, %shift_right_arithmetic3A_264 : vector<16xi32>
      %add3A_266 = arith.constant 1 : i32
      %add3A_267 = vector.broadcast %add3A_266 : i32 to vector<16xi32>
      %add3A_268 = arith.addi %sub3A_265, %add3A_267 : vector<16xi32>
      %jit3A = arith.constant 0 : i32
      %broadcast_in_dim3A_269 = vector.broadcast %jit3A : i32 to vector<16xi32>
      %select_n3A = arith.select %gt3A_256, %add3A_268, %broadcast_in_dim3A_269 : vector<16xi1>, vector<16xi32>
      %swap3A_270 = arith.constant 0 : index
      %swap3A_271 = tpu.vector_load %arg20[%swap3A_270] {strides = array<i32>} : memref<64xi32, #tpu.memory_space<vmem>>, vector<16xi32>,
      tpu.vector_store %arg20[%swap3A_270], %select_n3A {strides = array<i32>} : memref<64xi32, #tpu.memory_space<vmem>>, vector<16xi32>,
      %broadcast_in_dim3A_272 = arith.constant true
      %broadcast_in_dim3A_273 = vector.broadcast %broadcast_in_dim3A_272 : i1 to vector<16xi1>
      %masked_cumsum3A_274 = tpu.scan <sum>, %select_n3A masked %broadcast_in_dim3A_273 : vector<16xi32>, vector<16xi1> -> vector<16xi32>
      %add3A_275 = arith.constant 0 : i32
      %add3A_276 = vector.broadcast %add3A_275 : i32 to vector<16xi32>
      %add3A_277 = arith.addi %masked_cumsum3A_274, %add3A_276 : vector<16xi32>
      %swap3A_278 = arith.constant 0 : index
      %swap3A_279 = tpu.vector_load %arg21[%swap3A_278] {strides = array<i32>} : memref<64xi32, #tpu.memory_space<vmem>>, vector<16xi32>,
      tpu.vector_store %arg21[%swap3A_278], %add3A_277 {strides = array<i32>} : memref<64xi32, #tpu.memory_space<vmem>>, vector<16xi32>,
      %reduce_sum3A_280 = arith.constant true
      %reduce_sum3A_281 = vector.broadcast %reduce_sum3A_280 : i1 to vector<16xi1>
      %reduce_sum3A_282 = tpu.scan <sum>, %select_n3A masked %reduce_sum3A_281 : vector<16xi32>, vector<16xi1> -> vector<16xi32>
      %reduce_sum3A_283 = vector.extract %reduce_sum3A_282[15] : i32 from vector<16xi32>
      %add3A_284 = arith.constant 0 : i32
      %add3A_285 = arith.addi %add3A_284, %reduce_sum3A_283 : i32
      %get3A_286 = arith.constant 16 : index
      %get3A_287 = tpu.vector_load %arg16[%get3A_286] {strides = array<i32>} : memref<64xi32, #tpu.memory_space<vmem>>, vector<16xi32>,
      %get3A_288 = arith.constant 16 : index
      %get3A_289 = tpu.vector_load %arg19[%get3A_288] {strides = array<i32>} : memref<64xi32, #tpu.memory_space<vmem>>, vector<16xi32>,
      %add3A_290 = arith.addi %get3A_289, %get3A_287 : vector<16xi32>
      %gt3A_291 = arith.constant 0 : i32
      %gt3A_292 = vector.broadcast %gt3A_291 : i32 to vector<16xi32>
      %gt3A_293 = arith.cmpi sgt, %get3A_287, %gt3A_292 : vector<16xi32>
      %sub3A_294 = arith.constant 1 : i32
      %sub3A_295 = vector.broadcast %sub3A_294 : i32 to vector<16xi32>
      %sub3A_296 = arith.subi %add3A_290, %sub3A_295 : vector<16xi32>
      %shift_right_arithmetic3A_297 = arith.constant 8 : i32
      %shift_right_arithmetic3A_298 = vector.broadcast %shift_right_arithmetic3A_297 : i32 to vector<16xi32>
      %shift_right_arithmetic3A_299 = arith.shrsi %sub3A_296, %shift_right_arithmetic3A_298 : vector<16xi32>
      %shift_right_arithmetic3A_300 = arith.constant 8 : i32
      %shift_right_arithmetic3A_301 = vector.broadcast %shift_right_arithmetic3A_300 : i32 to vector<16xi32>
      %shift_right_arithmetic3A_302 = arith.shrsi %get3A_289, %shift_right_arithmetic3A_301 : vector<16xi32>
      %sub3A_303 = arith.subi %shift_right_arithmetic3A_299, %shift_right_arithmetic3A_302 : vector<16xi32>
      %add3A_304 = arith.constant 1 : i32
      %add3A_305 = vector.broadcast %add3A_304 : i32 to vector<16xi32>
      %add3A_306 = arith.addi %sub3A_303, %add3A_305 : vector<16xi32>
      %jit3A_307 = arith.constant 0 : i32
      %broadcast_in_dim3A_308 = vector.broadcast %jit3A_307 : i32 to vector<16xi32>
      %select_n3A_309 = arith.select %gt3A_293, %add3A_306, %broadcast_in_dim3A_308 : vector<16xi1>, vector<16xi32>
      %swap3A_310 = arith.constant 16 : index
      %swap3A_311 = tpu.vector_load %arg20[%swap3A_310] {strides = array<i32>} : memref<64xi32, #tpu.memory_space<vmem>>, vector<16xi32>,
      tpu.vector_store %arg20[%swap3A_310], %select_n3A_309 {strides = array<i32>} : memref<64xi32, #tpu.memory_space<vmem>>, vector<16xi32>,
      %broadcast_in_dim3A_312 = arith.constant true
      %broadcast_in_dim3A_313 = vector.broadcast %broadcast_in_dim3A_312 : i1 to vector<16xi1>
      %masked_cumsum3A_314 = tpu.scan <sum>, %select_n3A_309 masked %broadcast_in_dim3A_313 : vector<16xi32>, vector<16xi1> -> vector<16xi32>
      %add3A_315 = vector.broadcast %add3A_285 : i32 to vector<16xi32>
      %add3A_316 = arith.addi %masked_cumsum3A_314, %add3A_315 : vector<16xi32>
      %swap3A_317 = arith.constant 16 : index
      %swap3A_318 = tpu.vector_load %arg21[%swap3A_317] {strides = array<i32>} : memref<64xi32, #tpu.memory_space<vmem>>, vector<16xi32>,
      tpu.vector_store %arg21[%swap3A_317], %add3A_316 {strides = array<i32>} : memref<64xi32, #tpu.memory_space<vmem>>, vector<16xi32>,
      %reduce_sum3A_319 = arith.constant true
      %reduce_sum3A_320 = vector.broadcast %reduce_sum3A_319 : i1 to vector<16xi1>
      %reduce_sum3A_321 = tpu.scan <sum>, %select_n3A_309 masked %reduce_sum3A_320 : vector<16xi32>, vector<16xi1> -> vector<16xi32>
      %reduce_sum3A_322 = vector.extract %reduce_sum3A_321[15] : i32 from vector<16xi32>
      %add3A_323 = arith.addi %add3A_285, %reduce_sum3A_322 : i32
      %get3A_324 = arith.constant 32 : index
      %get3A_325 = tpu.vector_load %arg16[%get3A_324] {strides = array<i32>} : memref<64xi32, #tpu.memory_space<vmem>>, vector<16xi32>,
      %get3A_326 = arith.constant 32 : index
      %get3A_327 = tpu.vector_load %arg19[%get3A_326] {strides = array<i32>} : memref<64xi32, #tpu.memory_space<vmem>>, vector<16xi32>,
      %add3A_328 = arith.addi %get3A_327, %get3A_325 : vector<16xi32>
      %gt3A_329 = arith.constant 0 : i32
      %gt3A_330 = vector.broadcast %gt3A_329 : i32 to vector<16xi32>
      %gt3A_331 = arith.cmpi sgt, %get3A_325, %gt3A_330 : vector<16xi32>
      %sub3A_332 = arith.constant 1 : i32
      %sub3A_333 = vector.broadcast %sub3A_332 : i32 to vector<16xi32>
      %sub3A_334 = arith.subi %add3A_328, %sub3A_333 : vector<16xi32>
      %shift_right_arithmetic3A_335 = arith.constant 8 : i32
      %shift_right_arithmetic3A_336 = vector.broadcast %shift_right_arithmetic3A_335 : i32 to vector<16xi32>
      %shift_right_arithmetic3A_337 = arith.shrsi %sub3A_334, %shift_right_arithmetic3A_336 : vector<16xi32>
      %shift_right_arithmetic3A_338 = arith.constant 8 : i32
      %shift_right_arithmetic3A_339 = vector.broadcast %shift_right_arithmetic3A_338 : i32 to vector<16xi32>
      %shift_right_arithmetic3A_340 = arith.shrsi %get3A_327, %shift_right_arithmetic3A_339 : vector<16xi32>
      %sub3A_341 = arith.subi %shift_right_arithmetic3A_337, %shift_right_arithmetic3A_340 : vector<16xi32>
      %add3A_342 = arith.constant 1 : i32
      %add3A_343 = vector.broadcast %add3A_342 : i32 to vector<16xi32>
      %add3A_344 = arith.addi %sub3A_341, %add3A_343 : vector<16xi32>
      %jit3A_345 = arith.constant 0 : i32
      %broadcast_in_dim3A_346 = vector.broadcast %jit3A_345 : i32 to vector<16xi32>
      %select_n3A_347 = arith.select %gt3A_331, %add3A_344, %broadcast_in_dim3A_346 : vector<16xi1>, vector<16xi32>
      %swap3A_348 = arith.constant 32 : index
      %swap3A_349 = tpu.vector_load %arg20[%swap3A_348] {strides = array<i32>} : memref<64xi32, #tpu.memory_space<vmem>>, vector<16xi32>,
      tpu.vector_store %arg20[%swap3A_348], %select_n3A_347 {strides = array<i32>} : memref<64xi32, #tpu.memory_space<vmem>>, vector<16xi32>,
      %broadcast_in_dim3A_350 = arith.constant true
      %broadcast_in_dim3A_351 = vector.broadcast %broadcast_in_dim3A_350 : i1 to vector<16xi1>
      %masked_cumsum3A_352 = tpu.scan <sum>, %select_n3A_347 masked %broadcast_in_dim3A_351 : vector<16xi32>, vector<16xi1> -> vector<16xi32>
      %add3A_353 = vector.broadcast %add3A_323 : i32 to vector<16xi32>
      %add3A_354 = arith.addi %masked_cumsum3A_352, %add3A_353 : vector<16xi32>
      %swap3A_355 = arith.constant 32 : index
      %swap3A_356 = tpu.vector_load %arg21[%swap3A_355] {strides = array<i32>} : memref<64xi32, #tpu.memory_space<vmem>>, vector<16xi32>,
      tpu.vector_store %arg21[%swap3A_355], %add3A_354 {strides = array<i32>} : memref<64xi32, #tpu.memory_space<vmem>>, vector<16xi32>,
      %reduce_sum3A_357 = arith.constant true
      %reduce_sum3A_358 = vector.broadcast %reduce_sum3A_357 : i1 to vector<16xi1>
      %reduce_sum3A_359 = tpu.scan <sum>, %select_n3A_347 masked %reduce_sum3A_358 : vector<16xi32>, vector<16xi1> -> vector<16xi32>
      %reduce_sum3A_360 = vector.extract %reduce_sum3A_359[15] : i32 from vector<16xi32>
      %add3A_361 = arith.addi %add3A_323, %reduce_sum3A_360 : i32
      %get3A_362 = arith.constant 48 : index
      %get3A_363 = tpu.vector_load %arg16[%get3A_362] {strides = array<i32>} : memref<64xi32, #tpu.memory_space<vmem>>, vector<16xi32>,
      %get3A_364 = arith.constant 48 : index
      %get3A_365 = tpu.vector_load %arg19[%get3A_364] {strides = array<i32>} : memref<64xi32, #tpu.memory_space<vmem>>, vector<16xi32>,
      %add3A_366 = arith.addi %get3A_365, %get3A_363 : vector<16xi32>
      %gt3A_367 = arith.constant 0 : i32
      %gt3A_368 = vector.broadcast %gt3A_367 : i32 to vector<16xi32>
      %gt3A_369 = arith.cmpi sgt, %get3A_363, %gt3A_368 : vector<16xi32>
      %sub3A_370 = arith.constant 1 : i32
      %sub3A_371 = vector.broadcast %sub3A_370 : i32 to vector<16xi32>
      %sub3A_372 = arith.subi %add3A_366, %sub3A_371 : vector<16xi32>
      %shift_right_arithmetic3A_373 = arith.constant 8 : i32
      %shift_right_arithmetic3A_374 = vector.broadcast %shift_right_arithmetic3A_373 : i32 to vector<16xi32>
      %shift_right_arithmetic3A_375 = arith.shrsi %sub3A_372, %shift_right_arithmetic3A_374 : vector<16xi32>
      %shift_right_arithmetic3A_376 = arith.constant 8 : i32
      %shift_right_arithmetic3A_377 = vector.broadcast %shift_right_arithmetic3A_376 : i32 to vector<16xi32>
      %shift_right_arithmetic3A_378 = arith.shrsi %get3A_365, %shift_right_arithmetic3A_377 : vector<16xi32>
      %sub3A_379 = arith.subi %shift_right_arithmetic3A_375, %shift_right_arithmetic3A_378 : vector<16xi32>
      %add3A_380 = arith.constant 1 : i32
      %add3A_381 = vector.broadcast %add3A_380 : i32 to vector<16xi32>
      %add3A_382 = arith.addi %sub3A_379, %add3A_381 : vector<16xi32>
      %jit3A_383 = arith.constant 0 : i32
      %broadcast_in_dim3A_384 = vector.broadcast %jit3A_383 : i32 to vector<16xi32>
      %select_n3A_385 = arith.select %gt3A_369, %add3A_382, %broadcast_in_dim3A_384 : vector<16xi1>, vector<16xi32>
      %swap3A_386 = arith.constant 48 : index
      %swap3A_387 = tpu.vector_load %arg20[%swap3A_386] {strides = array<i32>} : memref<64xi32, #tpu.memory_space<vmem>>, vector<16xi32>,
      tpu.vector_store %arg20[%swap3A_386], %select_n3A_385 {strides = array<i32>} : memref<64xi32, #tpu.memory_space<vmem>>, vector<16xi32>,
      %broadcast_in_dim3A_388 = arith.constant true
      %broadcast_in_dim3A_389 = vector.broadcast %broadcast_in_dim3A_388 : i1 to vector<16xi1>
      %masked_cumsum3A_390 = tpu.scan <sum>, %select_n3A_385 masked %broadcast_in_dim3A_389 : vector<16xi32>, vector<16xi1> -> vector<16xi32>
      %add3A_391 = vector.broadcast %add3A_361 : i32 to vector<16xi32>
      %add3A_392 = arith.addi %masked_cumsum3A_390, %add3A_391 : vector<16xi32>
      %swap3A_393 = arith.constant 48 : index
      %swap3A_394 = tpu.vector_load %arg21[%swap3A_393] {strides = array<i32>} : memref<64xi32, #tpu.memory_space<vmem>>, vector<16xi32>,
      tpu.vector_store %arg21[%swap3A_393], %add3A_392 {strides = array<i32>} : memref<64xi32, #tpu.memory_space<vmem>>, vector<16xi32>,
      %reduce_sum3A_395 = arith.constant true
      %reduce_sum3A_396 = vector.broadcast %reduce_sum3A_395 : i1 to vector<16xi1>
      %reduce_sum3A_397 = tpu.scan <sum>, %select_n3A_385 masked %reduce_sum3A_396 : vector<16xi32>, vector<16xi1> -> vector<16xi32>
      %reduce_sum3A_398 = vector.extract %reduce_sum3A_397[15] : i32 from vector<16xi32>
      %add3A_399 = arith.addi %add3A_361, %reduce_sum3A_398 : i32
      %broadcast_in_dim3A_400 = arith.constant 63 : i32
      %broadcast_in_dim3A_401 = vector.broadcast %broadcast_in_dim3A_400 : i32 to vector<16xi32>
      %gather3A = tpu.vector_load_idx %arg21[%broadcast_in_dim3A_401] : memref<64xi32, #tpu.memory_space<vmem>>[vector<16xi32>], vector<16xi32>,
      %scan3A_402 = arith.constant 0 : i32
      %scan3A_403 = arith.constant 0 : i32
      %scan3A_404 = arith.constant 6 : i32
      %scan3A_405 = arith.addi %scan3A_403, %scan3A_404 : i32
      %scan3A_406 = arith.constant 1 : i32
      %scan3A_407 = scf.for %scan3A_412 = %scan3A_403 to %scan3A_405 step %scan3A_406 iter_args(%scan3A_413 = %scan3A_402) -> (i32)  : i32 {
        %mul3A_414 = arith.constant 16 : i32
        %mul3A_415 = arith.muli %scan3A_412, %mul3A_414 : i32
        %add3A_416 = vector.broadcast %mul3A_415 : i32 to vector<16xi32>
        %add3A_417 = arith.addi %add3A_416, %iota3A : vector<16xi32>
        %broadcast_in_dim3A_418 = arith.constant 0 : i32
        %broadcast_in_dim3A_419 = vector.broadcast %broadcast_in_dim3A_418 : i32 to vector<16xi32>
        %scan3A_420 = arith.constant 0 : i32
        %scan3A_421 = arith.constant 64 : i32
        %scan3A_422 = arith.addi %scan3A_420, %scan3A_421 : i32
        %scan3A_423 = arith.constant 1 : i32
        %scan3A_424 = scf.for %scan3A_478 = %scan3A_420 to %scan3A_422 step %scan3A_423 iter_args(%scan3A_479 = %broadcast_in_dim3A_419) -> (vector<16xi32>)  : i32 {
          %broadcast_in_dim3A_480 = vector.broadcast %scan3A_478 : i32 to vector<16xi32>
          %gather3A_481 = tpu.vector_load_idx %arg21[%broadcast_in_dim3A_480] : memref<64xi32, #tpu.memory_space<vmem>>[vector<16xi32>], vector<16xi32>,
          %le3A = arith.cmpi sle, %gather3A_481, %add3A_417 : vector<16xi32>
          %convert_element_type3A_482 = arith.extui %le3A : vector<16xi1> to vector<16xi32>
          %add3A_483 = arith.addi %scan3A_479, %convert_element_type3A_482 : vector<16xi32>
          scf.yield %add3A_483 : vector<16xi32>
        }
        %scan3A_425 = arith.constant 64 : i32
        %min3A = arith.constant 63 : i32
        %min3A_426 = vector.broadcast %min3A : i32 to vector<16xi32>
        %min3A_427 = arith.minsi %scan3A_424, %min3A_426 : vector<16xi32>
        %gather3A_428 = tpu.vector_load_idx %arg21[%min3A_427] : memref<64xi32, #tpu.memory_space<vmem>>[vector<16xi32>], vector<16xi32>,
        %gather3A_429 = tpu.vector_load_idx %arg20[%min3A_427] : memref<64xi32, #tpu.memory_space<vmem>>[vector<16xi32>], vector<16xi32>,
        %gather3A_430 = tpu.vector_load_idx %arg19[%min3A_427] : memref<64xi32, #tpu.memory_space<vmem>>[vector<16xi32>], vector<16xi32>,
        %gather3A_431 = tpu.vector_load_idx %arg16[%min3A_427] : memref<64xi32, #tpu.memory_space<vmem>>[vector<16xi32>], vector<16xi32>,
        %add3A_432 = arith.addi %gather3A_430, %gather3A_431 : vector<16xi32>
        %lt3A = arith.cmpi slt, %add3A_417, %gather3A : vector<16xi32>
        %sub3A_433 = arith.subi %gather3A_428, %gather3A_429 : vector<16xi32>
        %sub3A_434 = arith.subi %add3A_417, %sub3A_433 : vector<16xi32>
        %shift_right_arithmetic3A_435 = arith.constant 8 : i32
        %shift_right_arithmetic3A_436 = vector.broadcast %shift_right_arithmetic3A_435 : i32 to vector<16xi32>
        %shift_right_arithmetic3A_437 = arith.shrsi %gather3A_430, %shift_right_arithmetic3A_436 : vector<16xi32>
        %add3A_438 = arith.addi %shift_right_arithmetic3A_437, %sub3A_434 : vector<16xi32>
        %jit3A_439 = arith.constant 31 : i32
        %broadcast_in_dim3A_440 = vector.broadcast %jit3A_439 : i32 to vector<16xi32>
        %select_n3A_441 = arith.select %lt3A, %add3A_438, %broadcast_in_dim3A_440 : vector<16xi1>, vector<16xi32>
        %mul3A_442 = arith.constant 256 : i32
        %mul3A_443 = vector.broadcast %mul3A_442 : i32 to vector<16xi32>
        %mul3A_444 = arith.muli %select_n3A_441, %mul3A_443 : vector<16xi32>
        %max3A = arith.maxsi %gather3A_430, %mul3A_444 : vector<16xi32>
        %jit3A_445 = arith.constant 8192 : i32
        %broadcast_in_dim3A_446 = vector.broadcast %jit3A_445 : i32 to vector<16xi32>
        %select_n3A_447 = arith.select %lt3A, %max3A, %broadcast_in_dim3A_446 : vector<16xi1>, vector<16xi32>
        %add3A_448 = arith.constant 1 : i32
        %add3A_449 = vector.broadcast %add3A_448 : i32 to vector<16xi32>
        %add3A_450 = arith.addi %select_n3A_441, %add3A_449 : vector<16xi32>
        %mul3A_451 = arith.constant 256 : i32
        %mul3A_452 = vector.broadcast %mul3A_451 : i32 to vector<16xi32>
        %mul3A_453 = arith.muli %add3A_450, %mul3A_452 : vector<16xi32>
        %min3A_454 = arith.minsi %add3A_432, %mul3A_453 : vector<16xi32>
        %jit3A_455 = arith.constant 8192 : i32
        %broadcast_in_dim3A_456 = vector.broadcast %jit3A_455 : i32 to vector<16xi32>
        %select_n3A_457 = arith.select %lt3A, %min3A_454, %broadcast_in_dim3A_456 : vector<16xi1>, vector<16xi32>
        %jit3A_458 = arith.constant 63 : i32
        %broadcast_in_dim3A_459 = vector.broadcast %jit3A_458 : i32 to vector<16xi32>
        %select_n3A_460 = arith.select %lt3A, %min3A_427, %broadcast_in_dim3A_459 : vector<16xi1>, vector<16xi32>
        %mul3A_461 = arith.constant 16 : i32
        %mul3A_462 = arith.muli %scan3A_412, %mul3A_461 : i32
        %swap3A_463 = arith.index_cast %mul3A_462 : i32 to index
        %swap3A_464 = tpu.vector_load %arg22[%swap3A_463] {strides = array<i32>} : memref<96xi32, #tpu.memory_space<vmem>>, vector<16xi32>,
        tpu.vector_store %arg22[%swap3A_463], %select_n3A_460 {strides = array<i32>} : memref<96xi32, #tpu.memory_space<vmem>>, vector<16xi32>,
        %mul3A_465 = arith.constant 16 : i32
        %mul3A_466 = arith.muli %scan3A_412, %mul3A_465 : i32
        %swap3A_467 = arith.index_cast %mul3A_466 : i32 to index
        %swap3A_468 = tpu.vector_load %arg23[%swap3A_467] {strides = array<i32>} : memref<96xi32, #tpu.memory_space<vmem>>, vector<16xi32>,
        tpu.vector_store %arg23[%swap3A_467], %select_n3A_441 {strides = array<i32>} : memref<96xi32, #tpu.memory_space<vmem>>, vector<16xi32>,
        %mul3A_469 = arith.constant 16 : i32
        %mul3A_470 = arith.muli %scan3A_412, %mul3A_469 : i32
        %swap3A_471 = arith.index_cast %mul3A_470 : i32 to index
        %swap3A_472 = tpu.vector_load %arg24[%swap3A_471] {strides = array<i32>} : memref<96xi32, #tpu.memory_space<vmem>>, vector<16xi32>,
        tpu.vector_store %arg24[%swap3A_471], %select_n3A_447 {strides = array<i32>} : memref<96xi32, #tpu.memory_space<vmem>>, vector<16xi32>,
        %mul3A_473 = arith.constant 16 : i32
        %mul3A_474 = arith.muli %scan3A_412, %mul3A_473 : i32
        %swap3A_475 = arith.index_cast %mul3A_474 : i32 to index
        %swap3A_476 = tpu.vector_load %arg25[%swap3A_475] {strides = array<i32>} : memref<96xi32, #tpu.memory_space<vmem>>, vector<16xi32>,
        tpu.vector_store %arg25[%swap3A_475], %select_n3A_457 {strides = array<i32>} : memref<96xi32, #tpu.memory_space<vmem>>, vector<16xi32>,
        %scan3A_477 = arith.constant 0 : i32
        scf.yield %scan3A_477 : i32
      }
      %scan3A_408 = arith.constant 6 : i32
      %run_scoped3A = arith.constant 0 : i32
      "tpu.region"() ({
        %run_scoped3A_412 = tpu.sem_alloc : memref<!tpu.dma_semaphore, #tpu.memory_space<semaphore_mem>>
        %dma_start3A_413 = arith.constant 0 : i32
        %dma_start3A_414 = tpu.memref_slice %arg6[%run_scoped3A, %dma_start3A_413] : memref<4x96xi32, #tpu.memory_space<hbm>> -> memref<1x96xi32, #tpu.memory_space<hbm>>
        %dma_start3A_415 = tpu.memref_squeeze %dma_start3A_414 : memref<1x96xi32, #tpu.memory_space<hbm>> -> memref<96xi32, #tpu.memory_space<hbm>>
        %dma_start3A_416 = arith.constant 0 : i32
        %dma_start3A_417 = tpu.memref_slice %arg6[%run_scoped3A, %dma_start3A_416] : memref<4x96xi32, #tpu.memory_space<hbm>> -> memref<1x96xi32, #tpu.memory_space<hbm>>
        %dma_start3A_418 = tpu.memref_squeeze %dma_start3A_417 : memref<1x96xi32, #tpu.memory_space<hbm>> -> memref<96xi32, #tpu.memory_space<hbm>>
        tpu.enqueue_dma source(%arg22 : memref<96xi32, #tpu.memory_space<vmem>>) target(%dma_start3A_418 : memref<96xi32, #tpu.memory_space<hbm>>) target_semaphore(%run_scoped3A_412 : memref<!tpu.dma_semaphore, #tpu.memory_space<semaphore_mem>>)
        %dma_wait3A_419 = arith.constant 0 : i32
        %dma_wait3A_420 = tpu.memref_slice %arg6[%run_scoped3A, %dma_wait3A_419] : memref<4x96xi32, #tpu.memory_space<hbm>> -> memref<1x96xi32, #tpu.memory_space<hbm>>
        %dma_wait3A_421 = tpu.memref_squeeze %dma_wait3A_420 : memref<1x96xi32, #tpu.memory_space<hbm>> -> memref<96xi32, #tpu.memory_space<hbm>>
        %dma_wait3A_422 = arith.constant 0 : i32
        %dma_wait3A_423 = tpu.memref_slice %arg6[%run_scoped3A, %dma_wait3A_422] : memref<4x96xi32, #tpu.memory_space<hbm>> -> memref<1x96xi32, #tpu.memory_space<hbm>>
        %dma_wait3A_424 = tpu.memref_squeeze %dma_wait3A_423 : memref<1x96xi32, #tpu.memory_space<hbm>> -> memref<96xi32, #tpu.memory_space<hbm>>
        tpu.wait_dma2 semaphore(%run_scoped3A_412 : memref<!tpu.dma_semaphore, #tpu.memory_space<semaphore_mem>>) src(%arg22 : memref<96xi32, #tpu.memory_space<vmem>>) dst(%dma_wait3A_424 : memref<96xi32, #tpu.memory_space<hbm>>)
        tpu.yield
      }) : () -> ()
      %run_scoped3A_409 = arith.constant 1 : i32
      "tpu.region"() ({
        %run_scoped3A_412 = tpu.sem_alloc : memref<!tpu.dma_semaphore, #tpu.memory_space<semaphore_mem>>
        %dma_start3A_413 = arith.constant 0 : i32
        %dma_start3A_414 = tpu.memref_slice %arg6[%run_scoped3A_409, %dma_start3A_413] : memref<4x96xi32, #tpu.memory_space<hbm>> -> memref<1x96xi32, #tpu.memory_space<hbm>>
        %dma_start3A_415 = tpu.memref_squeeze %dma_start3A_414 : memref<1x96xi32, #tpu.memory_space<hbm>> -> memref<96xi32, #tpu.memory_space<hbm>>
        %dma_start3A_416 = arith.constant 0 : i32
        %dma_start3A_417 = tpu.memref_slice %arg6[%run_scoped3A_409, %dma_start3A_416] : memref<4x96xi32, #tpu.memory_space<hbm>> -> memref<1x96xi32, #tpu.memory_space<hbm>>
        %dma_start3A_418 = tpu.memref_squeeze %dma_start3A_417 : memref<1x96xi32, #tpu.memory_space<hbm>> -> memref<96xi32, #tpu.memory_space<hbm>>
        tpu.enqueue_dma source(%arg23 : memref<96xi32, #tpu.memory_space<vmem>>) target(%dma_start3A_418 : memref<96xi32, #tpu.memory_space<hbm>>) target_semaphore(%run_scoped3A_412 : memref<!tpu.dma_semaphore, #tpu.memory_space<semaphore_mem>>)
        %dma_wait3A_419 = arith.constant 0 : i32
        %dma_wait3A_420 = tpu.memref_slice %arg6[%run_scoped3A_409, %dma_wait3A_419] : memref<4x96xi32, #tpu.memory_space<hbm>> -> memref<1x96xi32, #tpu.memory_space<hbm>>
        %dma_wait3A_421 = tpu.memref_squeeze %dma_wait3A_420 : memref<1x96xi32, #tpu.memory_space<hbm>> -> memref<96xi32, #tpu.memory_space<hbm>>
        %dma_wait3A_422 = arith.constant 0 : i32
        %dma_wait3A_423 = tpu.memref_slice %arg6[%run_scoped3A_409, %dma_wait3A_422] : memref<4x96xi32, #tpu.memory_space<hbm>> -> memref<1x96xi32, #tpu.memory_space<hbm>>
        %dma_wait3A_424 = tpu.memref_squeeze %dma_wait3A_423 : memref<1x96xi32, #tpu.memory_space<hbm>> -> memref<96xi32, #tpu.memory_space<hbm>>
        tpu.wait_dma2 semaphore(%run_scoped3A_412 : memref<!tpu.dma_semaphore, #tpu.memory_space<semaphore_mem>>) src(%arg23 : memref<96xi32, #tpu.memory_space<vmem>>) dst(%dma_wait3A_424 : memref<96xi32, #tpu.memory_space<hbm>>)
        tpu.yield
      }) : () -> ()
      %run_scoped3A_410 = arith.constant 2 : i32
      "tpu.region"() ({
        %run_scoped3A_412 = tpu.sem_alloc : memref<!tpu.dma_semaphore, #tpu.memory_space<semaphore_mem>>
        %dma_start3A_413 = arith.constant 0 : i32
        %dma_start3A_414 = tpu.memref_slice %arg6[%run_scoped3A_410, %dma_start3A_413] : memref<4x96xi32, #tpu.memory_space<hbm>> -> memref<1x96xi32, #tpu.memory_space<hbm>>
        %dma_start3A_415 = tpu.memref_squeeze %dma_start3A_414 : memref<1x96xi32, #tpu.memory_space<hbm>> -> memref<96xi32, #tpu.memory_space<hbm>>
        %dma_start3A_416 = arith.constant 0 : i32
        %dma_start3A_417 = tpu.memref_slice %arg6[%run_scoped3A_410, %dma_start3A_416] : memref<4x96xi32, #tpu.memory_space<hbm>> -> memref<1x96xi32, #tpu.memory_space<hbm>>
        %dma_start3A_418 = tpu.memref_squeeze %dma_start3A_417 : memref<1x96xi32, #tpu.memory_space<hbm>> -> memref<96xi32, #tpu.memory_space<hbm>>
        tpu.enqueue_dma source(%arg24 : memref<96xi32, #tpu.memory_space<vmem>>) target(%dma_start3A_418 : memref<96xi32, #tpu.memory_space<hbm>>) target_semaphore(%run_scoped3A_412 : memref<!tpu.dma_semaphore, #tpu.memory_space<semaphore_mem>>)
        %dma_wait3A_419 = arith.constant 0 : i32
        %dma_wait3A_420 = tpu.memref_slice %arg6[%run_scoped3A_410, %dma_wait3A_419] : memref<4x96xi32, #tpu.memory_space<hbm>> -> memref<1x96xi32, #tpu.memory_space<hbm>>
        %dma_wait3A_421 = tpu.memref_squeeze %dma_wait3A_420 : memref<1x96xi32, #tpu.memory_space<hbm>> -> memref<96xi32, #tpu.memory_space<hbm>>
        %dma_wait3A_422 = arith.constant 0 : i32
        %dma_wait3A_423 = tpu.memref_slice %arg6[%run_scoped3A_410, %dma_wait3A_422] : memref<4x96xi32, #tpu.memory_space<hbm>> -> memref<1x96xi32, #tpu.memory_space<hbm>>
        %dma_wait3A_424 = tpu.memref_squeeze %dma_wait3A_423 : memref<1x96xi32, #tpu.memory_space<hbm>> -> memref<96xi32, #tpu.memory_space<hbm>>
        tpu.wait_dma2 semaphore(%run_scoped3A_412 : memref<!tpu.dma_semaphore, #tpu.memory_space<semaphore_mem>>) src(%arg24 : memref<96xi32, #tpu.memory_space<vmem>>) dst(%dma_wait3A_424 : memref<96xi32, #tpu.memory_space<hbm>>)
        tpu.yield
      }) : () -> ()
      %run_scoped3A_411 = arith.constant 3 : i32
      "tpu.region"() ({
        %run_scoped3A_412 = tpu.sem_alloc : memref<!tpu.dma_semaphore, #tpu.memory_space<semaphore_mem>>
        %dma_start3A_413 = arith.constant 0 : i32
        %dma_start3A_414 = tpu.memref_slice %arg6[%run_scoped3A_411, %dma_start3A_413] : memref<4x96xi32, #tpu.memory_space<hbm>> -> memref<1x96xi32, #tpu.memory_space<hbm>>
        %dma_start3A_415 = tpu.memref_squeeze %dma_start3A_414 : memref<1x96xi32, #tpu.memory_space<hbm>> -> memref<96xi32, #tpu.memory_space<hbm>>
        %dma_start3A_416 = arith.constant 0 : i32
        %dma_start3A_417 = tpu.memref_slice %arg6[%run_scoped3A_411, %dma_start3A_416] : memref<4x96xi32, #tpu.memory_space<hbm>> -> memref<1x96xi32, #tpu.memory_space<hbm>>
        %dma_start3A_418 = tpu.memref_squeeze %dma_start3A_417 : memref<1x96xi32, #tpu.memory_space<hbm>> -> memref<96xi32, #tpu.memory_space<hbm>>
        tpu.enqueue_dma source(%arg25 : memref<96xi32, #tpu.memory_space<vmem>>) target(%dma_start3A_418 : memref<96xi32, #tpu.memory_space<hbm>>) target_semaphore(%run_scoped3A_412 : memref<!tpu.dma_semaphore, #tpu.memory_space<semaphore_mem>>)
        %dma_wait3A_419 = arith.constant 0 : i32
        %dma_wait3A_420 = tpu.memref_slice %arg6[%run_scoped3A_411, %dma_wait3A_419] : memref<4x96xi32, #tpu.memory_space<hbm>> -> memref<1x96xi32, #tpu.memory_space<hbm>>
        %dma_wait3A_421 = tpu.memref_squeeze %dma_wait3A_420 : memref<1x96xi32, #tpu.memory_space<hbm>> -> memref<96xi32, #tpu.memory_space<hbm>>
        %dma_wait3A_422 = arith.constant 0 : i32
        %dma_wait3A_423 = tpu.memref_slice %arg6[%run_scoped3A_411, %dma_wait3A_422] : memref<4x96xi32, #tpu.memory_space<hbm>> -> memref<1x96xi32, #tpu.memory_space<hbm>>
        %dma_wait3A_424 = tpu.memref_squeeze %dma_wait3A_423 : memref<1x96xi32, #tpu.memory_space<hbm>> -> memref<96xi32, #tpu.memory_space<hbm>>
        tpu.wait_dma2 semaphore(%run_scoped3A_412 : memref<!tpu.dma_semaphore, #tpu.memory_space<semaphore_mem>>) src(%arg25 : memref<96xi32, #tpu.memory_space<vmem>>) dst(%dma_wait3A_424 : memref<96xi32, #tpu.memory_space<hbm>>)
        tpu.yield
      }) : () -> ()
    } else {
    }
    return
  }
}

module attributes {stable_mosaic.version = 14 : i64} {
  func.func @_gmm_body(%arg0: i32, %arg1: memref<4x96xi32, #tpu.memory_space<smem>>, %arg2: memref<256x768xf32, #tpu.memory_space<vmem>>, %arg3: memref<1x768x768xf32, #tpu.memory_space<vmem>>, %arg4: memref<1x768xf32, #tpu.memory_space<vmem>>, %arg5: memref<256x768xf32, #tpu.memory_space<vmem>>) attributes {dimension_semantics = [#tpu.dimension_semantics<arbitrary>], iteration_bounds = array<i64: 96>, scalar_prefetch = 1 : i64, scratch_operands = 0 : i64, tpu.core_type = #tpu.core_type<tc>, window_params = [{transform_indices = @transform_0, window_bounds = array<i64: 256, 768>}, {transform_indices = @transform_1, window_bounds = array<i64: 1, 768, 768>}, {pipeline_mode = #tpu.pipeline_mode<synchronous>, transform_indices = @transform_2, window_bounds = array<i64: 1, 768>}, {transform_indices = @transform_3, window_bounds = array<i64: 256, 768>}]} {
    %get3A = arith.constant 1 : index
    %get3A_0 = arith.index_cast %arg0 : i32 to index
    %get3A_1 = memref.load %arg1[%get3A, %get3A_0] : memref<4x96xi32, #tpu.memory_space<smem>>
    %get3A_2 = arith.constant 2 : index
    %get3A_3 = arith.index_cast %arg0 : i32 to index
    %get3A_4 = memref.load %arg1[%get3A_2, %get3A_3] : memref<4x96xi32, #tpu.memory_space<smem>>
    %get3A_5 = arith.constant 3 : index
    %get3A_6 = arith.index_cast %arg0 : i32 to index
    %get3A_7 = memref.load %arg1[%get3A_5, %get3A_6] : memref<4x96xi32, #tpu.memory_space<smem>>
    %mul3A = arith.constant 256 : i32
    %mul3A_8 = arith.muli %get3A_1, %mul3A : i32
    %iota3A = tpu.iota {dimensions = array<i32: 0>} : vector<256x1xi32>
    %add3A = vector.broadcast %mul3A_8 : i32 to vector<256x1xi32>
    %add3A_9 = arith.addi %add3A, %iota3A : vector<256x1xi32>
    %ge3A = vector.broadcast %get3A_4 : i32 to vector<256x1xi32>
    %ge3A_10 = arith.cmpi sge, %add3A_9, %ge3A : vector<256x1xi32>
    %lt3A = vector.broadcast %get3A_7 : i32 to vector<256x1xi32>
    %lt3A_11 = arith.cmpi slt, %add3A_9, %lt3A : vector<256x1xi32>
    %and3A = arith.andi %ge3A_10, %lt3A_11 : vector<256x1xi1>
    %get3A_12 = arith.constant 0 : index
    %get3A_13 = arith.constant 0 : index
    %get3A_14 = vector.load %arg2[%get3A_12, %get3A_13] : memref<256x768xf32, #tpu.memory_space<vmem>>, vector<256x768xf32>
    %convert_element_type3A = arith.truncf %get3A_14 : vector<256x768xf32> to vector<256x768xbf16>
    %get3A_15 = arith.constant 0 : index
    %get3A_16 = arith.constant 0 : index
    %get3A_17 = arith.constant 0 : index
    %get3A_18 = vector.load %arg3[%get3A_15, %get3A_16, %get3A_17] : memref<1x768x768xf32, #tpu.memory_space<vmem>>, vector<1x768x768xf32>
    %get3A_19 = vector.shape_cast %get3A_18 : vector<1x768x768xf32> to vector<768x768xf32>
    %convert_element_type3A_20 = arith.truncf %get3A_19 : vector<768x768xf32> to vector<768x768xbf16>
    %dot_general3A = arith.constant dense<0.000000e+00> : vector<256x768xf32>
    %dot_general3A_21 = tpu.matmul %convert_element_type3A, %convert_element_type3A_20, %dot_general3A {dimension_numbers = #tpu.dot_dimension_numbers<[1], [1], [0], [0], [0, 0, 1, 0], [], []>, transpose_lhs_hint = false} : vector<256x768xbf16>, vector<768x768xbf16>, vector<256x768xf32> -> vector<256x768xf32>
    %jit3A = arith.constant 0.000000e+00 : f32
    %broadcast_in_dim3A = vector.shape_cast %and3A : vector<256x1xi1> to vector<256x1xi1>
    %broadcast_in_dim3A_22 = vector.broadcast %broadcast_in_dim3A : vector<256x1xi1> to vector<256x768xi1>
    %broadcast_in_dim3A_23 = vector.broadcast %jit3A : f32 to vector<256x768xf32>
    %select_n3A = arith.select %broadcast_in_dim3A_22, %dot_general3A_21, %broadcast_in_dim3A_23 : vector<256x768xi1>, vector<256x768xf32>
    %sub3A = arith.constant 1 : i32
    %sub3A_24 = arith.subi %arg0, %sub3A : i32
    %max3A = arith.constant 0 : i32
    %max3A_25 = arith.maxsi %sub3A_24, %max3A : i32
    %get3A_26 = arith.constant 1 : index
    %get3A_27 = arith.index_cast %max3A_25 : i32 to index
    %get3A_28 = memref.load %arg1[%get3A_26, %get3A_27] : memref<4x96xi32, #tpu.memory_space<smem>>
    %add3A_29 = arith.constant 1 : i32
    %add3A_30 = arith.addi %arg0, %add3A_29 : i32
    %min3A = arith.constant 95 : i32
    %min3A_31 = arith.minsi %add3A_30, %min3A : i32
    %get3A_32 = arith.constant 1 : index
    %get3A_33 = arith.index_cast %min3A_31 : i32 to index
    %get3A_34 = memref.load %arg1[%get3A_32, %get3A_33] : memref<4x96xi32, #tpu.memory_space<smem>>
    %eq3A = arith.constant 0 : i32
    %eq3A_35 = arith.cmpi eq, %arg0, %eq3A : i32
    %ne3A = arith.cmpi ne, %get3A_1, %get3A_28 : i32
    %or3A = arith.ori %eq3A_35, %ne3A : i1
    %eq3A_36 = arith.constant 95 : i32
    %eq3A_37 = arith.cmpi eq, %arg0, %eq3A_36 : i32
    %ne3A_38 = arith.cmpi ne, %get3A_1, %get3A_34 : i32
    %or3A_39 = arith.ori %eq3A_37, %ne3A_38 : i1
    %broadcast_in_dim3A_40 = arith.constant 0.000000e+00 : f32
    %broadcast_in_dim3A_41 = vector.broadcast %broadcast_in_dim3A_40 : f32 to vector<256x768xf32>
    %get3A_42 = arith.constant 0 : index
    %get3A_43 = arith.constant 0 : index
    %get3A_44 = vector.load %arg5[%get3A_42, %get3A_43] : memref<256x768xf32, #tpu.memory_space<vmem>>, vector<256x768xf32>
    %select_n3A_45 = arith.select %or3A, %broadcast_in_dim3A_41, %get3A_44 : vector<256x768xf32>
    %add3A_46 = arith.addf %select_n3A_45, %select_n3A : vector<256x768xf32>
    %get3A_47 = arith.constant 0 : index
    %get3A_48 = arith.constant 0 : index
    %get3A_49 = vector.load %arg4[%get3A_47, %get3A_48] : memref<1x768xf32, #tpu.memory_space<vmem>>, vector<1x768xf32>
    %add3A_50 = vector.broadcast %get3A_49 : vector<1x768xf32> to vector<256x768xf32>
    %add3A_51 = arith.addf %add3A_46, %add3A_50 : vector<256x768xf32>
    %ge3A_52 = arith.constant 0.000000e+00 : f32
    %ge3A_53 = vector.broadcast %ge3A_52 : f32 to vector<256x768xf32>
    %ge3A_54 = arith.cmpf oge, %add3A_51, %ge3A_53 : vector<256x768xf32>
    %mul3A_55 = arith.constant 2.000000e-01 : f32
    %mul3A_56 = vector.broadcast %mul3A_55 : f32 to vector<256x768xf32>
    %mul3A_57 = arith.mulf %mul3A_56, %add3A_51 : vector<256x768xf32>
    %select_n3A_58 = arith.select %ge3A_54, %add3A_51, %mul3A_57 : vector<256x768xi1>, vector<256x768xf32>
    %select_n3A_59 = arith.select %or3A_39, %select_n3A_58, %add3A_46 : vector<256x768xf32>
    %swap3A = arith.constant 0 : index
    %swap3A_60 = arith.constant 0 : index
    %swap3A_61 = vector.load %arg5[%swap3A, %swap3A_60] : memref<256x768xf32, #tpu.memory_space<vmem>>, vector<256x768xf32>
    tpu.vector_store %arg5[%swap3A, %swap3A_60], %select_n3A_59 {strides = array<i32>} : memref<256x768xf32, #tpu.memory_space<vmem>>, vector<256x768xf32>,
    return
  }
  func.func @transform_0(%arg0: i32, %arg1: memref<4x96xi32, #tpu.memory_space<smem>>) -> (i32, i32) {
    %get3A = arith.constant 1 : index
    %get3A_0 = arith.index_cast %arg0 : i32 to index
    %get3A_1 = memref.load %arg1[%get3A, %get3A_0] : memref<4x96xi32, #tpu.memory_space<smem>>
    %c0_i32 = arith.constant 0 : i32
    %c0_i32_2 = arith.constant 0 : i32
    return %get3A_1, %c0_i32 : i32, i32
  }
  func.func @transform_1(%arg0: i32, %arg1: memref<4x96xi32, #tpu.memory_space<smem>>) -> (i32, i32, i32) {
    %get3A = arith.constant 0 : index
    %get3A_0 = arith.index_cast %arg0 : i32 to index
    %get3A_1 = memref.load %arg1[%get3A, %get3A_0] : memref<4x96xi32, #tpu.memory_space<smem>>
    %c0_i32 = arith.constant 0 : i32
    %c0_i32_2 = arith.constant 0 : i32
    %c0_i32_3 = arith.constant 0 : i32
    return %get3A_1, %c0_i32, %c0_i32_2 : i32, i32, i32
  }
  func.func @transform_2(%arg0: i32, %arg1: memref<4x96xi32, #tpu.memory_space<smem>>) -> (i32, i32) {
    %c0_i32 = arith.constant 0 : i32
    %c0_i32_0 = arith.constant 0 : i32
    %c0_i32_1 = arith.constant 0 : i32
    return %c0_i32, %c0_i32_0 : i32, i32
  }
  func.func @transform_3(%arg0: i32, %arg1: memref<4x96xi32, #tpu.memory_space<smem>>) -> (i32, i32) {
    %get3A = arith.constant 1 : index
    %get3A_0 = arith.index_cast %arg0 : i32 to index
    %get3A_1 = memref.load %arg1[%get3A, %get3A_0] : memref<4x96xi32, #tpu.memory_space<smem>>
    %c0_i32 = arith.constant 0 : i32
    %c0_i32_2 = arith.constant 0 : i32
    return %get3A_1, %c0_i32 : i32, i32
  }
}

</mosaic_0001>

<sc_bundles>
// kernel: kernel.5.cloned.1.call-start
scs
__scs_entry_jumppad:
0x0: {  	(pc) =	sbr.rel $0x88, $3  }
0x1: {  	(tag) =	ssettag $0x0;
	lr =	simm.s32 $0x1  }
0x2: {  	[smem:$0x3F9D] =	sst lr;
	_ =	strace $0xD0000000  }
0x3: {  	_ = 	snop  }
0x4: {  	_ = 	snop  }
0x5: {  	_ = 	snop  }
0x6: {  	_ = 	snop  }
0x7: {  	_ = 	snop  }
__scs_overlays_trampoline_lowered:
0x8: {  	[smem:$0x3FAC] =	sst s0  }
0x9: {  	[smem:$0x3FAD] =	sst s1  }
0xa: {  	[smem:$0x3FAE] =	sst s2  }
0xb: {  	[smem:$0x3FAF] =	sst s3  }
0xc: {  	[smem:$0x3FB0] =	sst s4  }
0xd: {  	[smem:$0x3FB1] =	sst s5  }
0xe: {  	[smem:$0x3FB2] =	sst s6  }
0xf: {  	[smem:$0x3FB3] =	sst s7  }
0x10: {  	[smem:$0x3FB4] =	sst s8  }
0x11: {  	[smem:$0x3FB5] =	sst s9;
	s0 =	simm.s32 @!p0 $0x0  }
0x12: {  	s1 =	sld [smem:$0x3F9B];
	s0 =	simm.s32 @p0 $0x1  }
0x13: {  	[smem:$0x3FB6] =	sst s0;
	s0 =	simm.s32 @!p1 $0x0  }
0x14: {  	s2 =	sld [smem:$0x3F9A];
	s0 =	simm.s32 @p1 $0x1  }
0x15: {  	[smem:$0x3FB7] =	sst s0;
	s0 =	simm.s32 @!p2 $0x0  }
0x16: {  	s3 =	sld [smem:$0x3FDB];
	s0 =	simm.s32 @p2 $0x1  }
0x17: {  	s4 =	simm.s32 $0x1BF5;
	[smem:$0x3FB9] =	sst s0  }
0x18: {  	s0 =	sld [smem:$0x3F9C];
	_ =	swait.ge [sflag:s4], $0x0  }
0x19: {  	s7 =	sld [smem:$0x3F9D]  }
0x1a: {  	s8 =	sadd.s32 $0xFFFFE003, lr  }
0x1b: {  	s9 =	sadd.s32 $0xFFFFFEF7, lr;
	s5 =	simm.s32 $0xFFFFFFFF;
	p2 =	slt.u32 s8, $0xFFFFF086  }
0x1c: {  	p1 =	slt.u32 s9, $0xF7A;
	s5 =	simm.s32 @!p2 $0x0  }
0x1d: {  	s5 =	simm.s32 @p1 $0x1;
	p0 =	seq.s32 s7, s2  }
0x1e: {  	s7 =	smul.u32 @!p0 $0xF7A, s2;
	p2 =	seq.s32 @!p0 s5, $0x0  }
0x1f: {  	s9 =	smul.u32 $0xF7A, s1;
	s8 =	simm.s32 @!p0 $0x1BF5;
	p2 =	por !p2, p0  }
0x20: {  	[sflag:s8] =	ssyncset.s32 @!p0 $0xFFFFF086;
	s6 =	sadd.s32 @!p0 s3, s7;
	s7 =	simm.s32 @!p0 $0x108  }
0x21: {  	s3 =	sadd.s32 s3, s9;
	s6 =	sadd.s32 @!p0 $0x88, s6;
	s7 =	simm.s32 @p2 $0x1082  }
0x22: {  	[simem:s7], [sflag:s8] =	dma.local @!p0 [hbm:s6], $0xF7A  }
0x23: {  	s9 =	sor.u32 $0xD0000000, s2;
	s6 =	simm.s32 $0x108;
	_ =	swait.ge @!p0 [sflag:s8], $0x0  }
0x24: {  	s3 =	sadd.s32 $0x88, s3;
	s6 =	simm.s32 @!p1 $0x1082;
	[sflag:s4] =	ssyncset.s32 $0xFFFFF086  }
0x25: {  	[simem:s6], [sflag:s4] =	dma.local [hbm:s3], $0xF7A  }
0x26: {  	[smem:$0x3F9D] =	sst s1;
	(tag) =	ssettag s2;
	_ =	strace s9  }
0x27: {  	s1 =	sld [smem:$0x3FAD]  }
0x28: {  	s2 =	sld [smem:$0x3FAE]  }
0x29: {  	s4 =	sld [smem:$0x3FB0]  }
0x2a: {  	p0 =	seq.s32 s5, $0x0;
	s5 =	sld [smem:$0x3FB1]  }
0x2b: {  	s6 =	sld [smem:$0x3FB2]  }
0x2c: {  	s7 =	sld [smem:$0x3FB3]  }
0x2d: {  	s3 =	simm.s32 $0x108;
	s8 =	sld [smem:$0x3FB4]  }
0x2e: {  	s3 =	simm.s32 @!p0 $0x1082;
	s9 =	sld [smem:$0x3FB5]  }
0x2f: {  	lr =	sadd.s32 s0, s3;
	s0 =	sld [smem:$0x3FAC]  }
0x30: {  	s3 =	sld [smem:$0x3FAF]  }
0x31: {  	[smem:$0x3FB8] =	sst s10  }
0x32: {  	s10 =	sld [smem:$0x3FB6];
	_ =	sdelay $0x3  }
0x33: {  	p0 =	seq.s32 s10, $0x1;
	s10 =	sld [smem:$0x3FB8];
	_ =	sdelay $0x3  }
0x34: {  	[smem:$0x3FB8] =	sst s10  }
0x35: {  	s10 =	sld [smem:$0x3FB7];
	_ =	sdelay $0x3  }
0x36: {  	p1 =	seq.s32 s10, $0x1;
	s10 =	sld [smem:$0x3FB8];
	_ =	sdelay $0x3  }
0x37: {  	[smem:$0x3FB8] =	sst s10  }
0x38: {  	s10 =	sld [smem:$0x3FB9]  }
0x39: {  	_ = 	snop;
	(pc) =	sbr.ind lr, $3  }
0x3a: {  	_ = 	snop  }
0x3b: {  	_ = 	snop  }
0x3c: {  	p2 =	seq.s32 s10, $0x1;
	s10 =	sld [smem:$0x3FB8]  }
0x3d: {  	_ =	shalt  }
0x3e: {  	_ =	shalt  }
0x3f: {  	_ =	shalt  }
0x40: {  	_ =	shalt  }
0x41: {  	_ =	shalt  }
0x42: {  	_ =	shalt  }
0x43: {  	_ =	shalt  }
0x44: {  	_ =	shalt  }
0x45: {  	_ =	shalt  }
0x46: {  	_ =	shalt  }
0x47: {  	_ =	shalt  }
0x48: {  	_ =	shalt  }
0x49: {  	_ =	shalt  }
0x4a: {  	_ =	shalt  }
0x4b: {  	_ =	shalt  }
0x4c: {  	_ =	shalt  }
0x4d: {  	_ =	shalt  }
0x4e: {  	_ =	shalt  }
0x4f: {  	_ =	shalt  }
0x50: {  	_ =	shalt  }
0x51: {  	_ =	shalt  }
0x52: {  	_ =	shalt  }
0x53: {  	_ =	shalt  }
0x54: {  	_ =	shalt  }
0x55: {  	_ =	shalt  }
0x56: {  	_ =	shalt  }
0x57: {  	_ =	shalt  }
0x58: {  	_ =	shalt  }
0x59: {  	_ =	shalt  }
0x5a: {  	_ =	shalt  }
0x5b: {  	_ =	shalt  }
0x5c: {  	_ =	shalt  }
0x5d: {  	_ =	shalt  }
0x5e: {  	_ =	shalt  }
0x5f: {  	_ =	shalt  }
0x60: {  	_ =	shalt  }
0x61: {  	_ =	shalt  }
0x62: {  	_ =	shalt  }
0x63: {  	_ =	shalt  }
0x64: {  	_ =	shalt  }
0x65: {  	_ =	shalt  }
0x66: {  	_ =	shalt  }
0x67: {  	_ =	shalt  }
0x68: {  	_ =	shalt  }
0x69: {  	_ =	shalt  }
0x6a: {  	_ =	shalt  }
0x6b: {  	_ =	shalt  }
0x6c: {  	_ =	shalt  }
0x6d: {  	_ =	shalt  }
0x6e: {  	_ =	shalt  }
0x6f: {  	_ =	shalt  }
0x70: {  	_ =	shalt  }
0x71: {  	_ =	shalt  }
0x72: {  	_ =	shalt  }
0x73: {  	_ =	shalt  }
0x74: {  	_ =	shalt  }
0x75: {  	_ =	shalt  }
0x76: {  	_ =	shalt  }
0x77: {  	_ =	shalt  }
0x78: {  	_ =	shalt  }
0x79: {  	_ =	shalt  }
0x7a: {  	_ =	shalt  }
0x7b: {  	_ =	shalt  }
0x7c: {  	_ =	shalt  }
0x7d: {  	_ =	shalt  }
0x7e: {  	_ =	shalt  }
0x7f: {  	_ =	shalt  }
0x80: {  	_ =	shalt  }
0x81: {  	_ =	shalt  }
0x82: {  	_ =	shalt  }
0x83: {  	_ =	shalt  }
0x84: {  	_ =	shalt  }
0x85: {  	_ =	shalt  }
0x86: {  	_ =	shalt  }
0x87: {  	_ =	shalt  }
.Lfunc_end0:
.L_simem_size_0:
called_computation_lowered:
.L_overlay_start_0:
0x88: {  	s2 =	sld [smem:$0x3FD9]  }
0x89: {  	s3 =	sld [smem:$0x3FFE];
	_ =	sdelay $0x1  }
0x8a: {  	s1 =	srdreg.scid  }
0x8b: {  	s0 =	sand.u32 $0x1, s1  }
0x8c: {  	s17 =	sshll.u32 s0, $0xA;
	s2 =	sadd.s32 s3, s2  }
0x8d: {  	s2 =	sadd.s32 s2, s17  }
0x8e: {  	[smem:$0x3FC4] =	sst s2  }
0x8f: {  	_ = 	snop  }
0x90: {  	s2 =	sld [smem:$0x3FC9]  }
0x91: {  	s18 =	sld [smem:$0x3FD0];
	(tm) =	ssettm $0x1  }
0x92: {  	s4 =	sld [smem:$0x3FFB];
	_ =	sdelay $0x3  }
0x93: {  	_ =	strace s4  }
0x94: {  	s4 =	sld [smem:$0x3FFC];
	_ =	sdelay $0x3  }
0x95: {  	_ =	strace s4  }
0x96: {  	s4 =	sld [smem:$0x3FFD];
	_ =	sdelay $0x3  }
0x97: {  	_ =	strace s4  }
0x98: {  	_ =	strace $0x8FFFFFFF  }
0x99: {  	s19 =	sld [smem:$0x3FDB];
	_ =	sdelay $0x1  }
0x9a: {  	s5 =	simm.s32 $_scs_section_size  }
0x9b: {  	s6 =	simm.s32 $_size__tile_overlayer_lowered;
	s7 =	simm.s32 $_tile_overlayer_lowered  }
0x9c: {  	s22 =	simm.s32 $0x1BFF;
	s21 =	sshll.u32 s7, $0x1;
	s4 =	sadd.s32 s5, s19  }
0x9d: {  	s8 =	simm.s32 $0x0;
	s20 =	sshll.u32 s6, $0x1;
	s6 =	sadd.s32 s21, s4  }
0x9e: {  	[timem:s8], [sflag:s22] =	dma.local [hbm:s6], s20  }
0x9f: {  	_ =	swait.ge [sflag:s22], s20  }
0xa0: {  	s5 =	ssub.s32 $0x0, s20;
	[sflag:s22] =	ssyncset.done $0x0  }
0xa1: {  	[sflag:s22] =	ssyncadd.s32 s5;
	_ =	sdelay $0x1  }
0xa2: {  	s23 =	simm.s32 $0x1B8B  }
0xa3: {  	_ =	swait.ge [sflag:s23], $0x1  }
0xa4: {  	[sflag:s23] =	ssyncset.done $0x0  }
0xa5: {  	s25 =	simm.s32 $0x1B8E;
	s24 =	sld [smem:$0x3FFE];
	[sflag:s23] =	ssyncadd.s32 $0xFFFFFFFF  }
0xa6: {  	s26 =	simm.s32 $execute0_lowered;
	[smem:$0x3FD2] =	sst s25  }
0xa7: {  	s6 =	sshll.u32 s26, $0x1;
	_ =	strace $0x80000046;
	[dreg:$0x1] =	wrdreg $0xFFFFFFFF  }
0xa8: {  	s28 =	simm.s32 $_size_execute0_lowered;
	s4 =	sadd.s32 s4, s6;
	[dreg:$0x0] =	wrdreg $0x0  }
0xa9: {  	s6 =	sshll.u32 s28, $0x1;
	[dreg:$0x2] =	wrdreg s4  }
0xaa: {  	[dreg:$0x3] =	wrdreg s6  }
0xab: {  	[dreg:$0x4] =	wrdreg $0xC0  }
0xac: {  	_ =	task [dreg:s8], $0x5FFFF  }
0xad: {  	[dreg:$0x1] =	wrdreg $0xFFFFFFFF  }
0xae: {  	[dreg:$0x0] =	wrdreg $0x60  }
0xaf: {  	[dreg:$0x2] =	wrdreg s2  }
0xb0: {  	[dreg:$0x3] =	wrdreg s24  }
0xb1: {  	[dreg:$0x4] =	wrdreg s18  }
0xb2: {  	[dreg:$0x5] =	wrdreg $0x9  }
0xb3: {  	_ =	task.clear_ibuf [dreg:s8], $0x6FFFF;
	_ =	strace $0x90000046  }
0xb4: {  	s29 =	simm.s32 $0x9;
	_ =	strace $0x80000048  }
0xb5: {  	_ =	swait.ge [sflag:s29], $0x1  }
0xb6: {  	[sflag:s29] =	ssyncadd.s32 $0xFFFFFFFF  }
0xb7: {  	_ =	strace $0x90000048  }
0xb8: {  	_ =	sfence  }
0xb9: {  	s30 =	sld [smem:$0x0];
	_ =	sdelay $0x2  }
0xba: {  	s31 =	sshll.u32 s1, $0xD;
	s1 =	sshrl.u32 s1, $0x2  }
0xbb: {  	s3 =	sand.u32 $0x4000, s31;
	s1 =	sadd.s32 s1, s30  }
0xbc: {  	s0 =	sor.u32 s3, s0;
	s1 =	sshll.u32 s1, $0x11  }
0xbd: {  	s0 =	sor.u32 s1, s0  }
0xbe: {  	s0 =	sadd.s32 $0x8F2B, s0  }
0xbf: {  	[sflag:s0] =	ssyncadd.remote.s32 $0x1  }
0xc0: {  	_ =	sfence.sel $0xFFFF  }
0xc1: {  	[dreg:$0x0] =	wrdreg $0xFFFFFFFF;
	(pc) =	sbr.abs _section_cstart, $3  }
0xc2: {  	[dreg:$0x1] =	wrdreg $0xFFFFFFFF  }
0xc3: {  	_ =	task.clear_ibuf [dreg:s8], $0x2FFFF;
	_ =	strace $0x9FFFFFFF  }
0xc4: {  	(tm) =	ssettm $0x7FFFFFFF  }
0xc5: {  	_ =	shalt  }
tec
execute0_lowered:
.L_overlay_start_1:
0x0: {  	(tag) =	ssettag $0x1  }
0x1: {  	s0 =	rddreg [dreg:$0x0]  }
0x2: {  	s1 =	rddreg [dreg:$0x1]  }
0x3: {  	s2 =	rddreg [dreg:$0x2];
	s3 =	simm.s32 $0x0  }
0x4: {  	s4 =	srdreg.scid;
	s12 =	stileid.u32;
	s30 =	simm.s32 $0x1E580  }
0x5: {  	s28 =	simm.s32 $0x12200;
	s15 =	simm.s32 $0x1;
	s13 =	simm.s32 $0x14A00  }
0x6: {  	s16 =	simm.s32 $0x15A00;
	s17 =	simm.s32 $0x16200;
	s18 =	simm.s32 $0x16A00  }
0x7: {  	s29 =	simm.s32 $0x18200;
	s31 =	simm.s32 $0x18A00;
	[smem:$0x7FF] =	sst s3  }
0x8: {  	s4 =	sand.u32 $0x1, s4;
	s5 =	sshll.u32 s12, $0x1;
	s6 =	sadd.s32 $0x1000, s1  }
0x9: {  	s11 =	sadd.s32 $0x1800, s1;
	s23 =	sshll.u32 s12, $0xB;
	s24 =	sadd.s32 $0x1810, s1  }
0xa: {  	s25 =	sadd.s32 $0x1820, s1;
	_ =	strace $0x80000047;
	[dreg:$0x4] =	wrdreg s6  }
0xb: {  	s12 =	simm.s32 $0x14200;
	s5 =	sor.u32 s4, s5;
	[dreg:$0x5] =	wrdreg s11  }
0xc: {  	s19 =	ssub.s32 $0x2, s4;
	s11 =	sadd.s32 $0x200, s2;
	[dreg:$0xb] =	wrdreg s24  }
0xd: {  	s4 =	sshll.u32 s4, $0xA;
	[dreg:$0xc] =	wrdreg s25;
	s25 =	simm.s32 $0x17A00  }
0xe: {  	s7 =	smul.u32 $0x6000, s5;
	s8 =	sshll.u32 s5, $0x5;
	s9 =	sshrl.u32 s19, $0x1  }
0xf: {  	s10 =	smul.u32 $0x30000, s5;
	s6 =	sshll.u32 s5, $0x4;
	p0 =	sne.s32 s5, $0x0  }
0x10: {  	v0 =	vimm.s32 $0xFFEDCBA9;
	v1 =	vimm.s32 $0x87654321;
	s8 =	sadd.s32 s8, s1;
	s9 =	ssub.s32 s19, s9;
	s1 =	sadd.s32 $0x1830, s1  }
0x11: {  	v2 =	vimm.s32 $0xEDCBA987;
	v3 =	vimm.s32 $0x65432100;
	s19 =	simm.s32 $0x1E300;
	s20 =	sadd.s32 s0, s7;
	s21 =	sshrl.u32 s10, $0x3  }
0x12: {  	vm0 =	vmxor vm0, vm0;
	vm1 =	vcmask $0x3F3C;
	v0 =	vunpack.c.l.s4.s8 v0;
	s8 =	sadd.s32 $0x1A00, s8;
	s10 =	sadd.s32 $0x100, s2;
	[dreg:$0xd] =	wrdreg s1  }
0x13: {  	vm2 =	vmmov $0xffff;
	v1 =	vunpack.c.l.s4.s8 v1;
	v2 =	vunpack.c.l.s4.s8 v2;
	s26 =	smax.u32 s9, $0x1;
	[dreg:$0x7] =	wrdreg s8;
	s0 =	sadd.s32 s0, s21  }
0x14: {  	v12 =	vimm.s32 $0x3F;
	v3 =	vunpack.c.l.s4.s8 v3;
	v4 =	vunpack.c.0.s8.s32 v0;
	[dreg:$0x6] =	wrdreg s20;
	s7 =	sadd.s32 $0x3000, s0;
	s0 =	sadd.s32 $0x4800, s0  }
0x15: {  	v5 =	vunpack.c.0.s8.s32 v1;
	v6 =	vunpack.c.0.s8.s32 v2;
	v2 =	vlaneseq.u32;
	s9 =	simm.s32 $0x13A00;
	[dreg:$0xa] =	wrdreg s0;
	s0 =	sor.u32 s4, s23  }
.Ltmp0:
0x16: {  	v1 =	vimm.s32 $0x0;
	v7 =	vunpack.c.0.s8.s32 v3;
	v3 =	vmul.u32 $0x2, v2;
	s22 =	sadd.s32 $0x1800, s20;
	s0 =	sshrl.u32 s0, $0x2;
	(pc) =	sbr.rel .LBB2_1-.Ltmp0, $4  }
0x17: {  	v10 =	vshrl.u32 v2, $0x3;
	v9 =	vand.u32 $0x7, v2;
	v11 =	vor.u32 $0x8, v2;
	[dreg:$0xe] =	wrdreg s26;
	s20 =	simm.s32 $0x1E380;
	s0 =	sor.u32 $0x4000, s0  }
0x18: {  	v8 =	vcombine.low v5, v4;
	v5 =	vand.u32 $0xF, v6;
	s21 =	simm.s32 $0x1E200;
	s26 =	simm.s32 $0x6200;
	[dreg:$0x8] =	wrdreg s22;
	v0 =	vmov s0  }
0x19: {  	v4 =	vimm.s32 $0x1;
	v10 =	vmul.u32 $0x8, v10;
	v5 =	vcombine.low v7, v5;
	s8 =	simm.s32 $0x13200;
	s22 =	simm.s32 $0x1E400;
	[dreg:$0x9] =	wrdreg s7  }
0x1a: {  	v7 =	vor.u32 $0x80000000, v2;
	v6 =	vand.u32 $0xF, v8;
	v8 =	vadd.s32 $0x1, v2;
	s7 =	simm.s32 $0x5;
	s23 =	simm.s32 $0x1E280;
	s0 =	simm.s32 $0x0  }
.LBB2_11:
0x1b: {  	s0 =	sadd.s32 $0x1, s5;
	s4 =	rddreg [dreg:$0xe]  }
0x1c: {  	p1 =	sne.s32 s0, s4  }
.Ltmp1:
0x1d: {  	_ = 	snop;
	(pc) =	sbr.rel @!p1 .LBB2_12-.Ltmp1, $1  }
0x1e: {  	_ =	sdelay $0x3  }
.LBB2_1:
0x1f: {  	s4 =	rddreg [dreg:$0x4]  }
0x20: {  	[tilespmem:s3], [sflag:$0x5] =	stream.linear.gather [hbm4b:s4+s3], $0x4000, $0x38;
	[tilespmem:$0x1E800] =	vst v63  }
0x21: {  	_ =	swait.ge [sflag:s7], $0x4000  }
0x22: {  	[sflag:s7] =	ssyncset.done $0x0  }
0x23: {  	[sflag:s7] =	ssyncadd.s32 $0xFFFFC000  }
0x24: {  	[tilespmem:$0x1E300] =	vst v1  }
0x25: {  	v13 =	vmov s3;
	[tilespmem:$0x1E380] =	vst v1  }
0x26: {  	v13 =	vshll.u32 v13, $0x1;
	[tilespmem:$0x1E310] =	vst v1  }
0x27: {  	v13 =	vor.u32 v3, v13;
	[tilespmem:$0x1E390] =	vst v1  }
0x28: {  	v14 =	vor.u32 $0x1, v13;
	[tilespmem:$0x1E320] =	vst v1  }
0x29: {  	[tilespmem:$0x1E3A0] =	vst v1  }
0x2a: {  	[tilespmem:$0x1E330] =	vst v1  }
0x2b: {  	[tilespmem:$0x1E3B0] =	vst v1  }
0x2c: {  	v13 =	vld.idx.msk [tilespmem:v13+s3+$0x0], $0xffff  }
0x2d: {  	v14 =	vld.idx.msk [tilespmem:v14+s3+$0x0], $0xffff;
	_ =	sdelay $0x3  }
0x2e: {  	v13 =	vmul.f32 $1.600000000e+01, v13  }
0x2f: {  	v14 =	vmul.f32 $1.600000000e+01, v14  }
0x30: {  	v13 =	vadd.f32 $5.000000000e-01, v13  }
0x31: {  	v14 =	vadd.f32 $5.000000000e-01, v14  }
0x32: {  	v15 =	vtrunc.f32 v13  }
0x33: {  	v16 =	vcvt.f32.s32 v15;
	vm3 =	vlt.f32 v13, v15;
	v13 =	vtrunc.f32 v14  }
0x34: {  	v15 =	vsel vm3, $0xFFFFFFFF, v1;
	v17 =	vcvt.f32.s32 v13;
	vm3 =	vlt.f32 v14, v13  }
0x35: {  	v13 =	vadd.s32 v16, v15;
	v14 =	vsel vm3, $0xFFFFFFFF, v1  }
0x36: {  	v14 =	vadd.s32 v17, v14;
	v13 =	vshll.u32 v13, $0x3  }
0x37: {  	p1 =	sgt.u32 s6, $0x0;
	s24 =	simm.s32 $0x10;
	vm3 =	vmmov vm0;
	v14 =	vand.u32 $0x7, v14;
	v13 =	vand.u32 $0x38, v13  }
0x38: {  	v15 =	vmov s24;
	vm3 =	vmneg @p1 vm3;
	v13 =	vor.u32 v14, v13  }
0x39: {  	v14 =	vshll.u32 v15, $0x1  }
0x3a: {  	v14 =	vor.u32 v3, v14  }
0x3b: {  	s5 =	simm.s32 $0x4000;
	v15 =	vor.u32 $0x1, v14  }
0x3c: {  	[tilespmem:s5+$0x0] =	vst v13  }
0x3d: {  	[tilespmem:v13+s19+$0x0] =	vst.idx.add.s32.msk $0xffff, v4  }
0x3e: {  	[tilespmem:v13+s20+$0x0] =	vst.idx.add.s32.msk vm3, v4  }
0x3f: {  	v13 =	vld.idx.msk [tilespmem:v14+s3+$0x0], $0xffff  }
0x40: {  	v14 =	vld.idx.msk [tilespmem:v15+s3+$0x0], $0xffff;
	_ =	sdelay $0x3  }
0x41: {  	v13 =	vmul.f32 $1.600000000e+01, v13  }
0x42: {  	v14 =	vmul.f32 $1.600000000e+01, v14  }
0x43: {  	v13 =	vadd.f32 $5.000000000e-01, v13  }
0x44: {  	v14 =	vadd.f32 $5.000000000e-01, v14  }
0x45: {  	v15 =	vtrunc.f32 v13  }
0x46: {  	v62 =	vcvt.f32.s32 v15;
	vm3 =	vlt.f32 v13, v15;
	v13 =	vtrunc.f32 v14  }
0x47: {  	s24 =	simm.s32 $0x20;
	v15 =	vsel vm3, $0xFFFFFFFF, v1;
	v63 =	vcvt.f32.s32 v13;
	vm3 =	vlt.f32 v14, v13  }
0x48: {  	v13 =	vadd.s32 v62, v15;
	v14 =	vsel vm3, $0xFFFFFFFF, v1;
	v15 =	vmov s24  }
0x49: {  	p1 =	sgt.u32 s6, $0x1;
	vm3 =	vmmov vm0;
	v14 =	vadd.s32 v63, v14;
	v13 =	vshll.u32 v13, $0x3  }
0x4a: {  	vm3 =	vmneg @p1 vm3;
	v14 =	vand.u32 $0x7, v14;
	v13 =	vand.u32 $0x38, v13  }
0x4b: {  	s14 =	simm.s32 $0x2;
	s4 =	simm.s32 $0x3;
	v13 =	vor.u32 v14, v13;
	v14 =	vshll.u32 v15, $0x1  }
.LBB2_2:
0x4c: {  	p1 =	sne.s32 s4, $0x1FF;
	v14 =	vor.u32 v3, v14  }
0x4d: {  	s5 =	sadd.s32 $0x10, s5;
	v15 =	vor.u32 $0x1, v14  }
0x4e: {  	[tilespmem:s5+$0x0] =	vst v13  }
0x4f: {  	[tilespmem:v13+s19+$0x0] =	vst.idx.add.s32.msk $0xffff, v4  }
0x50: {  	[tilespmem:v13+s20+$0x0] =	vst.idx.add.s32.msk vm3, v4  }
0x51: {  	v13 =	vld.idx.msk [tilespmem:v14+s3+$0x0], $0xffff  }
0x52: {  	v14 =	vld.idx.msk [tilespmem:v15+s3+$0x0], $0xffff;
	_ =	sdelay $0x4  }
0x53: {  	v13 =	vmul.f32 $1.600000000e+01, v13  }
0x54: {  	v14 =	vmul.f32 $1.600000000e+01, v14  }
0x55: {  	v13 =	vadd.f32 $5.000000000e-01, v13  }
0x56: {  	v14 =	vadd.f32 $5.000000000e-01, v14  }
0x57: {  	v15 =	vtrunc.f32 v13  }
0x58: {  	v16 =	vcvt.f32.s32 v15;
	vm3 =	vlt.f32 v13, v15;
	v13 =	vtrunc.f32 v14  }
0x59: {  	v15 =	vsel vm3, $0xFFFFFFFF, v1;
	v17 =	vcvt.f32.s32 v13;
	vm3 =	vlt.f32 v14, v13  }
.Ltmp2:
0x5a: {  	v13 =	vadd.s32 v16, v15;
	v14 =	vsel vm3, $0xFFFFFFFF, v1;
	(pc) =	sbr.rel @p1 .LBB2_2-.Ltmp2, $4  }
0x5b: {  	v14 =	vadd.s32 v17, v14;
	v13 =	vshll.u32 v13, $0x3  }
0x5c: {  	p2 =	slt.u32 s14, s6;
	s24 =	sadd.s32 $0x10, s24;
	s14 =	smov.u32 s4;
	vm3 =	vmmov vm0;
	v14 =	vand.u32 $0x7, v14;
	v13 =	vand.u32 $0x38, v13  }
0x5d: {  	v15 =	vmov s24;
	vm3 =	vmneg @p2 vm3;
	v13 =	vor.u32 v14, v13  }
0x5e: {  	s4 =	sadd.s32 $0x1, s4;
	v14 =	vshll.u32 v15, $0x1  }
0x5f: {  	_ = 	snop  }
0x60: {  	v14 =	vor.u32 v3, v14  }
0x61: {  	s4 =	sadd.s32 $0x10, s5;
	v15 =	vor.u32 $0x1, v14  }
0x62: {  	[tilespmem:s4+$0x0] =	vst v13  }
0x63: {  	[tilespmem:v13+s19+$0x0] =	vst.idx.add.s32.msk $0xffff, v4  }
0x64: {  	[tilespmem:v13+s20+$0x0] =	vst.idx.add.s32.msk vm3, v4  }
0x65: {  	v13 =	vld.idx.msk [tilespmem:v14+s3+$0x0], $0xffff  }
0x66: {  	v14 =	vld.idx.msk [tilespmem:v15+s3+$0x0], $0xffff;
	_ =	sdelay $0x3  }
0x67: {  	v13 =	vmul.f32 $1.600000000e+01, v13  }
0x68: {  	v14 =	vmul.f32 $1.600000000e+01, v14  }
0x69: {  	v13 =	vadd.f32 $5.000000000e-01, v13  }
0x6a: {  	v14 =	vadd.f32 $5.000000000e-01, v14  }
0x6b: {  	v15 =	vtrunc.f32 v13  }
0x6c: {  	v16 =	vcvt.f32.s32 v15;
	vm3 =	vlt.f32 v13, v15;
	v13 =	vtrunc.f32 v14  }
0x6d: {  	v15 =	vsel vm3, $0xFFFFFFFF, v1;
	v17 =	vcvt.f32.s32 v13;
	vm3 =	vlt.f32 v14, v13  }
0x6e: {  	v13 =	vadd.s32 v16, v15;
	v14 =	vsel vm3, $0xFFFFFFFF, v1  }
0x6f: {  	v14 =	vadd.s32 v17, v14;
	v13 =	vshll.u32 v13, $0x3  }
0x70: {  	p1 =	slt.u32 s14, s6;
	vm3 =	vmmov vm0;
	v14 =	vand.u32 $0x7, v14;
	v13 =	vand.u32 $0x38, v13  }
0x71: {  	vm3 =	vmneg @p1 vm3;
	v13 =	vor.u32 v14, v13;
	_ =	sdelay $0x2  }
0x72: {  	s4 =	sadd.s32 $0x10, s4  }
0x73: {  	[tilespmem:s4+$0x0] =	vst v13  }
0x74: {  	[tilespmem:v13+s19+$0x0] =	vst.idx.add.s32.msk $0xffff, v4  }
0x75: {  	[tilespmem:v13+s20+$0x0] =	vst.idx.add.s32.msk vm3, v4  }
0x76: {  	v13 =	vld [tilespmem:$0x1E300]  }
0x77: {  	v14 =	vld [tilespmem:$0x1E310];
	_ =	sdelay $0x1  }
0x78: {  	v15 =	vld [tilespmem:$0x1E320];
	_ =	sdelay $0x1  }
0x79: {  	(xrf0) =	vadd.scan.msk.s32 $0xffff, v13  }
0x7a: {  	(xrf0) =	vadd.scan.msk.s32 $0xffff, v14;
	_ =	sdelay $0x1  }
0x7b: {  	(xrf0) =	vadd.scan.msk.s32 $0xffff, v15;
	_ =	sdelay $0x2  }
0x7c: {  	v60, _, _ =	vpop (xrf0)  }
0x7d: {  	v61, _, _ =	vpop (xrf0);
	(v2sf) =	vpush v60, $0xF  }
0x7e: {  	(v2sf) =	vpush v61, $0xF  }
0x7f: {  	v18, _, _ =	vpop (xrf0)  }
0x80: {  	(v2sf) =	vpush v18, $0xF;
	_ =	sdelay $0x3  }
0x81: {  	v19 =	vld [tilespmem:$0x1E330];
	_ =	sdelay $0x2  }
0x82: {  	v20 =	vld [tilespmem:$0x1E380];
	_ =	sdelay $0x1  }
0x83: {  	v21 =	vld [tilespmem:$0x1E390];
	(xrf0) =	vadd.scan.msk.s32 $0xffff, v19;
	_ =	sdelay $0x1  }
0x84: {  	v22 =	vld [tilespmem:$0x1E3A0];
	v13 =	vsub.s32 v60, v13;
	v16 =	vbroadcast v60, $0xF  }
0x85: {  	[dreg:$0xf] =	wrdreg s0;
	[tilespmem:$0x1E480] =	vst v13;
	v13 =	vadd.s32 v20, v13;
	v14 =	vsub.s32 v61, v14;
	v15 =	vsub.s32 v18, v15;
	s0 =	spop (v2sf)  }
0x86: {  	[tilespmem:$0x1E400] =	vst v13;
	v13 =	vadd.s32 v16, v14;
	v14 =	vld [tilespmem:$0x1E3B0];
	s1 =	spop (v2sf)  }
0x87: {  	[tilespmem:$0x1E490] =	vst v13;
	v13 =	vadd.s32 v21, v13;
	s4 =	sadd.s32 s0, s1  }
0x88: {  	[tilespmem:$0x1E410] =	vst v13;
	s14 =	spop (v2sf);
	v13 =	vadd.s32 s4, v15;
	v15, _, _ =	vpop (xrf0)  }
0x89: {  	s4 =	sadd.s32 s4, s14;
	[tilespmem:$0x1E4A0] =	vst v13;
	v13 =	vadd.s32 v22, v13;
	v15 =	vsub.s32 v15, v19  }
0x8a: {  	[tilespmem:$0x1E420] =	vst v13;
	v13 =	vadd.s32 s4, v15  }
0x8b: {  	[tilespmem:$0x1E4B0] =	vst v13;
	v13 =	vadd.s32 v14, v13  }
0x8c: {  	s24 =	simm.s32 $0x0;
	[tilespmem:$0x1E430] =	vst v13  }
0x8d: {  	v13 =	vld.idx.msk [tilespmem:v0+s24+$0x0 ss:$0x1], $0xffff;
	_ =	sdelay $0x4  }
0x8e: {  	v13 =	vxor.u32 $0x80000000, v13  }
0x8f: {  	(xrf1) =	vsort.ascd.msk.u32 $0xffff, v13, v2;
	_ =	sdelay $0xd  }
0x90: {  	v13, v14, _ =	vpop (xrf1)  }
0x91: {  	v13 =	vxor.u32 $0x80000000, v13  }
0x92: {  	[tilespmem:$0x1E200] =	vst v13  }
0x93: {  	v15 =	vld.idx.msk [tilespmem:v5+s21+$0x0], $0xffff;
	_ =	sdelay $0x4  }
0x94: {  	vm3 =	veq.s32 v13, v15  }
0x95: {  	v15 =	vsel vm3, $0x80000000, v7  }
0x96: {  	(xrf0) =	vmax.scan.msk.u32 $0xffff, v15;
	_ =	sdelay $0x2  }
0x97: {  	v15 =	vld.idx.msk [tilespmem:v13+s22+$0x0], $0xffff;
	_ =	sdelay $0x2  }
0x98: {  	v63 =	vld.idx.msk [tilespmem:v6+s21+$0x0], $0xffff;
	v62, _, _ =	vpop (xrf0)  }
0x99: {  	v16 =	vxor.u32 $0x80000000, v62  }
0x9a: {  	v15 =	vsub.s32 v15, v16  }
0x9b: {  	v15 =	vadd.s32 v2, v15  }
0x9c: {  	[tilespmem:v14+s23+$0x0] =	vst.idx.msk $0xffff, v15  }
0x9d: {  	vm3 =	vne.s32 v13, v63;
	v14 =	vld [tilespmem:$0x1E280]  }
0x9e: {  	vm3 =	vmor vm3, vm1;
	_ =	sdelay $0x3  }
0x9f: {  	s5 =	simm.s32 $0x40;
	s14 =	simm.s32 $0x80;
	[tilespmem:s24+$0x6000] =	vst v14;
	v14 =	vsub.s32 v8, v16  }
.LBB2_4:
0xa0: {  	p1 =	sne.s32 s14, $0x3C0  }
0xa1: {  	s24 =	sshra.s32 s5, $0x2;
	[tilespmem:v13+s22+$0x0] =	vst.idx.add.s32.msk vm3, v14;
	s5 =	smov.u32 s14;
	s14 =	sadd.s32 $0x40, s14  }
0xa2: {  	v13 =	vld.idx.msk [tilespmem:v0+s24+$0x0 ss:$0x1], $0xffff;
	_ =	sdelay $0x5  }
0xa3: {  	v13 =	vxor.u32 $0x80000000, v13  }
0xa4: {  	(xrf1) =	vsort.ascd.msk.u32 $0xffff, v13, v2;
	_ =	sdelay $0xd  }
0xa5: {  	v13, v14, _ =	vpop (xrf1)  }
0xa6: {  	v13 =	vxor.u32 $0x80000000, v13  }
0xa7: {  	[tilespmem:$0x1E200] =	vst v13  }
0xa8: {  	v15 =	vld.idx.msk [tilespmem:v5+s21+$0x0], $0xffff;
	_ =	sdelay $0x5  }
0xa9: {  	vm3 =	veq.s32 v13, v15  }
0xaa: {  	v15 =	vsel vm3, $0x80000000, v7  }
0xab: {  	(xrf0) =	vmax.scan.msk.u32 $0xffff, v15;
	_ =	sdelay $0x1  }
0xac: {  	v15 =	vld.idx.msk [tilespmem:v13+s22+$0x0], $0xffff;
	_ =	sdelay $0x1  }
0xad: {  	v16 =	vld.idx.msk [tilespmem:v6+s21+$0x0], $0xffff;
	_ =	sdelay $0x1  }
0xae: {  	v17, _, _ =	vpop (xrf0)  }
0xaf: {  	v17 =	vxor.u32 $0x80000000, v17  }
0xb0: {  	v15 =	vsub.s32 v15, v17  }
0xb1: {  	v15 =	vadd.s32 v2, v15  }
0xb2: {  	vm3 =	vne.s32 v13, v16;
	[tilespmem:v14+s23+$0x0] =	vst.idx.msk $0xffff, v15  }
0xb3: {  	vm3 =	vmor vm3, vm1;
	v14 =	vld [tilespmem:$0x1E280]  }
.Ltmp3:
0xb4: {  	(pc) =	sbr.rel @p1 .LBB2_4-.Ltmp3, $2  }
0xb5: {  	_ =	sdelay $0x2  }
0xb6: {  	[tilespmem:s24+$0x6000] =	vst v14;
	v14 =	vsub.s32 v8, v17  }
0xb7: {  	_ =	sdelay $0x4  }
0xb8: {  	s4 =	sshra.s32 s5, $0x2;
	[tilespmem:v13+s22+$0x0] =	vst.idx.add.s32.msk vm3, v14  }
0xb9: {  	v13 =	vld.idx.msk [tilespmem:v0+s4+$0x0 ss:$0x1], $0xffff;
	_ =	sdelay $0x4  }
0xba: {  	v13 =	vxor.u32 $0x80000000, v13  }
0xbb: {  	(xrf1) =	vsort.ascd.msk.u32 $0xffff, v13, v2;
	_ =	sdelay $0xd  }
0xbc: {  	v13, v14, _ =	vpop (xrf1)  }
0xbd: {  	v13 =	vxor.u32 $0x80000000, v13  }
0xbe: {  	[tilespmem:$0x1E200] =	vst v13  }
0xbf: {  	v15 =	vld.idx.msk [tilespmem:v5+s21+$0x0], $0xffff;
	_ =	sdelay $0x4  }
0xc0: {  	vm3 =	veq.s32 v13, v15  }
0xc1: {  	v15 =	vsel vm3, $0x80000000, v7  }
0xc2: {  	(xrf0) =	vmax.scan.msk.u32 $0xffff, v15;
	_ =	sdelay $0x2  }
0xc3: {  	v15 =	vld.idx.msk [tilespmem:v13+s22+$0x0], $0xffff;
	_ =	sdelay $0x1  }
0xc4: {  	v16 =	vld.idx.msk [tilespmem:v6+s21+$0x0], $0xffff  }
0xc5: {  	v17, _, _ =	vpop (xrf0)  }
0xc6: {  	v17 =	vxor.u32 $0x80000000, v17  }
0xc7: {  	v15 =	vsub.s32 v15, v17  }
0xc8: {  	v15 =	vadd.s32 v2, v15  }
0xc9: {  	vm3 =	vne.s32 v13, v16;
	[tilespmem:v14+s23+$0x0] =	vst.idx.msk $0xffff, v15  }
0xca: {  	vm3 =	vmor vm3, vm1;
	v14 =	vld [tilespmem:$0x1E280];
	_ =	sdelay $0x4  }
0xcb: {  	[tilespmem:s4+$0x6000] =	vst v14;
	v14 =	vsub.s32 v8, v17  }
0xcc: {  	s5 =	rddreg [dreg:$0x7];
	s14 =	simm.s32 $0x6000;
	[tilespmem:v13+s22+$0x0] =	vst.idx.add.s32.msk vm3, v14  }
0xcd: {  	[hbm4b:s5+s3] =	stream.linear.scatter [tilespmem:s14], [sflag:$0x5], $0x100, $0x38;
	[tilespmem:$0x1E800] =	vst v63  }
0xce: {  	_ =	swait.ge [sflag:s7], $0x100  }
0xcf: {  	[sflag:s7] =	ssyncset.done $0x0  }
0xd0: {  	s24 =	rddreg [dreg:$0x6];
	[sflag:s7] =	ssyncadd.s32 $0xFFFFFF00  }
0xd1: {  	[tilespmem:s26], [sflag:$0x1] =	stream.linear.gather [hbm4b:s24+s3], $0xC000, $0x38;
	[tilespmem:$0x1E800] =	vst v63  }
0xd2: {  	v13 =	vld [tilespmem:$0x6000]  }
0xd3: {  	v14 =	vld [tilespmem:$0x6010]  }
0xd4: {  	v15 =	vld [tilespmem:$0x6020]  }
0xd5: {  	v60 =	vld [tilespmem:$0x6030];
	_ =	sdelay $0x1  }
0xd6: {  	[tilespmem:$0x6100] =	vst v13  }
0xd7: {  	[tilespmem:$0x6110] =	vst v14  }
0xd8: {  	[tilespmem:$0x6120] =	vst v15  }
0xd9: {  	s0 =	rddreg [dreg:$0x8];
	[tilespmem:$0x6130] =	vst v60  }
0xda: {  	[tilespmem:s28], [sflag:$0x2] =	stream.linear.gather [hbm4b:s0+s3], $0xC000, $0x38;
	[tilespmem:$0x1E800] =	vst v63  }
0xdb: {  	v13 =	vld [tilespmem:$0x6040]  }
0xdc: {  	v14 =	vld [tilespmem:$0x6050]  }
0xdd: {  	v15 =	vld [tilespmem:$0x6060]  }
0xde: {  	v61 =	vld [tilespmem:$0x6070];
	_ =	sdelay $0x1  }
0xdf: {  	[tilespmem:$0x6180] =	vst v13  }
0xe0: {  	[tilespmem:$0x6190] =	vst v14  }
0xe1: {  	[tilespmem:$0x61A0] =	vst v15  }
0xe2: {  	[tilespmem:$0x61B0] =	vst v61  }
0xe3: {  	_ =	swait.ge [sflag:s15], $0xC000  }
0xe4: {  	[sflag:s15] =	ssyncset.done $0x0  }
0xe5: {  	[sflag:s15] =	ssyncadd.s32 $0xFFFF4000  }
0xe6: {  	v13 =	vld [tilespmem:$0x6100];
	_ =	sdelay $0x4  }
0xe7: {  	v14 =	vshrl.u32 v13, $0x3  }
0xe8: {  	v14 =	vmul.u32 $0x30, v14  }
0xe9: {  	v13 =	vand.u32 $0x7, v13  }
0xea: {  	v13 =	vor.u32 v13, v14  }
0xeb: {  	v14 =	vperm.xlane v13, v9;
	_ =	sdelay $0x1  }
0xec: {  	v14 =	vadd.s32 v10, v14;
	_ =	sdelay $0x3  }
0xed: {  	v13 =	vperm.xlane v13, v11  }
0xee: {  	[hbm4b:s2+s3] =	stream.indirect_vreg.scatter [tilespmem:s26], [sflag:$0x3], $0x80, v14, vm2, $0xb8;
	[tilespmem:$0x1E800] =	vst v63  }
0xef: {  	s0 =	simm.s32 $0x6A00;
	v13 =	vadd.s32 v10, v13  }
0xf0: {  	[hbm4b:s10+s3] =	stream.indirect_vreg.scatter [tilespmem:s0], [sflag:$0x3], $0x80, v14, vm2, $0xb8;
	[tilespmem:$0x1E800] =	vst v63  }
0xf1: {  	s1 =	simm.s32 $0x7200  }
0xf2: {  	[hbm4b:s11+s3] =	stream.indirect_vreg.scatter [tilespmem:s1], [sflag:$0x3], $0x80, v14, vm2, $0xb8;
	[tilespmem:$0x1E800] =	vst v63  }
0xf3: {  	s4 =	simm.s32 $0x7A00  }
0xf4: {  	[hbm4b:s2+s3] =	stream.indirect_vreg.scatter [tilespmem:s4], [sflag:$0x3], $0x80, v13, vm2, $0xb8;
	[tilespmem:$0x1E800] =	vst v63  }
0xf5: {  	s5 =	simm.s32 $0x8200  }
0xf6: {  	[hbm4b:s10+s3] =	stream.indirect_vreg.scatter [tilespmem:s5], [sflag:$0x3], $0x80, v13, vm2, $0xb8;
	[tilespmem:$0x1E800] =	vst v63  }
0xf7: {  	s7 =	simm.s32 $0x8A00  }
0xf8: {  	[hbm4b:s11+s3] =	stream.indirect_vreg.scatter [tilespmem:s7], [sflag:$0x3], $0x80, v13, vm2, $0xb8;
	[tilespmem:$0x1E800] =	vst v63  }
0xf9: {  	v13 =	vld [tilespmem:$0x6110];
	_ =	sdelay $0x4  }
0xfa: {  	v14 =	vshrl.u32 v13, $0x3  }
0xfb: {  	v14 =	vmul.u32 $0x30, v14  }
0xfc: {  	v13 =	vand.u32 $0x7, v13  }
0xfd: {  	v13 =	vor.u32 v13, v14  }
0xfe: {  	v14 =	vperm.xlane v13, v9;
	_ =	sdelay $0x1  }
0xff: {  	v14 =	vadd.s32 v10, v14;
	_ =	sdelay $0x3  }
0x100: {  	s7 =	simm.s32 $0x9200;
	v13 =	vperm.xlane v13, v11  }
0x101: {  	[hbm4b:s2+s3] =	stream.indirect_vreg.scatter [tilespmem:s7], [sflag:$0x3], $0x80, v14, vm2, $0xb8;
	[tilespmem:$0x1E800] =	vst v63  }
0x102: {  	s14 =	simm.s32 $0x9A00;
	v13 =	vadd.s32 v10, v13  }
0x103: {  	[hbm4b:s10+s3] =	stream.indirect_vreg.scatter [tilespmem:s14], [sflag:$0x3], $0x80, v14, vm2, $0xb8;
	[tilespmem:$0x1E800] =	vst v63  }
0x104: {  	s24 =	simm.s32 $0xA200  }
0x105: {  	[hbm4b:s11+s3] =	stream.indirect_vreg.scatter [tilespmem:s24], [sflag:$0x3], $0x80, v14, vm2, $0xb8;
	[tilespmem:$0x1E800] =	vst v63  }
0x106: {  	s1 =	simm.s32 $0xAA00  }
0x107: {  	[hbm4b:s2+s3] =	stream.indirect_vreg.scatter [tilespmem:s1], [sflag:$0x3], $0x80, v13, vm2, $0xb8;
	[tilespmem:$0x1E800] =	vst v63  }
0x108: {  	s4 =	simm.s32 $0xB200  }
0x109: {  	[hbm4b:s10+s3] =	stream.indirect_vreg.scatter [tilespmem:s4], [sflag:$0x3], $0x80, v13, vm2, $0xb8;
	[tilespmem:$0x1E800] =	vst v63  }
0x10a: {  	s5 =	simm.s32 $0xBA00  }
0x10b: {  	[hbm4b:s11+s3] =	stream.indirect_vreg.scatter [tilespmem:s5], [sflag:$0x3], $0x80, v13, vm2, $0xb8;
	[tilespmem:$0x1E800] =	vst v63  }
0x10c: {  	v13 =	vld [tilespmem:$0x6120];
	_ =	sdelay $0x4  }
0x10d: {  	v14 =	vshrl.u32 v13, $0x3  }
0x10e: {  	v14 =	vmul.u32 $0x30, v14  }
0x10f: {  	v13 =	vand.u32 $0x7, v13  }
0x110: {  	v13 =	vor.u32 v13, v14  }
0x111: {  	v14 =	vperm.xlane v13, v9;
	_ =	sdelay $0x1  }
0x112: {  	v14 =	vadd.s32 v10, v14;
	_ =	sdelay $0x3  }
0x113: {  	s14 =	simm.s32 $0xC200;
	v13 =	vperm.xlane v13, v11  }
0x114: {  	[hbm4b:s2+s3] =	stream.indirect_vreg.scatter [tilespmem:s14], [sflag:$0x3], $0x80, v14, vm2, $0xb8;
	[tilespmem:$0x1E800] =	vst v63  }
0x115: {  	s24 =	simm.s32 $0xCA00;
	v13 =	vadd.s32 v10, v13  }
0x116: {  	[hbm4b:s10+s3] =	stream.indirect_vreg.scatter [tilespmem:s24], [sflag:$0x3], $0x80, v14, vm2, $0xb8;
	[tilespmem:$0x1E800] =	vst v63  }
0x117: {  	s1 =	simm.s32 $0xD200  }
0x118: {  	[hbm4b:s11+s3] =	stream.indirect_vreg.scatter [tilespmem:s1], [sflag:$0x3], $0x80, v14, vm2, $0xb8;
	[tilespmem:$0x1E800] =	vst v63  }
0x119: {  	s4 =	simm.s32 $0xDA00  }
0x11a: {  	[hbm4b:s2+s3] =	stream.indirect_vreg.scatter [tilespmem:s4], [sflag:$0x3], $0x80, v13, vm2, $0xb8;
	[tilespmem:$0x1E800] =	vst v63  }
0x11b: {  	s5 =	simm.s32 $0xE200  }
0x11c: {  	[hbm4b:s10+s3] =	stream.indirect_vreg.scatter [tilespmem:s5], [sflag:$0x3], $0x80, v13, vm2, $0xb8;
	[tilespmem:$0x1E800] =	vst v63  }
0x11d: {  	s14 =	simm.s32 $0xEA00  }
0x11e: {  	[hbm4b:s11+s3] =	stream.indirect_vreg.scatter [tilespmem:s14], [sflag:$0x3], $0x80, v13, vm2, $0xb8;
	[tilespmem:$0x1E800] =	vst v63  }
0x11f: {  	v13 =	vld [tilespmem:$0x6130];
	_ =	sdelay $0x4  }
0x120: {  	v14 =	vshrl.u32 v13, $0x3  }
0x121: {  	v14 =	vmul.u32 $0x30, v14  }
0x122: {  	v13 =	vand.u32 $0x7, v13  }
0x123: {  	v13 =	vor.u32 v13, v14  }
0x124: {  	v14 =	vperm.xlane v13, v9;
	_ =	sdelay $0x1  }
0x125: {  	v14 =	vadd.s32 v10, v14;
	_ =	sdelay $0x3  }
0x126: {  	s24 =	simm.s32 $0xF200;
	v13 =	vperm.xlane v13, v11  }
0x127: {  	[hbm4b:s2+s3] =	stream.indirect_vreg.scatter [tilespmem:s24], [sflag:$0x3], $0x80, v14, vm2, $0xb8;
	[tilespmem:$0x1E800] =	vst v63  }
0x128: {  	s1 =	simm.s32 $0xFA00;
	v13 =	vadd.s32 v10, v13  }
0x129: {  	[hbm4b:s10+s3] =	stream.indirect_vreg.scatter [tilespmem:s1], [sflag:$0x3], $0x80, v14, vm2, $0xb8;
	[tilespmem:$0x1E800] =	vst v63  }
0x12a: {  	s4 =	simm.s32 $0x10200  }
0x12b: {  	[hbm4b:s11+s3] =	stream.indirect_vreg.scatter [tilespmem:s4], [sflag:$0x3], $0x80, v14, vm2, $0xb8;
	[tilespmem:$0x1E800] =	vst v63  }
0x12c: {  	s5 =	simm.s32 $0x10A00  }
0x12d: {  	[hbm4b:s2+s3] =	stream.indirect_vreg.scatter [tilespmem:s5], [sflag:$0x3], $0x80, v13, vm2, $0xb8;
	[tilespmem:$0x1E800] =	vst v63  }
0x12e: {  	s14 =	simm.s32 $0x11200  }
0x12f: {  	[hbm4b:s10+s3] =	stream.indirect_vreg.scatter [tilespmem:s14], [sflag:$0x3], $0x80, v13, vm2, $0xb8;
	[tilespmem:$0x1E800] =	vst v63  }
0x130: {  	s24 =	simm.s32 $0x11A00;
	s5 =	simm.s32 $0x3  }
0x131: {  	[hbm4b:s11+s3] =	stream.indirect_vreg.scatter [tilespmem:s24], [sflag:$0x3], $0x80, v13, vm2, $0xb8;
	[tilespmem:$0x1E800] =	vst v63  }
0x132: {  	_ =	swait.ge [sflag:s5], $0xC000  }
0x133: {  	[sflag:s5] =	ssyncset.done $0x0  }
0x134: {  	s1 =	rddreg [dreg:$0x9];
	[sflag:s5] =	ssyncadd.s32 $0xFFFF4000  }
0x135: {  	[tilespmem:s26], [sflag:$0x1] =	stream.linear.gather [hbm4b:s1+s3], $0xC000, $0x38;
	[tilespmem:$0x1E800] =	vst v63  }
0x136: {  	v13 =	vld [tilespmem:$0x6080]  }
0x137: {  	v14 =	vld [tilespmem:$0x6090]  }
0x138: {  	v15 =	vld [tilespmem:$0x60A0]  }
0x139: {  	v62 =	vld [tilespmem:$0x60B0];
	_ =	sdelay $0x1  }
0x13a: {  	[tilespmem:$0x6100] =	vst v13  }
0x13b: {  	[tilespmem:$0x6110] =	vst v14  }
0x13c: {  	[tilespmem:$0x6120] =	vst v15  }
0x13d: {  	s0 =	simm.s32 $0x2;
	[tilespmem:$0x6130] =	vst v62  }
0x13e: {  	_ =	swait.ge [sflag:s0], $0xC000  }
0x13f: {  	[sflag:s0] =	ssyncset.done $0x0  }
0x140: {  	[sflag:s0] =	ssyncadd.s32 $0xFFFF4000  }
0x141: {  	v13 =	vld [tilespmem:$0x6180];
	_ =	sdelay $0x4  }
0x142: {  	v14 =	vshrl.u32 v13, $0x3  }
0x143: {  	v14 =	vmul.u32 $0x30, v14  }
0x144: {  	v13 =	vand.u32 $0x7, v13  }
0x145: {  	v13 =	vor.u32 v13, v14  }
0x146: {  	v14 =	vperm.xlane v13, v9;
	_ =	sdelay $0x1  }
0x147: {  	v14 =	vadd.s32 v10, v14;
	_ =	sdelay $0x3  }
0x148: {  	v13 =	vperm.xlane v13, v11  }
0x149: {  	[hbm4b:s2+s3] =	stream.indirect_vreg.scatter [tilespmem:s28], [sflag:$0x4], $0x80, v14, vm2, $0xb8;
	[tilespmem:$0x1E800] =	vst v63  }
0x14a: {  	s1 =	simm.s32 $0x12A00;
	v13 =	vadd.s32 v10, v13  }
0x14b: {  	[hbm4b:s10+s3] =	stream.indirect_vreg.scatter [tilespmem:s1], [sflag:$0x4], $0x80, v14, vm2, $0xb8;
	[tilespmem:$0x1E800] =	vst v63  }
0x14c: {  	_ = 	snop  }
0x14d: {  	[hbm4b:s11+s3] =	stream.indirect_vreg.scatter [tilespmem:s8], [sflag:$0x4], $0x80, v14, vm2, $0xb8;
	[tilespmem:$0x1E800] =	vst v63  }
0x14e: {  	_ = 	snop  }
0x14f: {  	[hbm4b:s2+s3] =	stream.indirect_vreg.scatter [tilespmem:s9], [sflag:$0x4], $0x80, v13, vm2, $0xb8;
	[tilespmem:$0x1E800] =	vst v63  }
0x150: {  	_ = 	snop  }
0x151: {  	[hbm4b:s10+s3] =	stream.indirect_vreg.scatter [tilespmem:s12], [sflag:$0x4], $0x80, v13, vm2, $0xb8;
	[tilespmem:$0x1E800] =	vst v63  }
0x152: {  	_ = 	snop  }
0x153: {  	[hbm4b:s11+s3] =	stream.indirect_vreg.scatter [tilespmem:s13], [sflag:$0x4], $0x80, v13, vm2, $0xb8;
	[tilespmem:$0x1E800] =	vst v63  }
0x154: {  	v13 =	vld [tilespmem:$0x6190];
	_ =	sdelay $0x4  }
0x155: {  	v14 =	vshrl.u32 v13, $0x3  }
0x156: {  	v14 =	vmul.u32 $0x30, v14  }
0x157: {  	v13 =	vand.u32 $0x7, v13  }
0x158: {  	v13 =	vor.u32 v13, v14  }
0x159: {  	v14 =	vperm.xlane v13, v9;
	_ =	sdelay $0x1  }
0x15a: {  	v14 =	vadd.s32 v10, v14;
	_ =	sdelay $0x3  }
0x15b: {  	s14 =	simm.s32 $0x15200;
	v13 =	vperm.xlane v13, v11  }
0x15c: {  	[hbm4b:s2+s3] =	stream.indirect_vreg.scatter [tilespmem:s14], [sflag:$0x4], $0x80, v14, vm2, $0xb8;
	[tilespmem:$0x1E800] =	vst v63  }
0x15d: {  	v13 =	vadd.s32 v10, v13  }
0x15e: {  	[hbm4b:s10+s3] =	stream.indirect_vreg.scatter [tilespmem:s16], [sflag:$0x4], $0x80, v14, vm2, $0xb8;
	[tilespmem:$0x1E800] =	vst v63  }
0x15f: {  	_ = 	snop  }
0x160: {  	[hbm4b:s11+s3] =	stream.indirect_vreg.scatter [tilespmem:s17], [sflag:$0x4], $0x80, v14, vm2, $0xb8;
	[tilespmem:$0x1E800] =	vst v63  }
0x161: {  	_ = 	snop  }
0x162: {  	[hbm4b:s2+s3] =	stream.indirect_vreg.scatter [tilespmem:s18], [sflag:$0x4], $0x80, v13, vm2, $0xb8;
	[tilespmem:$0x1E800] =	vst v63  }
0x163: {  	s24 =	simm.s32 $0x17200  }
0x164: {  	[hbm4b:s10+s3] =	stream.indirect_vreg.scatter [tilespmem:s24], [sflag:$0x4], $0x80, v13, vm2, $0xb8;
	[tilespmem:$0x1E800] =	vst v63  }
0x165: {  	_ = 	snop  }
0x166: {  	[hbm4b:s11+s3] =	stream.indirect_vreg.scatter [tilespmem:s25], [sflag:$0x4], $0x80, v13, vm2, $0xb8;
	[tilespmem:$0x1E800] =	vst v63  }
0x167: {  	v13 =	vld [tilespmem:$0x61A0];
	_ =	sdelay $0x4  }
0x168: {  	v14 =	vshrl.u32 v13, $0x3  }
0x169: {  	v14 =	vmul.u32 $0x30, v14  }
0x16a: {  	v13 =	vand.u32 $0x7, v13  }
0x16b: {  	v13 =	vor.u32 v13, v14  }
0x16c: {  	v14 =	vperm.xlane v13, v9;
	_ =	sdelay $0x1  }
0x16d: {  	v14 =	vadd.s32 v10, v14;
	_ =	sdelay $0x3  }
0x16e: {  	v13 =	vperm.xlane v13, v11  }
0x16f: {  	[hbm4b:s2+s3] =	stream.indirect_vreg.scatter [tilespmem:s29], [sflag:$0x4], $0x80, v14, vm2, $0xb8;
	[tilespmem:$0x1E800] =	vst v63  }
0x170: {  	v13 =	vadd.s32 v10, v13  }
0x171: {  	[hbm4b:s10+s3] =	stream.indirect_vreg.scatter [tilespmem:s31], [sflag:$0x4], $0x80, v14, vm2, $0xb8;
	[tilespmem:$0x1E800] =	vst v63  }
0x172: {  	s4 =	simm.s32 $0x19200  }
0x173: {  	[hbm4b:s11+s3] =	stream.indirect_vreg.scatter [tilespmem:s4], [sflag:$0x4], $0x80, v14, vm2, $0xb8;
	[tilespmem:$0x1E800] =	vst v63  }
0x174: {  	s4 =	simm.s32 $0x19A00  }
0x175: {  	[hbm4b:s2+s3] =	stream.indirect_vreg.scatter [tilespmem:s4], [sflag:$0x4], $0x80, v13, vm2, $0xb8;
	[tilespmem:$0x1E800] =	vst v63  }
0x176: {  	s4 =	simm.s32 $0x1A200  }
0x177: {  	[hbm4b:s10+s3] =	stream.indirect_vreg.scatter [tilespmem:s4], [sflag:$0x4], $0x80, v13, vm2, $0xb8;
	[tilespmem:$0x1E800] =	vst v63  }
0x178: {  	s4 =	simm.s32 $0x1AA00  }
0x179: {  	[hbm4b:s11+s3] =	stream.indirect_vreg.scatter [tilespmem:s4], [sflag:$0x4], $0x80, v13, vm2, $0xb8;
	[tilespmem:$0x1E800] =	vst v63  }
0x17a: {  	v13 =	vld [tilespmem:$0x61B0];
	_ =	sdelay $0x4  }
0x17b: {  	v14 =	vshrl.u32 v13, $0x3  }
0x17c: {  	v14 =	vmul.u32 $0x30, v14  }
0x17d: {  	v13 =	vand.u32 $0x7, v13  }
0x17e: {  	v13 =	vor.u32 v13, v14  }
0x17f: {  	v14 =	vperm.xlane v13, v9;
	_ =	sdelay $0x1  }
0x180: {  	v14 =	vadd.s32 v10, v14;
	_ =	sdelay $0x3  }
0x181: {  	s4 =	simm.s32 $0x1B200;
	v13 =	vperm.xlane v13, v11  }
0x182: {  	[hbm4b:s2+s3] =	stream.indirect_vreg.scatter [tilespmem:s4], [sflag:$0x4], $0x80, v14, vm2, $0xb8;
	[tilespmem:$0x1E800] =	vst v63  }
0x183: {  	v13 =	vadd.s32 v10, v13;
	s4 =	simm.s32 $0x1BA00  }
0x184: {  	[hbm4b:s10+s3] =	stream.indirect_vreg.scatter [tilespmem:s4], [sflag:$0x4], $0x80, v14, vm2, $0xb8;
	[tilespmem:$0x1E800] =	vst v63  }
0x185: {  	s4 =	simm.s32 $0x1C200  }
0x186: {  	[hbm4b:s11+s3] =	stream.indirect_vreg.scatter [tilespmem:s4], [sflag:$0x4], $0x80, v14, vm2, $0xb8;
	[tilespmem:$0x1E800] =	vst v63  }
0x187: {  	s4 =	simm.s32 $0x1CA00  }
0x188: {  	[hbm4b:s2+s3] =	stream.indirect_vreg.scatter [tilespmem:s4], [sflag:$0x4], $0x80, v13, vm2, $0xb8;
	[tilespmem:$0x1E800] =	vst v63  }
0x189: {  	s4 =	simm.s32 $0x1D200  }
0x18a: {  	[hbm4b:s10+s3] =	stream.indirect_vreg.scatter [tilespmem:s4], [sflag:$0x4], $0x80, v13, vm2, $0xb8;
	[tilespmem:$0x1E800] =	vst v63  }
0x18b: {  	s1 =	simm.s32 $0x4;
	s4 =	simm.s32 $0x1DA00  }
0x18c: {  	[hbm4b:s11+s3] =	stream.indirect_vreg.scatter [tilespmem:s4], [sflag:$0x4], $0x80, v13, vm2, $0xb8;
	[tilespmem:$0x1E800] =	vst v63  }
0x18d: {  	_ =	swait.ge [sflag:s1], $0xC000  }
0x18e: {  	[sflag:s1] =	ssyncset.done $0x0  }
0x18f: {  	s4 =	rddreg [dreg:$0xa];
	[sflag:s1] =	ssyncadd.s32 $0xFFFF4000  }
0x190: {  	[tilespmem:s28], [sflag:$0x2] =	stream.linear.gather [hbm4b:s4+s3], $0xC000, $0x38;
	[tilespmem:$0x1E800] =	vst v63  }
0x191: {  	v13 =	vld [tilespmem:$0x60C0]  }
0x192: {  	v14 =	vld [tilespmem:$0x60D0]  }
0x193: {  	v15 =	vld [tilespmem:$0x60E0]  }
0x194: {  	v63 =	vld [tilespmem:$0x60F0];
	_ =	sdelay $0x1  }
0x195: {  	[tilespmem:$0x6180] =	vst v13  }
0x196: {  	[tilespmem:$0x6190] =	vst v14  }
0x197: {  	[tilespmem:$0x61A0] =	vst v15  }
0x198: {  	[tilespmem:$0x61B0] =	vst v63  }
0x199: {  	_ =	swait.ge [sflag:s15], $0xC000  }
0x19a: {  	[sflag:s15] =	ssyncset.done $0x0  }
0x19b: {  	[sflag:s15] =	ssyncadd.s32 $0xFFFF4000  }
0x19c: {  	v13 =	vld [tilespmem:$0x6100];
	_ =	sdelay $0x4  }
0x19d: {  	v14 =	vshrl.u32 v13, $0x3  }
0x19e: {  	v14 =	vmul.u32 $0x30, v14  }
0x19f: {  	v13 =	vand.u32 $0x7, v13  }
0x1a0: {  	v13 =	vor.u32 v13, v14  }
0x1a1: {  	v14 =	vperm.xlane v13, v9;
	_ =	sdelay $0x1  }
0x1a2: {  	v14 =	vadd.s32 v10, v14;
	_ =	sdelay $0x3  }
0x1a3: {  	v13 =	vperm.xlane v13, v11  }
0x1a4: {  	[hbm4b:s2+s3] =	stream.indirect_vreg.scatter [tilespmem:s26], [sflag:$0x3], $0x80, v14, vm2, $0xb8;
	[tilespmem:$0x1E800] =	vst v63  }
0x1a5: {  	s4 =	simm.s32 $0x6A00;
	v13 =	vadd.s32 v10, v13  }
0x1a6: {  	[hbm4b:s10+s3] =	stream.indirect_vreg.scatter [tilespmem:s4], [sflag:$0x3], $0x80, v14, vm2, $0xb8;
	[tilespmem:$0x1E800] =	vst v63  }
0x1a7: {  	s4 =	simm.s32 $0x7200  }
0x1a8: {  	[hbm4b:s11+s3] =	stream.indirect_vreg.scatter [tilespmem:s4], [sflag:$0x3], $0x80, v14, vm2, $0xb8;
	[tilespmem:$0x1E800] =	vst v63  }
0x1a9: {  	s4 =	simm.s32 $0x7A00  }
0x1aa: {  	[hbm4b:s2+s3] =	stream.indirect_vreg.scatter [tilespmem:s4], [sflag:$0x3], $0x80, v13, vm2, $0xb8;
	[tilespmem:$0x1E800] =	vst v63  }
0x1ab: {  	s4 =	simm.s32 $0x8200  }
0x1ac: {  	[hbm4b:s10+s3] =	stream.indirect_vreg.scatter [tilespmem:s4], [sflag:$0x3], $0x80, v13, vm2, $0xb8;
	[tilespmem:$0x1E800] =	vst v63  }
0x1ad: {  	s4 =	simm.s32 $0x8A00  }
0x1ae: {  	[hbm4b:s11+s3] =	stream.indirect_vreg.scatter [tilespmem:s4], [sflag:$0x3], $0x80, v13, vm2, $0xb8;
	[tilespmem:$0x1E800] =	vst v63  }
0x1af: {  	v13 =	vld [tilespmem:$0x6110];
	_ =	sdelay $0x4  }
0x1b0: {  	v14 =	vshrl.u32 v13, $0x3  }
0x1b1: {  	v14 =	vmul.u32 $0x30, v14  }
0x1b2: {  	v13 =	vand.u32 $0x7, v13  }
0x1b3: {  	v13 =	vor.u32 v13, v14  }
0x1b4: {  	v14 =	vperm.xlane v13, v9;
	_ =	sdelay $0x1  }
0x1b5: {  	v14 =	vadd.s32 v10, v14;
	_ =	sdelay $0x3  }
0x1b6: {  	v13 =	vperm.xlane v13, v11  }
0x1b7: {  	[hbm4b:s2+s3] =	stream.indirect_vreg.scatter [tilespmem:s7], [sflag:$0x3], $0x80, v14, vm2, $0xb8;
	[tilespmem:$0x1E800] =	vst v63  }
0x1b8: {  	s4 =	simm.s32 $0x9A00;
	v13 =	vadd.s32 v10, v13  }
0x1b9: {  	[hbm4b:s10+s3] =	stream.indirect_vreg.scatter [tilespmem:s4], [sflag:$0x3], $0x80, v14, vm2, $0xb8;
	[tilespmem:$0x1E800] =	vst v63  }
0x1ba: {  	s4 =	simm.s32 $0xA200  }
0x1bb: {  	[hbm4b:s11+s3] =	stream.indirect_vreg.scatter [tilespmem:s4], [sflag:$0x3], $0x80, v14, vm2, $0xb8;
	[tilespmem:$0x1E800] =	vst v63  }
0x1bc: {  	s4 =	simm.s32 $0xAA00  }
0x1bd: {  	[hbm4b:s2+s3] =	stream.indirect_vreg.scatter [tilespmem:s4], [sflag:$0x3], $0x80, v13, vm2, $0xb8;
	[tilespmem:$0x1E800] =	vst v63  }
0x1be: {  	s4 =	simm.s32 $0xB200  }
0x1bf: {  	[hbm4b:s10+s3] =	stream.indirect_vreg.scatter [tilespmem:s4], [sflag:$0x3], $0x80, v13, vm2, $0xb8;
	[tilespmem:$0x1E800] =	vst v63  }
0x1c0: {  	s4 =	simm.s32 $0xBA00  }
0x1c1: {  	[hbm4b:s11+s3] =	stream.indirect_vreg.scatter [tilespmem:s4], [sflag:$0x3], $0x80, v13, vm2, $0xb8;
	[tilespmem:$0x1E800] =	vst v63  }
0x1c2: {  	v13 =	vld [tilespmem:$0x6120];
	_ =	sdelay $0x4  }
0x1c3: {  	v14 =	vshrl.u32 v13, $0x3  }
0x1c4: {  	v14 =	vmul.u32 $0x30, v14  }
0x1c5: {  	v13 =	vand.u32 $0x7, v13  }
0x1c6: {  	v13 =	vor.u32 v13, v14  }
0x1c7: {  	v14 =	vperm.xlane v13, v9;
	_ =	sdelay $0x1  }
0x1c8: {  	v14 =	vadd.s32 v10, v14;
	_ =	sdelay $0x3  }
0x1c9: {  	s4 =	simm.s32 $0xC200;
	v13 =	vperm.xlane v13, v11  }
0x1ca: {  	[hbm4b:s2+s3] =	stream.indirect_vreg.scatter [tilespmem:s4], [sflag:$0x3], $0x80, v14, vm2, $0xb8;
	[tilespmem:$0x1E800] =	vst v63  }
0x1cb: {  	v13 =	vadd.s32 v10, v13;
	s4 =	simm.s32 $0xCA00  }
0x1cc: {  	[hbm4b:s10+s3] =	stream.indirect_vreg.scatter [tilespmem:s4], [sflag:$0x3], $0x80, v14, vm2, $0xb8;
	[tilespmem:$0x1E800] =	vst v63  }
0x1cd: {  	s4 =	simm.s32 $0xD200  }
0x1ce: {  	[hbm4b:s11+s3] =	stream.indirect_vreg.scatter [tilespmem:s4], [sflag:$0x3], $0x80, v14, vm2, $0xb8;
	[tilespmem:$0x1E800] =	vst v63  }
0x1cf: {  	s4 =	simm.s32 $0xDA00  }
0x1d0: {  	[hbm4b:s2+s3] =	stream.indirect_vreg.scatter [tilespmem:s4], [sflag:$0x3], $0x80, v13, vm2, $0xb8;
	[tilespmem:$0x1E800] =	vst v63  }
0x1d1: {  	s4 =	simm.s32 $0xE200  }
0x1d2: {  	[hbm4b:s10+s3] =	stream.indirect_vreg.scatter [tilespmem:s4], [sflag:$0x3], $0x80, v13, vm2, $0xb8;
	[tilespmem:$0x1E800] =	vst v63  }
0x1d3: {  	s4 =	simm.s32 $0xEA00  }
0x1d4: {  	[hbm4b:s11+s3] =	stream.indirect_vreg.scatter [tilespmem:s4], [sflag:$0x3], $0x80, v13, vm2, $0xb8;
	[tilespmem:$0x1E800] =	vst v63  }
0x1d5: {  	v13 =	vld [tilespmem:$0x6130];
	_ =	sdelay $0x4  }
0x1d6: {  	v14 =	vshrl.u32 v13, $0x3  }
0x1d7: {  	v14 =	vmul.u32 $0x30, v14  }
0x1d8: {  	v13 =	vand.u32 $0x7, v13  }
0x1d9: {  	v13 =	vor.u32 v13, v14  }
0x1da: {  	v14 =	vperm.xlane v13, v9;
	_ =	sdelay $0x1  }
0x1db: {  	v14 =	vadd.s32 v10, v14;
	_ =	sdelay $0x3  }
0x1dc: {  	s4 =	simm.s32 $0xF200;
	v13 =	vperm.xlane v13, v11  }
0x1dd: {  	[hbm4b:s2+s3] =	stream.indirect_vreg.scatter [tilespmem:s4], [sflag:$0x3], $0x80, v14, vm2, $0xb8;
	[tilespmem:$0x1E800] =	vst v63  }
0x1de: {  	v13 =	vadd.s32 v10, v13;
	s4 =	simm.s32 $0xFA00  }
0x1df: {  	[hbm4b:s10+s3] =	stream.indirect_vreg.scatter [tilespmem:s4], [sflag:$0x3], $0x80, v14, vm2, $0xb8;
	[tilespmem:$0x1E800] =	vst v63  }
0x1e0: {  	s4 =	simm.s32 $0x10200  }
0x1e1: {  	[hbm4b:s11+s3] =	stream.indirect_vreg.scatter [tilespmem:s4], [sflag:$0x3], $0x80, v14, vm2, $0xb8;
	[tilespmem:$0x1E800] =	vst v63  }
0x1e2: {  	s4 =	simm.s32 $0x10A00  }
0x1e3: {  	[hbm4b:s2+s3] =	stream.indirect_vreg.scatter [tilespmem:s4], [sflag:$0x3], $0x80, v13, vm2, $0xb8;
	[tilespmem:$0x1E800] =	vst v63  }
0x1e4: {  	s4 =	simm.s32 $0x11200  }
0x1e5: {  	[hbm4b:s10+s3] =	stream.indirect_vreg.scatter [tilespmem:s4], [sflag:$0x3], $0x80, v13, vm2, $0xb8;
	[tilespmem:$0x1E800] =	vst v63  }
0x1e6: {  	s4 =	simm.s32 $0x11A00  }
0x1e7: {  	[hbm4b:s11+s3] =	stream.indirect_vreg.scatter [tilespmem:s4], [sflag:$0x3], $0x80, v13, vm2, $0xb8;
	[tilespmem:$0x1E800] =	vst v63  }
0x1e8: {  	_ =	swait.ge [sflag:s0], $0xC000  }
0x1e9: {  	[sflag:s0] =	ssyncset.done $0x0  }
0x1ea: {  	[sflag:s0] =	ssyncadd.s32 $0xFFFF4000  }
0x1eb: {  	v13 =	vld [tilespmem:$0x6180];
	_ =	sdelay $0x4  }
0x1ec: {  	v14 =	vshrl.u32 v13, $0x3  }
0x1ed: {  	v14 =	vmul.u32 $0x30, v14  }
0x1ee: {  	v13 =	vand.u32 $0x7, v13  }
0x1ef: {  	v13 =	vor.u32 v13, v14  }
0x1f0: {  	v14 =	vperm.xlane v13, v9;
	_ =	sdelay $0x1  }
0x1f1: {  	v14 =	vadd.s32 v10, v14;
	_ =	sdelay $0x3  }
0x1f2: {  	v13 =	vperm.xlane v13, v11  }
0x1f3: {  	[hbm4b:s2+s3] =	stream.indirect_vreg.scatter [tilespmem:s28], [sflag:$0x4], $0x80, v14, vm2, $0xb8;
	[tilespmem:$0x1E800] =	vst v63  }
0x1f4: {  	s4 =	simm.s32 $0x12A00;
	v13 =	vadd.s32 v10, v13  }
0x1f5: {  	[hbm4b:s10+s3] =	stream.indirect_vreg.scatter [tilespmem:s4], [sflag:$0x4], $0x80, v14, vm2, $0xb8;
	[tilespmem:$0x1E800] =	vst v63  }
0x1f6: {  	_ = 	snop  }
0x1f7: {  	[hbm4b:s11+s3] =	stream.indirect_vreg.scatter [tilespmem:s8], [sflag:$0x4], $0x80, v14, vm2, $0xb8;
	[tilespmem:$0x1E800] =	vst v63  }
0x1f8: {  	_ = 	snop  }
0x1f9: {  	[hbm4b:s2+s3] =	stream.indirect_vreg.scatter [tilespmem:s9], [sflag:$0x4], $0x80, v13, vm2, $0xb8;
	[tilespmem:$0x1E800] =	vst v63  }
0x1fa: {  	_ = 	snop  }
0x1fb: {  	[hbm4b:s10+s3] =	stream.indirect_vreg.scatter [tilespmem:s12], [sflag:$0x4], $0x80, v13, vm2, $0xb8;
	[tilespmem:$0x1E800] =	vst v63  }
0x1fc: {  	_ = 	snop  }
0x1fd: {  	[hbm4b:s11+s3] =	stream.indirect_vreg.scatter [tilespmem:s13], [sflag:$0x4], $0x80, v13, vm2, $0xb8;
	[tilespmem:$0x1E800] =	vst v63  }
0x1fe: {  	v13 =	vld [tilespmem:$0x6190];
	_ =	sdelay $0x4  }
0x1ff: {  	v14 =	vshrl.u32 v13, $0x3  }
0x200: {  	v14 =	vmul.u32 $0x30, v14  }
0x201: {  	v13 =	vand.u32 $0x7, v13  }
0x202: {  	v13 =	vor.u32 v13, v14  }
0x203: {  	v14 =	vperm.xlane v13, v9;
	_ =	sdelay $0x1  }
0x204: {  	v14 =	vadd.s32 v10, v14;
	_ =	sdelay $0x3  }
0x205: {  	v13 =	vperm.xlane v13, v11  }
0x206: {  	[hbm4b:s2+s3] =	stream.indirect_vreg.scatter [tilespmem:s14], [sflag:$0x4], $0x80, v14, vm2, $0xb8;
	[tilespmem:$0x1E800] =	vst v63  }
0x207: {  	v13 =	vadd.s32 v10, v13  }
0x208: {  	[hbm4b:s10+s3] =	stream.indirect_vreg.scatter [tilespmem:s16], [sflag:$0x4], $0x80, v14, vm2, $0xb8;
	[tilespmem:$0x1E800] =	vst v63  }
0x209: {  	_ = 	snop  }
0x20a: {  	[hbm4b:s11+s3] =	stream.indirect_vreg.scatter [tilespmem:s17], [sflag:$0x4], $0x80, v14, vm2, $0xb8;
	[tilespmem:$0x1E800] =	vst v63  }
0x20b: {  	_ = 	snop  }
0x20c: {  	[hbm4b:s2+s3] =	stream.indirect_vreg.scatter [tilespmem:s18], [sflag:$0x4], $0x80, v13, vm2, $0xb8;
	[tilespmem:$0x1E800] =	vst v63  }
0x20d: {  	_ = 	snop  }
0x20e: {  	[hbm4b:s10+s3] =	stream.indirect_vreg.scatter [tilespmem:s24], [sflag:$0x4], $0x80, v13, vm2, $0xb8;
	[tilespmem:$0x1E800] =	vst v63  }
0x20f: {  	_ = 	snop  }
0x210: {  	[hbm4b:s11+s3] =	stream.indirect_vreg.scatter [tilespmem:s25], [sflag:$0x4], $0x80, v13, vm2, $0xb8;
	[tilespmem:$0x1E800] =	vst v63  }
0x211: {  	v13 =	vld [tilespmem:$0x61A0];
	_ =	sdelay $0x4  }
0x212: {  	v14 =	vshrl.u32 v13, $0x3  }
0x213: {  	v14 =	vmul.u32 $0x30, v14  }
0x214: {  	v13 =	vand.u32 $0x7, v13  }
0x215: {  	v13 =	vor.u32 v13, v14  }
0x216: {  	v14 =	vperm.xlane v13, v9;
	_ =	sdelay $0x1  }
0x217: {  	v14 =	vadd.s32 v10, v14;
	_ =	sdelay $0x3  }
0x218: {  	v13 =	vperm.xlane v13, v11  }
0x219: {  	[hbm4b:s2+s3] =	stream.indirect_vreg.scatter [tilespmem:s29], [sflag:$0x4], $0x80, v14, vm2, $0xb8;
	[tilespmem:$0x1E800] =	vst v63  }
0x21a: {  	v13 =	vadd.s32 v10, v13  }
0x21b: {  	[hbm4b:s10+s3] =	stream.indirect_vreg.scatter [tilespmem:s31], [sflag:$0x4], $0x80, v14, vm2, $0xb8;
	[tilespmem:$0x1E800] =	vst v63  }
0x21c: {  	s24 =	simm.s32 $0x19200  }
0x21d: {  	[hbm4b:s11+s3] =	stream.indirect_vreg.scatter [tilespmem:s24], [sflag:$0x4], $0x80, v14, vm2, $0xb8;
	[tilespmem:$0x1E800] =	vst v63  }
0x21e: {  	s4 =	simm.s32 $0x19A00  }
0x21f: {  	[hbm4b:s2+s3] =	stream.indirect_vreg.scatter [tilespmem:s4], [sflag:$0x4], $0x80, v13, vm2, $0xb8;
	[tilespmem:$0x1E800] =	vst v63  }
0x220: {  	s14 =	simm.s32 $0x1A200  }
0x221: {  	[hbm4b:s10+s3] =	stream.indirect_vreg.scatter [tilespmem:s14], [sflag:$0x4], $0x80, v13, vm2, $0xb8;
	[tilespmem:$0x1E800] =	vst v63  }
0x222: {  	s24 =	simm.s32 $0x1AA00  }
0x223: {  	[hbm4b:s11+s3] =	stream.indirect_vreg.scatter [tilespmem:s24], [sflag:$0x4], $0x80, v13, vm2, $0xb8;
	[tilespmem:$0x1E800] =	vst v63  }
0x224: {  	v13 =	vld [tilespmem:$0x61B0];
	_ =	sdelay $0x4  }
0x225: {  	v14 =	vshrl.u32 v13, $0x3  }
0x226: {  	v14 =	vmul.u32 $0x30, v14  }
0x227: {  	v13 =	vand.u32 $0x7, v13  }
0x228: {  	v13 =	vor.u32 v13, v14  }
0x229: {  	v14 =	vperm.xlane v13, v9;
	_ =	sdelay $0x1  }
0x22a: {  	v14 =	vadd.s32 v10, v14;
	_ =	sdelay $0x3  }
0x22b: {  	s4 =	simm.s32 $0x1B200;
	v13 =	vperm.xlane v13, v11  }
0x22c: {  	[hbm4b:s2+s3] =	stream.indirect_vreg.scatter [tilespmem:s4], [sflag:$0x4], $0x80, v14, vm2, $0xb8;
	[tilespmem:$0x1E800] =	vst v63  }
0x22d: {  	s14 =	simm.s32 $0x1BA00;
	v13 =	vadd.s32 v10, v13  }
0x22e: {  	[hbm4b:s10+s3] =	stream.indirect_vreg.scatter [tilespmem:s14], [sflag:$0x4], $0x80, v14, vm2, $0xb8;
	[tilespmem:$0x1E800] =	vst v63  }
0x22f: {  	s24 =	simm.s32 $0x1C200  }
0x230: {  	[hbm4b:s11+s3] =	stream.indirect_vreg.scatter [tilespmem:s24], [sflag:$0x4], $0x80, v14, vm2, $0xb8;
	[tilespmem:$0x1E800] =	vst v63  }
0x231: {  	s4 =	simm.s32 $0x1CA00  }
0x232: {  	[hbm4b:s2+s3] =	stream.indirect_vreg.scatter [tilespmem:s4], [sflag:$0x4], $0x80, v13, vm2, $0xb8;
	[tilespmem:$0x1E800] =	vst v63  }
0x233: {  	s14 =	simm.s32 $0x1D200  }
0x234: {  	[hbm4b:s10+s3] =	stream.indirect_vreg.scatter [tilespmem:s14], [sflag:$0x4], $0x80, v13, vm2, $0xb8;
	[tilespmem:$0x1E800] =	vst v63  }
0x235: {  	s24 =	simm.s32 $0x1DA00  }
0x236: {  	[hbm4b:s11+s3] =	stream.indirect_vreg.scatter [tilespmem:s24], [sflag:$0x4], $0x80, v13, vm2, $0xb8;
	[tilespmem:$0x1E800] =	vst v63  }
0x237: {  	_ =	swait.ge [sflag:s5], $0xC000  }
.Ltmp4:
0x238: {  	[sflag:s5] =	ssyncset.done $0x0;
	(pc) =	sbr.rel @p0 .LBB2_11-.Ltmp4, $4  }
0x239: {  	[sflag:s5] =	ssyncadd.s32 $0xFFFF4000  }
0x23a: {  	_ =	swait.ge [sflag:s1], $0xC000  }
0x23b: {  	s7 =	simm.s32 $0x5;
	s0 =	simm.s32 $0x1E500;
	[sflag:s1] =	ssyncset.done $0x0  }
0x23c: {  	s5 =	rddreg [dreg:$0xf];
	[sflag:s1] =	ssyncadd.s32 $0xFFFF4000;
	s1 =	simm.s32 $0x1E480  }
0x23d: {  	v13 =	vld [tilespmem:$0x1E300]  }
0x23e: {  	v14 =	vld [tilespmem:$0x1E480];
	_ =	sdelay $0x2  }
0x23f: {  	v15 =	vld [tilespmem:$0x1E310]  }
0x240: {  	v16 =	vld [tilespmem:$0x1E490]  }
0x241: {  	v17 =	vadd.s32 v14, v13  }
0x242: {  	v18 =	vld [tilespmem:$0x1E320];
	v17 =	vadd.s32 $0xFFFFFFFF, v17  }
0x243: {  	v19 =	vld [tilespmem:$0x1E4A0];
	v14 =	vshra.s32 v14, $0x8;
	v17 =	vshra.s32 v17, $0x8  }
0x244: {  	v14 =	vsub.s32 v17, v14  }
0x245: {  	vm3 =	vgt.s32 v13, $0x0;
	v13 =	vadd.s32 $0x1, v14;
	v14 =	vadd.s32 v16, v15  }
0x246: {  	v14 =	vadd.s32 $0xFFFFFFFF, v14  }
0x247: {  	v16 =	vshra.s32 v16, $0x8;
	v14 =	vshra.s32 v14, $0x8  }
0x248: {  	v57 =	vadd.s32 v19, v18;
	v14 =	vsub.s32 v14, v16  }
0x249: {  	v13 =	vnsel vm3, $0x0, v13;
	vm3 =	vgt.s32 v15, $0x0;
	v14 =	vadd.s32 $0x1, v14  }
0x24a: {  	v15 =	vadd.s32 $0xFFFFFFFF, v57;
	(xrf0) =	vadd.scan.msk.s32 $0xffff, v13;
	v14 =	vnsel vm3, $0x0, v14  }
0x24b: {  	v58 =	vshra.s32 v19, $0x8;
	v15 =	vshra.s32 v15, $0x8;
	(xrf0) =	vadd.scan.msk.s32 $0xffff, v14  }
0x24c: {  	v15 =	vsub.s32 v15, v58  }
0x24d: {  	v15 =	vadd.s32 $0x1, v15;
	vm3 =	vgt.s32 v18, $0x0  }
0x24e: {  	v15 =	vnsel vm3, $0x0, v15  }
0x24f: {  	(xrf0) =	vadd.scan.msk.s32 $0xffff, v15  }
0x250: {  	v59, _, _ =	vpop (xrf0)  }
0x251: {  	(v2sf) =	vpush v59, $0xF;
	v60, _, _ =	vpop (xrf0)  }
0x252: {  	(v2sf) =	vpush v60, $0xF;
	_ =	sdelay $0x1  }
0x253: {  	v61 =	vld [tilespmem:$0x1E330]  }
0x254: {  	v20 =	vld [tilespmem:$0x1E4B0];
	v62, _, _ =	vpop (xrf0)  }
0x255: {  	(v2sf) =	vpush v62, $0xF;
	_ =	sdelay $0x3  }
0x256: {  	v21 =	vadd.s32 v20, v61  }
0x257: {  	v21 =	vadd.s32 $0xFFFFFFFF, v21  }
0x258: {  	v20 =	vshra.s32 v20, $0x8;
	v21 =	vshra.s32 v21, $0x8  }
0x259: {  	v20 =	vsub.s32 v21, v20  }
0x25a: {  	v63 =	vadd.s32 $0x1, v20;
	vm3 =	vgt.s32 v61, $0x0  }
0x25b: {  	v18 =	vnsel vm3, $0x0, v63  }
0x25c: {  	[tilespmem:$0x1E500] =	vst v13;
	(xrf0) =	vadd.scan.msk.s32 $0xffff, v18;
	v13 =	vbroadcast v59, $0xF;
	s4 =	spop (v2sf)  }
0x25d: {  	s5 =	spop (v2sf)  }
0x25e: {  	[tilespmem:$0x1E510] =	vst v14;
	v13 =	vadd.s32 v13, v60;
	s4 =	sadd.s32 s4, s5  }
0x25f: {  	[tilespmem:$0x1E590] =	vst v13;
	v13 =	vadd.s32 s4, v62  }
0x260: {  	[tilespmem:$0x1E520] =	vst v15  }
0x261: {  	[tilespmem:$0x1E530] =	vst v18;
	s24 =	spop (v2sf)  }
0x262: {  	s4 =	sadd.s32 s4, s24;
	[tilespmem:$0x1E5A0] =	vst v13;
	v13, _, _ =	vpop (xrf0)  }
0x263: {  	[tilespmem:$0x1E580] =	vst v59;
	v13 =	vadd.s32 s4, v13  }
0x264: {  	[tilespmem:$0x1E5B0] =	vst v13  }
0x265: {  	s14 =	simm.s32 $0x0;
	s5 =	simm.s32 $0x0;
	v13 =	vld.idx.msk [tilespmem:v12+s30+$0x0], $0xffff  }
.LBB2_7:
0x266: {  	v14 =	vmov s5;
	_ =	sdelay $0x3  }
0x267: {  	s4 =	simm.s32 $0x1  }
0x268: {  	v16 =	vmov s4;
	v17 =	vld.idx.msk [tilespmem:v14+s30+$0x0], $0xffff;
	_ =	sdelay $0x2  }
0x269: {  	s4 =	sshll.u32 s14, $0x4  }
0x26a: {  	v14 =	vor.u32 s4, v2  }
0x26b: {  	v15 =	vimm.s32 $0x0;
	s24 =	simm.s32 $0x2;
	v16 =	vld.idx.msk [tilespmem:v16+s30+$0x0], $0xffff;
	vm3 =	vle.s32 v17, v14  }
.LBB2_8:
0x26c: {  	v17 =	vmov s24;
	p1 =	sne.s32 s24, $0x3F;
	s24 =	sadd.s32 $0x1, s24;
	v18 =	vsel vm3, $0x1, v1  }
.Ltmp5:
0x26d: {  	v15 =	vadd.s32 v18, v15;
	(pc) =	sbr.rel @p1 .LBB2_8-.Ltmp5, $2  }
0x26e: {  	_ =	sdelay $0x2  }
0x26f: {  	vm3 =	vle.s32 v16, v14;
	v16 =	vld.idx.msk [tilespmem:v17+s30+$0x0], $0xffff  }
0x270: {  	_ =	sdelay $0x3  }
0x271: {  	v17 =	vsel vm3, $0x1, v1;
	vm3 =	vle.s32 v16, v14  }
0x272: {  	v15 =	vadd.s32 v17, v15;
	v16 =	vsel vm3, $0x1, v1  }
0x273: {  	v15 =	vadd.s32 v16, v15  }
0x274: {  	vm3 =	vlt.s32 v15, $0x3F  }
0x275: {  	v15 =	vnsel vm3, $0x3F, v15;
	_ =	sdelay $0x4  }
0x276: {  	v59 =	vld.idx.msk [tilespmem:v15+s30+$0x0], $0xffff  }
0x277: {  	v60 =	vld.idx.msk [tilespmem:v15+s0+$0x0], $0xffff  }
0x278: {  	v18 =	vld.idx.msk [tilespmem:v15+s1+$0x0], $0xffff;
	_ =	sdelay $0x3  }
0x279: {  	v19 =	vld.idx.msk [tilespmem:v15+s19+$0x0], $0xffff;
	v16 =	vsub.s32 v14, v59  }
0x27a: {  	v20 =	vshra.s32 v18, $0x8;
	v16 =	vadd.s32 v60, v16  }
0x27b: {  	vm3 =	vlt.s32 v14, v13;
	v14 =	vadd.s32 v20, v16  }
0x27c: {  	s14 =	sadd.s32 $0x1, s14;
	v14 =	vnsel vm3, $0x1F, v14  }
0x27d: {  	p1 =	sne.s32 s14, $0x6;
	v15 =	vnsel vm3, $0x3F, v15;
	v62 =	vshll.u32 v14, $0x8  }
.Ltmp6:
0x27e: {  	v61 =	vadd.s32 v18, v19;
	vm4 =	vgt.s32 v18, v62;
	v63 =	vadd.s32 $0x100, v62;
	(pc) =	sbr.rel @p1 .LBB2_7-.Ltmp6, $4  }
0x27f: {  	[tilespmem:s4+$0x1E600] =	vst v15;
	v17 =	vsel vm4, v18, v62;
	vm15 =	vlt.s32 v61, v63  }
0x280: {  	[tilespmem:s4+$0x1E680] =	vst v14;
	v15 =	vnsel vm3, $0x2000, v17;
	v16 =	vsel vm15, v61, v63  }
0x281: {  	v14 =	vnsel vm3, $0x2000, v16;
	[tilespmem:s4+$0x1E700] =	vst v15  }
0x282: {  	[tilespmem:s4+$0x1E780] =	vst v14  }
0x283: {  	s4 =	rddreg [dreg:$0x5];
	s0 =	simm.s32 $0x1E600  }
0x284: {  	[hbm4b:s4+s3] =	stream.linear.scatter [tilespmem:s0], [sflag:$0x5], $0x80, $0x38;
	[tilespmem:$0x1E800] =	vst v63  }
0x285: {  	_ =	swait.ge [sflag:s7], $0x80  }
0x286: {  	[sflag:s7] =	ssyncset.done $0x0  }
0x287: {  	s24 =	simm.s32 $0x1E680;
	s14 =	rddreg [dreg:$0xb];
	[sflag:s7] =	ssyncadd.s32 $0xFFFFFF80  }
0x288: {  	[hbm4b:s14+s3] =	stream.linear.scatter [tilespmem:s24], [sflag:$0x5], $0x80, $0x38;
	[tilespmem:$0x1E800] =	vst v63  }
0x289: {  	_ =	swait.ge [sflag:s7], $0x80  }
0x28a: {  	[sflag:s7] =	ssyncset.done $0x0  }
0x28b: {  	s5 =	simm.s32 $0x1E700;
	s1 =	rddreg [dreg:$0xc];
	[sflag:s7] =	ssyncadd.s32 $0xFFFFFF80  }
0x28c: {  	[hbm4b:s1+s3] =	stream.linear.scatter [tilespmem:s5], [sflag:$0x5], $0x80, $0x38;
	[tilespmem:$0x1E800] =	vst v63  }
0x28d: {  	_ =	swait.ge [sflag:s7], $0x80  }
0x28e: {  	s24 =	simm.s32 $0x1E780;
	[sflag:s7] =	ssyncset.done $0x0  }
.Ltmp7:
0x28f: {  	s14 =	rddreg [dreg:$0xd];
	[sflag:s7] =	ssyncadd.s32 $0xFFFFFF80;
	(pc) =	sbr.rel .LBB2_11-.Ltmp7, $4  }
0x290: {  	[hbm4b:s14+s3] =	stream.linear.scatter [tilespmem:s24], [sflag:$0x5], $0x80, $0x38;
	[tilespmem:$0x1E800] =	vst v63  }
0x291: {  	_ =	swait.ge [sflag:s7], $0x80  }
0x292: {  	[sflag:s7] =	ssyncset.done $0x0  }
0x293: {  	s5 =	rddreg [dreg:$0xf];
	[sflag:s7] =	ssyncadd.s32 $0xFFFFFF80  }
.LBB2_12:
0x294: {  	_ =	sfence.sel $0x180000  }
0x295: {  	[bflag:$0x0] =	sbarrier.arrive $0xFFFF  }
0x296: {  	_ =	strace $0x90000047  }
0x297: {  	s0 =	stileid.u32;
	[bflag:$0x2] =	sbarrier.arrive $0xFFFF  }
0x298: {  	p0 =	sne.s32 s0, $0x0;
	s0 =	rddreg [dreg:$0x3]  }
0x299: {  	s0 =	sadd.s32 @!p0 $0x100000, s0  }
0x29a: {  	[sflag:s0] =	ssyncadd.tile.s32 @!p0 $0x1;
	_ =	shalt  }
.Lfunc_end2:
_tile_overlayer_lowered:
.L_overlay_start_2:
0x29b: {  	(tag) =	ssettag $0x2  }
0x29c: {  	s0 =	rddreg [dreg:$0x0];
	s2 =	stileid.u32  }
0x29d: {  	s1 =	rddreg [dreg:$0x1];
	p0 =	sne.s32 s2, $0x0  }
0x29e: {  	s3 =	rddreg [dreg:$0x2];
	[bflag:$0x3] =	sbarrier.arrive $0xFFFF;
	s2 =	simm.s32 @!p0 $0x1C05  }
0x29f: {  	[timem:s3], [sflag:s2] =	dma.local @!p0 [hbm:s0], s1  }
0x2a0: {  	s0 =	simm.s32 @!p0 $0x5  }
0x2a1: {  	_ =	swait.ge @!p0 [sflag:s0], s1  }
0x2a2: {  	s1 =	ssub.s32 @!p0 $0x0, s1;
	[sflag:s0] =	ssyncset.done @!p0 $0x0  }
0x2a3: {  	[sflag:s0] =	ssyncadd.s32 @!p0 s1  }
0x2a4: {  	[bflag:$0x3] =	sbarrier.arrive $0xFFFF  }
0x2a5: {  	_ =	shalt  }

// kernel: kernel.8.cloned.1.call-start
scs
__scs_entry_jumppad:
0x0: {  	(pc) =	sbr.rel $0x88, $3  }
0x1: {  	(tag) =	ssettag $0x0;
	lr =	simm.s32 $0x1  }
0x2: {  	[smem:$0x3F9D] =	sst lr;
	_ =	strace $0xD0000000  }
0x3: {  	_ = 	snop  }
0x4: {  	_ = 	snop  }
0x5: {  	_ = 	snop  }
0x6: {  	_ = 	snop  }
0x7: {  	_ = 	snop  }
__scs_overlays_trampoline_lowered:
0x8: {  	[smem:$0x3FAC] =	sst s0  }
0x9: {  	[smem:$0x3FAD] =	sst s1  }
0xa: {  	[smem:$0x3FAE] =	sst s2  }
0xb: {  	[smem:$0x3FAF] =	sst s3  }
0xc: {  	[smem:$0x3FB0] =	sst s4  }
0xd: {  	[smem:$0x3FB1] =	sst s5  }
0xe: {  	[smem:$0x3FB2] =	sst s6  }
0xf: {  	[smem:$0x3FB3] =	sst s7  }
0x10: {  	[smem:$0x3FB4] =	sst s8  }
0x11: {  	[smem:$0x3FB5] =	sst s9;
	s0 =	simm.s32 @!p0 $0x0  }
0x12: {  	s1 =	sld [smem:$0x3F9B];
	s0 =	simm.s32 @p0 $0x1  }
0x13: {  	[smem:$0x3FB6] =	sst s0;
	s0 =	simm.s32 @!p1 $0x0  }
0x14: {  	s2 =	sld [smem:$0x3F9A];
	s0 =	simm.s32 @p1 $0x1  }
0x15: {  	[smem:$0x3FB7] =	sst s0;
	s0 =	simm.s32 @!p2 $0x0  }
0x16: {  	s3 =	sld [smem:$0x3FDB];
	s0 =	simm.s32 @p2 $0x1  }
0x17: {  	s4 =	simm.s32 $0x1BF5;
	[smem:$0x3FB9] =	sst s0  }
0x18: {  	s0 =	sld [smem:$0x3F9C];
	_ =	swait.ge [sflag:s4], $0x0  }
0x19: {  	s7 =	sld [smem:$0x3F9D]  }
0x1a: {  	s8 =	sadd.s32 $0xFFFFE003, lr  }
0x1b: {  	s9 =	sadd.s32 $0xFFFFFEF7, lr;
	s5 =	simm.s32 $0xFFFFFFFF;
	p2 =	slt.u32 s8, $0xFFFFF086  }
0x1c: {  	p1 =	slt.u32 s9, $0xF7A;
	s5 =	simm.s32 @!p2 $0x0  }
0x1d: {  	s5 =	simm.s32 @p1 $0x1;
	p0 =	seq.s32 s7, s2  }
0x1e: {  	s7 =	smul.u32 @!p0 $0xF7A, s2;
	p2 =	seq.s32 @!p0 s5, $0x0  }
0x1f: {  	s9 =	smul.u32 $0xF7A, s1;
	s8 =	simm.s32 @!p0 $0x1BF5;
	p2 =	por !p2, p0  }
0x20: {  	[sflag:s8] =	ssyncset.s32 @!p0 $0xFFFFF086;
	s6 =	sadd.s32 @!p0 s3, s7;
	s7 =	simm.s32 @!p0 $0x108  }
0x21: {  	s3 =	sadd.s32 s3, s9;
	s6 =	sadd.s32 @!p0 $0x88, s6;
	s7 =	simm.s32 @p2 $0x1082  }
0x22: {  	[simem:s7], [sflag:s8] =	dma.local @!p0 [hbm:s6], $0xF7A  }
0x23: {  	s9 =	sor.u32 $0xD0000000, s2;
	s6 =	simm.s32 $0x108;
	_ =	swait.ge @!p0 [sflag:s8], $0x0  }
0x24: {  	s3 =	sadd.s32 $0x88, s3;
	s6 =	simm.s32 @!p1 $0x1082;
	[sflag:s4] =	ssyncset.s32 $0xFFFFF086  }
0x25: {  	[simem:s6], [sflag:s4] =	dma.local [hbm:s3], $0xF7A  }
0x26: {  	[smem:$0x3F9D] =	sst s1;
	(tag) =	ssettag s2;
	_ =	strace s9  }
0x27: {  	s1 =	sld [smem:$0x3FAD]  }
0x28: {  	s2 =	sld [smem:$0x3FAE]  }
0x29: {  	s4 =	sld [smem:$0x3FB0]  }
0x2a: {  	p0 =	seq.s32 s5, $0x0;
	s5 =	sld [smem:$0x3FB1]  }
0x2b: {  	s6 =	sld [smem:$0x3FB2]  }
0x2c: {  	s7 =	sld [smem:$0x3FB3]  }
0x2d: {  	s3 =	simm.s32 $0x108;
	s8 =	sld [smem:$0x3FB4]  }
0x2e: {  	s3 =	simm.s32 @!p0 $0x1082;
	s9 =	sld [smem:$0x3FB5]  }
0x2f: {  	lr =	sadd.s32 s0, s3;
	s0 =	sld [smem:$0x3FAC]  }
0x30: {  	s3 =	sld [smem:$0x3FAF]  }
0x31: {  	[smem:$0x3FB8] =	sst s10  }
0x32: {  	s10 =	sld [smem:$0x3FB6];
	_ =	sdelay $0x3  }
0x33: {  	p0 =	seq.s32 s10, $0x1;
	s10 =	sld [smem:$0x3FB8];
	_ =	sdelay $0x3  }
0x34: {  	[smem:$0x3FB8] =	sst s10  }
0x35: {  	s10 =	sld [smem:$0x3FB7];
	_ =	sdelay $0x3  }
0x36: {  	p1 =	seq.s32 s10, $0x1;
	s10 =	sld [smem:$0x3FB8];
	_ =	sdelay $0x3  }
0x37: {  	[smem:$0x3FB8] =	sst s10  }
0x38: {  	s10 =	sld [smem:$0x3FB9]  }
0x39: {  	_ = 	snop;
	(pc) =	sbr.ind lr, $3  }
0x3a: {  	_ = 	snop  }
0x3b: {  	_ = 	snop  }
0x3c: {  	p2 =	seq.s32 s10, $0x1;
	s10 =	sld [smem:$0x3FB8]  }
0x3d: {  	_ =	shalt  }
0x3e: {  	_ =	shalt  }
0x3f: {  	_ =	shalt  }
0x40: {  	_ =	shalt  }
0x41: {  	_ =	shalt  }
0x42: {  	_ =	shalt  }
0x43: {  	_ =	shalt  }
0x44: {  	_ =	shalt  }
0x45: {  	_ =	shalt  }
0x46: {  	_ =	shalt  }
0x47: {  	_ =	shalt  }
0x48: {  	_ =	shalt  }
0x49: {  	_ =	shalt  }
0x4a: {  	_ =	shalt  }
0x4b: {  	_ =	shalt  }
0x4c: {  	_ =	shalt  }
0x4d: {  	_ =	shalt  }
0x4e: {  	_ =	shalt  }
0x4f: {  	_ =	shalt  }
0x50: {  	_ =	shalt  }
0x51: {  	_ =	shalt  }
0x52: {  	_ =	shalt  }
0x53: {  	_ =	shalt  }
0x54: {  	_ =	shalt  }
0x55: {  	_ =	shalt  }
0x56: {  	_ =	shalt  }
0x57: {  	_ =	shalt  }
0x58: {  	_ =	shalt  }
0x59: {  	_ =	shalt  }
0x5a: {  	_ =	shalt  }
0x5b: {  	_ =	shalt  }
0x5c: {  	_ =	shalt  }
0x5d: {  	_ =	shalt  }
0x5e: {  	_ =	shalt  }
0x5f: {  	_ =	shalt  }
0x60: {  	_ =	shalt  }
0x61: {  	_ =	shalt  }
0x62: {  	_ =	shalt  }
0x63: {  	_ =	shalt  }
0x64: {  	_ =	shalt  }
0x65: {  	_ =	shalt  }
0x66: {  	_ =	shalt  }
0x67: {  	_ =	shalt  }
0x68: {  	_ =	shalt  }
0x69: {  	_ =	shalt  }
0x6a: {  	_ =	shalt  }
0x6b: {  	_ =	shalt  }
0x6c: {  	_ =	shalt  }
0x6d: {  	_ =	shalt  }
0x6e: {  	_ =	shalt  }
0x6f: {  	_ =	shalt  }
0x70: {  	_ =	shalt  }
0x71: {  	_ =	shalt  }
0x72: {  	_ =	shalt  }
0x73: {  	_ =	shalt  }
0x74: {  	_ =	shalt  }
0x75: {  	_ =	shalt  }
0x76: {  	_ =	shalt  }
0x77: {  	_ =	shalt  }
0x78: {  	_ =	shalt  }
0x79: {  	_ =	shalt  }
0x7a: {  	_ =	shalt  }
0x7b: {  	_ =	shalt  }
0x7c: {  	_ =	shalt  }
0x7d: {  	_ =	shalt  }
0x7e: {  	_ =	shalt  }
0x7f: {  	_ =	shalt  }
0x80: {  	_ =	shalt  }
0x81: {  	_ =	shalt  }
0x82: {  	_ =	shalt  }
0x83: {  	_ =	shalt  }
0x84: {  	_ =	shalt  }
0x85: {  	_ =	shalt  }
0x86: {  	_ =	shalt  }
0x87: {  	_ =	shalt  }
.Lfunc_end0:
.L_simem_size_0:
called_computation.1_lowered:
.L_overlay_start_0:
0x88: {  	s2 =	sld [smem:$0x3FD9]  }
0x89: {  	s3 =	sld [smem:$0x3FFE];
	_ =	sdelay $0x1  }
0x8a: {  	s1 =	srdreg.scid  }
0x8b: {  	s0 =	sand.u32 $0x1, s1  }
0x8c: {  	s17 =	sshll.u32 s0, $0xA;
	s2 =	sadd.s32 s3, s2  }
0x8d: {  	s2 =	sadd.s32 s2, s17  }
0x8e: {  	[smem:$0x3FC4] =	sst s2  }
0x8f: {  	_ = 	snop  }
0x90: {  	s2 =	sld [smem:$0x3FD0];
	(tm) =	ssettm $0x1  }
0x91: {  	s18 =	sld [smem:$0x3FFB];
	_ =	sdelay $0x3  }
0x92: {  	_ =	strace s18  }
0x93: {  	s3 =	sld [smem:$0x3FFC];
	_ =	sdelay $0x3  }
0x94: {  	_ =	strace s3  }
0x95: {  	s3 =	sld [smem:$0x3FFD];
	_ =	sdelay $0x3  }
0x96: {  	_ =	strace s3  }
0x97: {  	_ =	strace $0x8FFFFFFF  }
0x98: {  	s19 =	sld [smem:$0x3FDB];
	_ =	sdelay $0x1  }
0x99: {  	s4 =	simm.s32 $_scs_section_size  }
0x9a: {  	s5 =	simm.s32 $_size__tile_overlayer_lowered;
	s6 =	simm.s32 $_tile_overlayer_lowered  }
0x9b: {  	s22 =	simm.s32 $0x1BFF;
	s21 =	sshll.u32 s6, $0x1;
	s3 =	sadd.s32 s4, s19  }
0x9c: {  	s7 =	simm.s32 $0x0;
	s20 =	sshll.u32 s5, $0x1;
	s5 =	sadd.s32 s21, s3  }
0x9d: {  	[timem:s7], [sflag:s22] =	dma.local [hbm:s5], s20  }
0x9e: {  	_ =	swait.ge [sflag:s22], s20  }
0x9f: {  	s4 =	ssub.s32 $0x0, s20;
	[sflag:s22] =	ssyncset.done $0x0  }
0xa0: {  	[sflag:s22] =	ssyncadd.s32 s4;
	_ =	sdelay $0x1  }
0xa1: {  	s23 =	simm.s32 $0x1B8B  }
0xa2: {  	_ =	swait.ge [sflag:s23], $0x1  }
0xa3: {  	[sflag:s23] =	ssyncset.done $0x0  }
0xa4: {  	s25 =	simm.s32 $0x1B8E;
	s24 =	sld [smem:$0x3FFE];
	[sflag:s23] =	ssyncadd.s32 $0xFFFFFFFF  }
0xa5: {  	s26 =	simm.s32 $execute0_lowered;
	[smem:$0x3FD2] =	sst s25  }
0xa6: {  	s5 =	sshll.u32 s26, $0x1;
	_ =	strace $0x80000049;
	[dreg:$0x1] =	wrdreg $0xFFFFFFFF  }
0xa7: {  	s28 =	simm.s32 $_size_execute0_lowered;
	s3 =	sadd.s32 s3, s5;
	[dreg:$0x0] =	wrdreg $0x0  }
0xa8: {  	s5 =	sshll.u32 s28, $0x1;
	[dreg:$0x2] =	wrdreg s3  }
0xa9: {  	[dreg:$0x3] =	wrdreg s5  }
0xaa: {  	[dreg:$0x4] =	wrdreg $0xC0  }
0xab: {  	_ =	task [dreg:s7], $0x5FFFF  }
0xac: {  	[dreg:$0x1] =	wrdreg $0xFFFFFFFF  }
0xad: {  	[dreg:$0x0] =	wrdreg $0x60  }
0xae: {  	[dreg:$0x2] =	wrdreg s24  }
0xaf: {  	[dreg:$0x3] =	wrdreg s2  }
0xb0: {  	[dreg:$0x4] =	wrdreg $0x9  }
0xb1: {  	_ =	task.clear_ibuf [dreg:s7], $0x5FFFF;
	_ =	strace $0x90000049  }
0xb2: {  	s29 =	simm.s32 $0x9;
	_ =	strace $0x8000004B  }
0xb3: {  	_ =	swait.ge [sflag:s29], $0x1  }
0xb4: {  	[sflag:s29] =	ssyncadd.s32 $0xFFFFFFFF  }
0xb5: {  	_ =	strace $0x9000004B  }
0xb6: {  	_ =	sfence  }
0xb7: {  	s30 =	sld [smem:$0x0];
	_ =	sdelay $0x2  }
0xb8: {  	s31 =	sshll.u32 s1, $0xD;
	s1 =	sshrl.u32 s1, $0x2  }
0xb9: {  	s3 =	sand.u32 $0x4000, s31;
	s1 =	sadd.s32 s1, s30  }
0xba: {  	s0 =	sor.u32 s3, s0;
	s1 =	sshll.u32 s1, $0x11  }
0xbb: {  	s0 =	sor.u32 s1, s0  }
0xbc: {  	s0 =	sadd.s32 $0x8F2B, s0  }
0xbd: {  	[sflag:s0] =	ssyncadd.remote.s32 $0x1  }
0xbe: {  	_ =	sfence.sel $0xFFFF  }
0xbf: {  	[dreg:$0x0] =	wrdreg $0xFFFFFFFF;
	(pc) =	sbr.abs _section_cstart, $3  }
0xc0: {  	[dreg:$0x1] =	wrdreg $0xFFFFFFFF  }
0xc1: {  	_ =	task.clear_ibuf [dreg:s7], $0x2FFFF;
	_ =	strace $0x9FFFFFFF  }
0xc2: {  	(tm) =	ssettm $0x7FFFFFFF  }
0xc3: {  	_ =	shalt  }
tec
execute0_lowered:
.L_overlay_start_1:
0x0: {  	(tag) =	ssettag $0x1  }
0x1: {  	s0 =	rddreg [dreg:$0x0]  }
0x2: {  	s1 =	rddreg [dreg:$0x1];
	s3 =	srdreg.scid;
	s2 =	simm.s32 $0x0  }
0x3: {  	s4 =	stileid.u32;
	s12 =	simm.s32 $0x2;
	s13 =	simm.s32 $0x4  }
0x4: {  	s15 =	simm.s32 $0x900;
	s16 =	simm.s32 $0x1100;
	s17 =	simm.s32 $0x1900  }
0x5: {  	s18 =	simm.s32 $0x2100;
	s19 =	simm.s32 $0x2900;
	s20 =	simm.s32 $0x3100  }
0x6: {  	s28 =	simm.s32 $0x6900;
	s29 =	simm.s32 $0x7100;
	s30 =	simm.s32 $0x7900  }
0x7: {  	s31 =	simm.s32 $0x8100;
	s11 =	simm.s32 $0x1;
	s3 =	sand.u32 $0x1, s3  }
0x8: {  	[smem:$0x7FF] =	sst s2;
	s4 =	sshll.u32 s4, $0x6;
	s6 =	sadd.s32 $0x1A00, s0  }
0x9: {  	s5 =	sshll.u32 s3, $0x5;
	_ =	strace $0x8000004A;
	s9 =	ssub.s32 $0x2, s3  }
0xa: {  	s3 =	sadd.s32 $0x1E00, s0;
	s4 =	sor.u32 s5, s4;
	s10 =	sshrl.u32 s9, $0x1  }
0xb: {  	s5 =	sadd.s32 s6, s4;
	s7 =	sor.u32 $0x8, s4;
	s8 =	smul.u32 $0x300, s4  }
0xc: {  	s23 =	sor.u32 $0x10, s4;
	s4 =	sor.u32 $0x18, s4;
	s26 =	ssub.s32 s9, s10  }
0xd: {  	s9 =	simm.s32 $0x3;
	s10 =	simm.s32 $0xA900;
	[dreg:$0x3] =	wrdreg s5  }
0xe: {  	s21 =	sadd.s32 s6, s7;
	s24 =	sadd.s32 s6, s23;
	s7 =	smul.u32 $0x300, s7  }
0xf: {  	s5 =	smul.u32 $0x300, s23;
	s6 =	sadd.s32 s6, s4;
	[dreg:$0x4] =	wrdreg s21  }
0x10: {  	s25 =	smul.u32 $0x300, s4;
	s4 =	sadd.s32 $0x1F00, s0;
	[dreg:$0x6] =	wrdreg s24  }
0x11: {  	s23 =	simm.s32 $0x4900;
	s22 =	sadd.s32 s1, s8;
	[dreg:$0x8] =	wrdreg s6  }
0x12: {  	s6 =	smax.u32 s26, $0x1;
	s21 =	simm.s32 $0x3900;
	s24 =	simm.s32 $0x5100  }
0x13: {  	s26 =	simm.s32 $0x6100;
	[dreg:$0x5] =	wrdreg s22;
	s7 =	sadd.s32 s1, s7  }
0x14: {  	v2 =	vlaneseq.u32;
	s5 =	sadd.s32 s1, s5;
	s1 =	sadd.s32 s1, s25;
	[dreg:$0x7] =	wrdreg s7  }
0x15: {  	vm0 =	vmmov $0xffff;
	v1 =	vshrl.u32 v2, $0x3;
	s22 =	simm.s32 $0x4100;
	s25 =	simm.s32 $0x5900;
	[dreg:$0x9] =	wrdreg s5  }
0x16: {  	v0 =	vand.u32 $0x7, v2;
	v2 =	vor.u32 $0x8, v2;
	v1 =	vmul.u32 $0x8, v1;
	s5 =	sadd.s32 $0x2000, s0;
	[dreg:$0xa] =	wrdreg s1;
	s7 =	simm.s32 $0x5  }
.LBB2_1:
0x17: {  	s14 =	rddreg [dreg:$0x3]  }
0x18: {  	[tilespmem:s2], [sflag:$0x5] =	stream.linear.gather [hbm4b:s14+s2], $0x40, $0x38;
	[tilespmem:$0x18100] =	vst v63  }
0x19: {  	_ =	swait.ge [sflag:s7], $0x40  }
0x1a: {  	[sflag:s7] =	ssyncset.done $0x0  }
0x1b: {  	[sflag:s7] =	ssyncadd.s32 $0xFFFFFFC0  }
0x1c: {  	v3 =	vld [tilespmem:$0x0];
	_ =	sdelay $0x4  }
0x1d: {  	v4 =	vshrl.u32 v3, $0x3  }
0x1e: {  	v4 =	vmul.u32 $0x30, v4  }
0x1f: {  	v3 =	vand.u32 $0x7, v3  }
0x20: {  	v3 =	vor.u32 v3, v4  }
0x21: {  	v4 =	vperm.xlane v3, v0;
	_ =	sdelay $0x1  }
0x22: {  	v4 =	vadd.s32 v1, v4;
	_ =	sdelay $0x3  }
0x23: {  	s0 =	simm.s32 $0x100;
	v3 =	vperm.xlane v3, v2  }
0x24: {  	[tilespmem:s0], [sflag:$0x1] =	stream.indirect_vreg.gather [hbm4b:s3+s2], $0x80, v4, vm0, $0xb8;
	[tilespmem:$0x18100] =	vst v63  }
0x25: {  	v3 =	vadd.s32 v1, v3  }
0x26: {  	[tilespmem:s15], [sflag:$0x1] =	stream.indirect_vreg.gather [hbm4b:s4+s2], $0x80, v4, vm0, $0xb8;
	[tilespmem:$0x18100] =	vst v63  }
0x27: {  	_ = 	snop  }
0x28: {  	[tilespmem:s16], [sflag:$0x1] =	stream.indirect_vreg.gather [hbm4b:s5+s2], $0x80, v4, vm0, $0xb8;
	[tilespmem:$0x18100] =	vst v63  }
0x29: {  	_ = 	snop  }
0x2a: {  	[tilespmem:s17], [sflag:$0x1] =	stream.indirect_vreg.gather [hbm4b:s3+s2], $0x80, v3, vm0, $0xb8;
	[tilespmem:$0x18100] =	vst v63  }
0x2b: {  	_ = 	snop  }
0x2c: {  	[tilespmem:s18], [sflag:$0x1] =	stream.indirect_vreg.gather [hbm4b:s4+s2], $0x80, v3, vm0, $0xb8;
	[tilespmem:$0x18100] =	vst v63  }
0x2d: {  	_ = 	snop  }
0x2e: {  	[tilespmem:s19], [sflag:$0x1] =	stream.indirect_vreg.gather [hbm4b:s5+s2], $0x80, v3, vm0, $0xb8;
	[tilespmem:$0x18100] =	vst v63  }
0x2f: {  	v3 =	vld [tilespmem:$0x10];
	_ =	sdelay $0x4  }
0x30: {  	v49 =	vshrl.u32 v3, $0x3  }
0x31: {  	v4 =	vmul.u32 $0x30, v49  }
0x32: {  	v3 =	vand.u32 $0x7, v3  }
0x33: {  	v3 =	vor.u32 v3, v4  }
0x34: {  	v4 =	vperm.xlane v3, v0;
	_ =	sdelay $0x1  }
0x35: {  	v4 =	vadd.s32 v1, v4;
	_ =	sdelay $0x3  }
0x36: {  	v3 =	vperm.xlane v3, v2  }
0x37: {  	[tilespmem:s20], [sflag:$0x1] =	stream.indirect_vreg.gather [hbm4b:s3+s2], $0x80, v4, vm0, $0xb8;
	[tilespmem:$0x18100] =	vst v63  }
0x38: {  	v3 =	vadd.s32 v1, v3  }
0x39: {  	[tilespmem:s21], [sflag:$0x1] =	stream.indirect_vreg.gather [hbm4b:s4+s2], $0x80, v4, vm0, $0xb8;
	[tilespmem:$0x18100] =	vst v63  }
0x3a: {  	_ = 	snop  }
0x3b: {  	[tilespmem:s22], [sflag:$0x1] =	stream.indirect_vreg.gather [hbm4b:s5+s2], $0x80, v4, vm0, $0xb8;
	[tilespmem:$0x18100] =	vst v63  }
0x3c: {  	_ = 	snop  }
0x3d: {  	[tilespmem:s23], [sflag:$0x1] =	stream.indirect_vreg.gather [hbm4b:s3+s2], $0x80, v3, vm0, $0xb8;
	[tilespmem:$0x18100] =	vst v63  }
0x3e: {  	_ = 	snop  }
0x3f: {  	[tilespmem:s24], [sflag:$0x1] =	stream.indirect_vreg.gather [hbm4b:s4+s2], $0x80, v3, vm0, $0xb8;
	[tilespmem:$0x18100] =	vst v63  }
0x40: {  	_ = 	snop  }
0x41: {  	[tilespmem:s25], [sflag:$0x1] =	stream.indirect_vreg.gather [hbm4b:s5+s2], $0x80, v3, vm0, $0xb8;
	[tilespmem:$0x18100] =	vst v63  }
0x42: {  	v3 =	vld [tilespmem:$0x20];
	_ =	sdelay $0x4  }
0x43: {  	v50 =	vshrl.u32 v3, $0x3  }
0x44: {  	v4 =	vmul.u32 $0x30, v50  }
0x45: {  	v3 =	vand.u32 $0x7, v3  }
0x46: {  	v3 =	vor.u32 v3, v4  }
0x47: {  	v4 =	vperm.xlane v3, v0;
	_ =	sdelay $0x1  }
0x48: {  	v4 =	vadd.s32 v1, v4;
	_ =	sdelay $0x3  }
0x49: {  	v3 =	vperm.xlane v3, v2  }
0x4a: {  	[tilespmem:s26], [sflag:$0x1] =	stream.indirect_vreg.gather [hbm4b:s3+s2], $0x80, v4, vm0, $0xb8;
	[tilespmem:$0x18100] =	vst v63  }
0x4b: {  	v3 =	vadd.s32 v1, v3  }
0x4c: {  	[tilespmem:s28], [sflag:$0x1] =	stream.indirect_vreg.gather [hbm4b:s4+s2], $0x80, v4, vm0, $0xb8;
	[tilespmem:$0x18100] =	vst v63  }
0x4d: {  	_ = 	snop  }
0x4e: {  	[tilespmem:s29], [sflag:$0x1] =	stream.indirect_vreg.gather [hbm4b:s5+s2], $0x80, v4, vm0, $0xb8;
	[tilespmem:$0x18100] =	vst v63  }
0x4f: {  	_ = 	snop  }
0x50: {  	[tilespmem:s30], [sflag:$0x1] =	stream.indirect_vreg.gather [hbm4b:s3+s2], $0x80, v3, vm0, $0xb8;
	[tilespmem:$0x18100] =	vst v63  }
0x51: {  	_ = 	snop  }
0x52: {  	[tilespmem:s31], [sflag:$0x1] =	stream.indirect_vreg.gather [hbm4b:s4+s2], $0x80, v3, vm0, $0xb8;
	[tilespmem:$0x18100] =	vst v63  }
0x53: {  	s8 =	simm.s32 $0x8900  }
0x54: {  	[tilespmem:s8], [sflag:$0x1] =	stream.indirect_vreg.gather [hbm4b:s5+s2], $0x80, v3, vm0, $0xb8;
	[tilespmem:$0x18100] =	vst v63  }
0x55: {  	v3 =	vld [tilespmem:$0x30];
	_ =	sdelay $0x4  }
0x56: {  	v51 =	vshrl.u32 v3, $0x3  }
0x57: {  	v4 =	vmul.u32 $0x30, v51  }
0x58: {  	v3 =	vand.u32 $0x7, v3  }
0x59: {  	v3 =	vor.u32 v3, v4  }
0x5a: {  	v4 =	vperm.xlane v3, v0;
	_ =	sdelay $0x1  }
0x5b: {  	v4 =	vadd.s32 v1, v4;
	_ =	sdelay $0x3  }
0x5c: {  	s14 =	simm.s32 $0x9100;
	v3 =	vperm.xlane v3, v2  }
0x5d: {  	[tilespmem:s14], [sflag:$0x1] =	stream.indirect_vreg.gather [hbm4b:s3+s2], $0x80, v4, vm0, $0xb8;
	[tilespmem:$0x18100] =	vst v63  }
0x5e: {  	s1 =	simm.s32 $0x9900;
	v3 =	vadd.s32 v1, v3  }
0x5f: {  	[tilespmem:s1], [sflag:$0x1] =	stream.indirect_vreg.gather [hbm4b:s4+s2], $0x80, v4, vm0, $0xb8;
	[tilespmem:$0x18100] =	vst v63  }
0x60: {  	s8 =	simm.s32 $0xA100  }
0x61: {  	[tilespmem:s8], [sflag:$0x1] =	stream.indirect_vreg.gather [hbm4b:s5+s2], $0x80, v4, vm0, $0xb8;
	[tilespmem:$0x18100] =	vst v63  }
0x62: {  	_ = 	snop  }
0x63: {  	[tilespmem:s10], [sflag:$0x1] =	stream.indirect_vreg.gather [hbm4b:s3+s2], $0x80, v3, vm0, $0xb8;
	[tilespmem:$0x18100] =	vst v63  }
0x64: {  	s14 =	simm.s32 $0xB100  }
0x65: {  	[tilespmem:s14], [sflag:$0x1] =	stream.indirect_vreg.gather [hbm4b:s4+s2], $0x80, v3, vm0, $0xb8;
	[tilespmem:$0x18100] =	vst v63  }
0x66: {  	s1 =	simm.s32 $0xB900  }
0x67: {  	[tilespmem:s1], [sflag:$0x1] =	stream.indirect_vreg.gather [hbm4b:s5+s2], $0x80, v3, vm0, $0xb8;
	[tilespmem:$0x18100] =	vst v63  }
0x68: {  	s0 =	rddreg [dreg:$0x4];
	s8 =	simm.s32 $0x80  }
0x69: {  	[tilespmem:s8], [sflag:$0x5] =	stream.linear.gather [hbm4b:s0+s2], $0x40, $0x38;
	[tilespmem:$0x18100] =	vst v63  }
0x6a: {  	_ =	swait.ge [sflag:s7], $0x40  }
0x6b: {  	[sflag:s7] =	ssyncset.done $0x0  }
0x6c: {  	[sflag:s7] =	ssyncadd.s32 $0xFFFFFFC0  }
0x6d: {  	v3 =	vld [tilespmem:$0x80];
	_ =	sdelay $0x4  }
0x6e: {  	v52 =	vshrl.u32 v3, $0x3  }
0x6f: {  	v4 =	vmul.u32 $0x30, v52  }
0x70: {  	v3 =	vand.u32 $0x7, v3  }
0x71: {  	v3 =	vor.u32 v3, v4  }
0x72: {  	v4 =	vperm.xlane v3, v0;
	_ =	sdelay $0x1  }
0x73: {  	v4 =	vadd.s32 v1, v4;
	_ =	sdelay $0x3  }
0x74: {  	s0 =	simm.s32 $0xC100;
	v3 =	vperm.xlane v3, v2  }
0x75: {  	[tilespmem:s0], [sflag:$0x2] =	stream.indirect_vreg.gather [hbm4b:s3+s2], $0x80, v4, vm0, $0xb8;
	[tilespmem:$0x18100] =	vst v63  }
0x76: {  	s8 =	simm.s32 $0xC900;
	v3 =	vadd.s32 v1, v3  }
0x77: {  	[tilespmem:s8], [sflag:$0x2] =	stream.indirect_vreg.gather [hbm4b:s4+s2], $0x80, v4, vm0, $0xb8;
	[tilespmem:$0x18100] =	vst v63  }
0x78: {  	s14 =	simm.s32 $0xD100  }
0x79: {  	[tilespmem:s14], [sflag:$0x2] =	stream.indirect_vreg.gather [hbm4b:s5+s2], $0x80, v4, vm0, $0xb8;
	[tilespmem:$0x18100] =	vst v63  }
0x7a: {  	s14 =	simm.s32 $0xD900  }
0x7b: {  	[tilespmem:s14], [sflag:$0x2] =	stream.indirect_vreg.gather [hbm4b:s3+s2], $0x80, v3, vm0, $0xb8;
	[tilespmem:$0x18100] =	vst v63  }
0x7c: {  	s14 =	simm.s32 $0xE100  }
0x7d: {  	[tilespmem:s14], [sflag:$0x2] =	stream.indirect_vreg.gather [hbm4b:s4+s2], $0x80, v3, vm0, $0xb8;
	[tilespmem:$0x18100] =	vst v63  }
0x7e: {  	s14 =	simm.s32 $0xE900  }
0x7f: {  	[tilespmem:s14], [sflag:$0x2] =	stream.indirect_vreg.gather [hbm4b:s5+s2], $0x80, v3, vm0, $0xb8;
	[tilespmem:$0x18100] =	vst v63  }
0x80: {  	v3 =	vld [tilespmem:$0x90];
	_ =	sdelay $0x4  }
0x81: {  	v53 =	vshrl.u32 v3, $0x3  }
0x82: {  	v4 =	vmul.u32 $0x30, v53  }
0x83: {  	v3 =	vand.u32 $0x7, v3  }
0x84: {  	v3 =	vor.u32 v3, v4  }
0x85: {  	v4 =	vperm.xlane v3, v0;
	_ =	sdelay $0x1  }
0x86: {  	v4 =	vadd.s32 v1, v4;
	_ =	sdelay $0x3  }
0x87: {  	s14 =	simm.s32 $0xF100;
	v3 =	vperm.xlane v3, v2  }
0x88: {  	[tilespmem:s14], [sflag:$0x2] =	stream.indirect_vreg.gather [hbm4b:s3+s2], $0x80, v4, vm0, $0xb8;
	[tilespmem:$0x18100] =	vst v63  }
0x89: {  	v3 =	vadd.s32 v1, v3;
	s14 =	simm.s32 $0xF900  }
0x8a: {  	[tilespmem:s14], [sflag:$0x2] =	stream.indirect_vreg.gather [hbm4b:s4+s2], $0x80, v4, vm0, $0xb8;
	[tilespmem:$0x18100] =	vst v63  }
0x8b: {  	s14 =	simm.s32 $0x10100  }
0x8c: {  	[tilespmem:s14], [sflag:$0x2] =	stream.indirect_vreg.gather [hbm4b:s5+s2], $0x80, v4, vm0, $0xb8;
	[tilespmem:$0x18100] =	vst v63  }
0x8d: {  	s14 =	simm.s32 $0x10900  }
0x8e: {  	[tilespmem:s14], [sflag:$0x2] =	stream.indirect_vreg.gather [hbm4b:s3+s2], $0x80, v3, vm0, $0xb8;
	[tilespmem:$0x18100] =	vst v63  }
0x8f: {  	s14 =	simm.s32 $0x11100  }
0x90: {  	[tilespmem:s14], [sflag:$0x2] =	stream.indirect_vreg.gather [hbm4b:s4+s2], $0x80, v3, vm0, $0xb8;
	[tilespmem:$0x18100] =	vst v63  }
0x91: {  	s14 =	simm.s32 $0x11900  }
0x92: {  	[tilespmem:s14], [sflag:$0x2] =	stream.indirect_vreg.gather [hbm4b:s5+s2], $0x80, v3, vm0, $0xb8;
	[tilespmem:$0x18100] =	vst v63  }
0x93: {  	v3 =	vld [tilespmem:$0xA0];
	_ =	sdelay $0x4  }
0x94: {  	v54 =	vshrl.u32 v3, $0x3  }
0x95: {  	v4 =	vmul.u32 $0x30, v54  }
0x96: {  	v3 =	vand.u32 $0x7, v3  }
0x97: {  	v3 =	vor.u32 v3, v4  }
0x98: {  	v4 =	vperm.xlane v3, v0;
	_ =	sdelay $0x1  }
0x99: {  	v4 =	vadd.s32 v1, v4;
	_ =	sdelay $0x3  }
0x9a: {  	s14 =	simm.s32 $0x12100;
	v3 =	vperm.xlane v3, v2  }
0x9b: {  	[tilespmem:s14], [sflag:$0x2] =	stream.indirect_vreg.gather [hbm4b:s3+s2], $0x80, v4, vm0, $0xb8;
	[tilespmem:$0x18100] =	vst v63  }
0x9c: {  	v3 =	vadd.s32 v1, v3;
	s14 =	simm.s32 $0x12900  }
0x9d: {  	[tilespmem:s14], [sflag:$0x2] =	stream.indirect_vreg.gather [hbm4b:s4+s2], $0x80, v4, vm0, $0xb8;
	[tilespmem:$0x18100] =	vst v63  }
0x9e: {  	s14 =	simm.s32 $0x13100  }
0x9f: {  	[tilespmem:s14], [sflag:$0x2] =	stream.indirect_vreg.gather [hbm4b:s5+s2], $0x80, v4, vm0, $0xb8;
	[tilespmem:$0x18100] =	vst v63  }
0xa0: {  	s14 =	simm.s32 $0x13900  }
0xa1: {  	[tilespmem:s14], [sflag:$0x2] =	stream.indirect_vreg.gather [hbm4b:s3+s2], $0x80, v3, vm0, $0xb8;
	[tilespmem:$0x18100] =	vst v63  }
0xa2: {  	s14 =	simm.s32 $0x14100  }
0xa3: {  	[tilespmem:s14], [sflag:$0x2] =	stream.indirect_vreg.gather [hbm4b:s4+s2], $0x80, v3, vm0, $0xb8;
	[tilespmem:$0x18100] =	vst v63  }
0xa4: {  	s14 =	simm.s32 $0x14900  }
0xa5: {  	[tilespmem:s14], [sflag:$0x2] =	stream.indirect_vreg.gather [hbm4b:s5+s2], $0x80, v3, vm0, $0xb8;
	[tilespmem:$0x18100] =	vst v63  }
0xa6: {  	v3 =	vld [tilespmem:$0xB0];
	_ =	sdelay $0x4  }
0xa7: {  	v55 =	vshrl.u32 v3, $0x3  }
0xa8: {  	v4 =	vmul.u32 $0x30, v55  }
0xa9: {  	v3 =	vand.u32 $0x7, v3  }
0xaa: {  	v3 =	vor.u32 v3, v4  }
0xab: {  	v4 =	vperm.xlane v3, v0;
	_ =	sdelay $0x1  }
0xac: {  	v4 =	vadd.s32 v1, v4;
	_ =	sdelay $0x3  }
0xad: {  	s14 =	simm.s32 $0x15100;
	v3 =	vperm.xlane v3, v2  }
0xae: {  	[tilespmem:s14], [sflag:$0x2] =	stream.indirect_vreg.gather [hbm4b:s3+s2], $0x80, v4, vm0, $0xb8;
	[tilespmem:$0x18100] =	vst v63  }
0xaf: {  	v3 =	vadd.s32 v1, v3;
	s14 =	simm.s32 $0x15900  }
0xb0: {  	[tilespmem:s14], [sflag:$0x2] =	stream.indirect_vreg.gather [hbm4b:s4+s2], $0x80, v4, vm0, $0xb8;
	[tilespmem:$0x18100] =	vst v63  }
0xb1: {  	s14 =	simm.s32 $0x16100  }
0xb2: {  	[tilespmem:s14], [sflag:$0x2] =	stream.indirect_vreg.gather [hbm4b:s5+s2], $0x80, v4, vm0, $0xb8;
	[tilespmem:$0x18100] =	vst v63  }
0xb3: {  	s14 =	simm.s32 $0x16900  }
0xb4: {  	[tilespmem:s14], [sflag:$0x2] =	stream.indirect_vreg.gather [hbm4b:s3+s2], $0x80, v3, vm0, $0xb8;
	[tilespmem:$0x18100] =	vst v63  }
0xb5: {  	s14 =	simm.s32 $0x17100  }
0xb6: {  	[tilespmem:s14], [sflag:$0x2] =	stream.indirect_vreg.gather [hbm4b:s4+s2], $0x80, v3, vm0, $0xb8;
	[tilespmem:$0x18100] =	vst v63  }
0xb7: {  	s14 =	simm.s32 $0x17900  }
0xb8: {  	[tilespmem:s14], [sflag:$0x2] =	stream.indirect_vreg.gather [hbm4b:s5+s2], $0x80, v3, vm0, $0xb8;
	[tilespmem:$0x18100] =	vst v63  }
0xb9: {  	_ =	swait.ge [sflag:s11], $0xC000  }
0xba: {  	[sflag:s11] =	ssyncset.done $0x0  }
0xbb: {  	s8 =	simm.s32 $0x100;
	s14 =	rddreg [dreg:$0x5];
	[sflag:s11] =	ssyncadd.s32 $0xFFFF4000  }
0xbc: {  	[hbm4b:s14+s2] =	stream.linear.scatter [tilespmem:s8], [sflag:$0x3], $0xC000, $0x38;
	[tilespmem:$0x18100] =	vst v63  }
0xbd: {  	_ =	swait.ge [sflag:s9], $0xC000  }
0xbe: {  	[sflag:s9] =	ssyncset.done $0x0  }
0xbf: {  	s14 =	rddreg [dreg:$0x6];
	[sflag:s9] =	ssyncadd.s32 $0xFFFF4000  }
0xc0: {  	[tilespmem:s2], [sflag:$0x5] =	stream.linear.gather [hbm4b:s14+s2], $0x40, $0x38;
	[tilespmem:$0x18100] =	vst v63  }
0xc1: {  	_ =	swait.ge [sflag:s7], $0x40  }
0xc2: {  	[sflag:s7] =	ssyncset.done $0x0  }
0xc3: {  	[sflag:s7] =	ssyncadd.s32 $0xFFFFFFC0  }
0xc4: {  	v3 =	vld [tilespmem:$0x0];
	_ =	sdelay $0x4  }
0xc5: {  	v56 =	vshrl.u32 v3, $0x3  }
0xc6: {  	v4 =	vmul.u32 $0x30, v56  }
0xc7: {  	v3 =	vand.u32 $0x7, v3  }
0xc8: {  	v3 =	vor.u32 v3, v4  }
0xc9: {  	v4 =	vperm.xlane v3, v0;
	_ =	sdelay $0x1  }
0xca: {  	v4 =	vadd.s32 v1, v4;
	_ =	sdelay $0x3  }
0xcb: {  	v3 =	vperm.xlane v3, v2  }
0xcc: {  	[tilespmem:s8], [sflag:$0x1] =	stream.indirect_vreg.gather [hbm4b:s3+s2], $0x80, v4, vm0, $0xb8;
	[tilespmem:$0x18100] =	vst v63  }
0xcd: {  	v3 =	vadd.s32 v1, v3  }
0xce: {  	[tilespmem:s15], [sflag:$0x1] =	stream.indirect_vreg.gather [hbm4b:s4+s2], $0x80, v4, vm0, $0xb8;
	[tilespmem:$0x18100] =	vst v63  }
0xcf: {  	_ = 	snop  }
0xd0: {  	[tilespmem:s16], [sflag:$0x1] =	stream.indirect_vreg.gather [hbm4b:s5+s2], $0x80, v4, vm0, $0xb8;
	[tilespmem:$0x18100] =	vst v63  }
0xd1: {  	_ = 	snop  }
0xd2: {  	[tilespmem:s17], [sflag:$0x1] =	stream.indirect_vreg.gather [hbm4b:s3+s2], $0x80, v3, vm0, $0xb8;
	[tilespmem:$0x18100] =	vst v63  }
0xd3: {  	_ = 	snop  }
0xd4: {  	[tilespmem:s18], [sflag:$0x1] =	stream.indirect_vreg.gather [hbm4b:s4+s2], $0x80, v3, vm0, $0xb8;
	[tilespmem:$0x18100] =	vst v63  }
0xd5: {  	_ = 	snop  }
0xd6: {  	[tilespmem:s19], [sflag:$0x1] =	stream.indirect_vreg.gather [hbm4b:s5+s2], $0x80, v3, vm0, $0xb8;
	[tilespmem:$0x18100] =	vst v63  }
0xd7: {  	v3 =	vld [tilespmem:$0x10];
	_ =	sdelay $0x4  }
0xd8: {  	v57 =	vshrl.u32 v3, $0x3  }
0xd9: {  	v4 =	vmul.u32 $0x30, v57  }
0xda: {  	v3 =	vand.u32 $0x7, v3  }
0xdb: {  	v3 =	vor.u32 v3, v4  }
0xdc: {  	v4 =	vperm.xlane v3, v0;
	_ =	sdelay $0x1  }
0xdd: {  	v4 =	vadd.s32 v1, v4;
	_ =	sdelay $0x3  }
0xde: {  	v3 =	vperm.xlane v3, v2  }
0xdf: {  	[tilespmem:s20], [sflag:$0x1] =	stream.indirect_vreg.gather [hbm4b:s3+s2], $0x80, v4, vm0, $0xb8;
	[tilespmem:$0x18100] =	vst v63  }
0xe0: {  	v3 =	vadd.s32 v1, v3  }
0xe1: {  	[tilespmem:s21], [sflag:$0x1] =	stream.indirect_vreg.gather [hbm4b:s4+s2], $0x80, v4, vm0, $0xb8;
	[tilespmem:$0x18100] =	vst v63  }
0xe2: {  	_ = 	snop  }
0xe3: {  	[tilespmem:s22], [sflag:$0x1] =	stream.indirect_vreg.gather [hbm4b:s5+s2], $0x80, v4, vm0, $0xb8;
	[tilespmem:$0x18100] =	vst v63  }
0xe4: {  	_ = 	snop  }
0xe5: {  	[tilespmem:s23], [sflag:$0x1] =	stream.indirect_vreg.gather [hbm4b:s3+s2], $0x80, v3, vm0, $0xb8;
	[tilespmem:$0x18100] =	vst v63  }
0xe6: {  	_ = 	snop  }
0xe7: {  	[tilespmem:s24], [sflag:$0x1] =	stream.indirect_vreg.gather [hbm4b:s4+s2], $0x80, v3, vm0, $0xb8;
	[tilespmem:$0x18100] =	vst v63  }
0xe8: {  	_ = 	snop  }
0xe9: {  	[tilespmem:s25], [sflag:$0x1] =	stream.indirect_vreg.gather [hbm4b:s5+s2], $0x80, v3, vm0, $0xb8;
	[tilespmem:$0x18100] =	vst v63  }
0xea: {  	v3 =	vld [tilespmem:$0x20];
	_ =	sdelay $0x4  }
0xeb: {  	v58 =	vshrl.u32 v3, $0x3  }
0xec: {  	v4 =	vmul.u32 $0x30, v58  }
0xed: {  	v3 =	vand.u32 $0x7, v3  }
0xee: {  	v3 =	vor.u32 v3, v4  }
0xef: {  	v4 =	vperm.xlane v3, v0;
	_ =	sdelay $0x1  }
0xf0: {  	v4 =	vadd.s32 v1, v4;
	_ =	sdelay $0x3  }
0xf1: {  	v3 =	vperm.xlane v3, v2  }
0xf2: {  	[tilespmem:s26], [sflag:$0x1] =	stream.indirect_vreg.gather [hbm4b:s3+s2], $0x80, v4, vm0, $0xb8;
	[tilespmem:$0x18100] =	vst v63  }
0xf3: {  	v3 =	vadd.s32 v1, v3  }
0xf4: {  	[tilespmem:s28], [sflag:$0x1] =	stream.indirect_vreg.gather [hbm4b:s4+s2], $0x80, v4, vm0, $0xb8;
	[tilespmem:$0x18100] =	vst v63  }
0xf5: {  	_ = 	snop  }
0xf6: {  	[tilespmem:s29], [sflag:$0x1] =	stream.indirect_vreg.gather [hbm4b:s5+s2], $0x80, v4, vm0, $0xb8;
	[tilespmem:$0x18100] =	vst v63  }
0xf7: {  	_ = 	snop  }
0xf8: {  	[tilespmem:s30], [sflag:$0x1] =	stream.indirect_vreg.gather [hbm4b:s3+s2], $0x80, v3, vm0, $0xb8;
	[tilespmem:$0x18100] =	vst v63  }
0xf9: {  	_ = 	snop  }
0xfa: {  	[tilespmem:s31], [sflag:$0x1] =	stream.indirect_vreg.gather [hbm4b:s4+s2], $0x80, v3, vm0, $0xb8;
	[tilespmem:$0x18100] =	vst v63  }
0xfb: {  	s14 =	simm.s32 $0x8900  }
0xfc: {  	[tilespmem:s14], [sflag:$0x1] =	stream.indirect_vreg.gather [hbm4b:s5+s2], $0x80, v3, vm0, $0xb8;
	[tilespmem:$0x18100] =	vst v63  }
0xfd: {  	v3 =	vld [tilespmem:$0x30];
	_ =	sdelay $0x4  }
0xfe: {  	v59 =	vshrl.u32 v3, $0x3  }
0xff: {  	v4 =	vmul.u32 $0x30, v59  }
0x100: {  	v3 =	vand.u32 $0x7, v3  }
0x101: {  	v3 =	vor.u32 v3, v4  }
0x102: {  	v4 =	vperm.xlane v3, v0;
	_ =	sdelay $0x1  }
0x103: {  	v4 =	vadd.s32 v1, v4;
	_ =	sdelay $0x3  }
0x104: {  	s14 =	simm.s32 $0x9100;
	v3 =	vperm.xlane v3, v2  }
0x105: {  	[tilespmem:s14], [sflag:$0x1] =	stream.indirect_vreg.gather [hbm4b:s3+s2], $0x80, v4, vm0, $0xb8;
	[tilespmem:$0x18100] =	vst v63  }
0x106: {  	v3 =	vadd.s32 v1, v3;
	s14 =	simm.s32 $0x9900  }
0x107: {  	[tilespmem:s14], [sflag:$0x1] =	stream.indirect_vreg.gather [hbm4b:s4+s2], $0x80, v4, vm0, $0xb8;
	[tilespmem:$0x18100] =	vst v63  }
0x108: {  	s14 =	simm.s32 $0xA100  }
0x109: {  	[tilespmem:s14], [sflag:$0x1] =	stream.indirect_vreg.gather [hbm4b:s5+s2], $0x80, v4, vm0, $0xb8;
	[tilespmem:$0x18100] =	vst v63  }
0x10a: {  	_ = 	snop  }
0x10b: {  	[tilespmem:s10], [sflag:$0x1] =	stream.indirect_vreg.gather [hbm4b:s3+s2], $0x80, v3, vm0, $0xb8;
	[tilespmem:$0x18100] =	vst v63  }
0x10c: {  	s14 =	simm.s32 $0xB100  }
0x10d: {  	[tilespmem:s14], [sflag:$0x1] =	stream.indirect_vreg.gather [hbm4b:s4+s2], $0x80, v3, vm0, $0xb8;
	[tilespmem:$0x18100] =	vst v63  }
0x10e: {  	_ = 	snop  }
0x10f: {  	[tilespmem:s1], [sflag:$0x1] =	stream.indirect_vreg.gather [hbm4b:s5+s2], $0x80, v3, vm0, $0xb8;
	[tilespmem:$0x18100] =	vst v63  }
0x110: {  	_ =	swait.ge [sflag:s12], $0xC000  }
0x111: {  	[sflag:s12] =	ssyncset.done $0x0  }
0x112: {  	s8 =	rddreg [dreg:$0x7];
	[sflag:s12] =	ssyncadd.s32 $0xFFFF4000  }
0x113: {  	[hbm4b:s8+s2] =	stream.linear.scatter [tilespmem:s0], [sflag:$0x4], $0xC000, $0x38;
	[tilespmem:$0x18100] =	vst v63  }
0x114: {  	_ =	swait.ge [sflag:s13], $0xC000  }
0x115: {  	[sflag:s13] =	ssyncset.done $0x0  }
0x116: {  	s8 =	simm.s32 $0x80;
	s1 =	rddreg [dreg:$0x8];
	[sflag:s13] =	ssyncadd.s32 $0xFFFF4000  }
0x117: {  	[tilespmem:s8], [sflag:$0x5] =	stream.linear.gather [hbm4b:s1+s2], $0x40, $0x38;
	[tilespmem:$0x18100] =	vst v63  }
0x118: {  	_ =	swait.ge [sflag:s7], $0x40  }
0x119: {  	[sflag:s7] =	ssyncset.done $0x0  }
0x11a: {  	[sflag:s7] =	ssyncadd.s32 $0xFFFFFFC0  }
0x11b: {  	v3 =	vld [tilespmem:$0x80];
	_ =	sdelay $0x4  }
0x11c: {  	v60 =	vshrl.u32 v3, $0x3  }
0x11d: {  	v4 =	vmul.u32 $0x30, v60  }
0x11e: {  	v3 =	vand.u32 $0x7, v3  }
0x11f: {  	v3 =	vor.u32 v3, v4  }
0x120: {  	v4 =	vperm.xlane v3, v0;
	_ =	sdelay $0x1  }
0x121: {  	v4 =	vadd.s32 v1, v4;
	_ =	sdelay $0x3  }
0x122: {  	v3 =	vperm.xlane v3, v2  }
0x123: {  	[tilespmem:s0], [sflag:$0x2] =	stream.indirect_vreg.gather [hbm4b:s3+s2], $0x80, v4, vm0, $0xb8;
	[tilespmem:$0x18100] =	vst v63  }
0x124: {  	s14 =	simm.s32 $0xC900;
	v3 =	vadd.s32 v1, v3  }
0x125: {  	[tilespmem:s14], [sflag:$0x2] =	stream.indirect_vreg.gather [hbm4b:s4+s2], $0x80, v4, vm0, $0xb8;
	[tilespmem:$0x18100] =	vst v63  }
0x126: {  	s8 =	simm.s32 $0xD100  }
0x127: {  	[tilespmem:s8], [sflag:$0x2] =	stream.indirect_vreg.gather [hbm4b:s5+s2], $0x80, v4, vm0, $0xb8;
	[tilespmem:$0x18100] =	vst v63  }
0x128: {  	s14 =	simm.s32 $0xD900  }
0x129: {  	[tilespmem:s14], [sflag:$0x2] =	stream.indirect_vreg.gather [hbm4b:s3+s2], $0x80, v3, vm0, $0xb8;
	[tilespmem:$0x18100] =	vst v63  }
0x12a: {  	s8 =	simm.s32 $0xE100  }
0x12b: {  	[tilespmem:s8], [sflag:$0x2] =	stream.indirect_vreg.gather [hbm4b:s4+s2], $0x80, v3, vm0, $0xb8;
	[tilespmem:$0x18100] =	vst v63  }
0x12c: {  	s14 =	simm.s32 $0xE900  }
0x12d: {  	[tilespmem:s14], [sflag:$0x2] =	stream.indirect_vreg.gather [hbm4b:s5+s2], $0x80, v3, vm0, $0xb8;
	[tilespmem:$0x18100] =	vst v63  }
0x12e: {  	v3 =	vld [tilespmem:$0x90];
	_ =	sdelay $0x4  }
0x12f: {  	v61 =	vshrl.u32 v3, $0x3  }
0x130: {  	v4 =	vmul.u32 $0x30, v61  }
0x131: {  	v3 =	vand.u32 $0x7, v3  }
0x132: {  	v3 =	vor.u32 v3, v4  }
0x133: {  	v4 =	vperm.xlane v3, v0;
	_ =	sdelay $0x1  }
0x134: {  	v4 =	vadd.s32 v1, v4;
	_ =	sdelay $0x3  }
0x135: {  	s8 =	simm.s32 $0xF100;
	v3 =	vperm.xlane v3, v2  }
0x136: {  	[tilespmem:s8], [sflag:$0x2] =	stream.indirect_vreg.gather [hbm4b:s3+s2], $0x80, v4, vm0, $0xb8;
	[tilespmem:$0x18100] =	vst v63  }
0x137: {  	s14 =	simm.s32 $0xF900;
	v3 =	vadd.s32 v1, v3  }
0x138: {  	[tilespmem:s14], [sflag:$0x2] =	stream.indirect_vreg.gather [hbm4b:s4+s2], $0x80, v4, vm0, $0xb8;
	[tilespmem:$0x18100] =	vst v63  }
0x139: {  	s8 =	simm.s32 $0x10100  }
0x13a: {  	[tilespmem:s8], [sflag:$0x2] =	stream.indirect_vreg.gather [hbm4b:s5+s2], $0x80, v4, vm0, $0xb8;
	[tilespmem:$0x18100] =	vst v63  }
0x13b: {  	s14 =	simm.s32 $0x10900  }
0x13c: {  	[tilespmem:s14], [sflag:$0x2] =	stream.indirect_vreg.gather [hbm4b:s3+s2], $0x80, v3, vm0, $0xb8;
	[tilespmem:$0x18100] =	vst v63  }
0x13d: {  	s8 =	simm.s32 $0x11100  }
0x13e: {  	[tilespmem:s8], [sflag:$0x2] =	stream.indirect_vreg.gather [hbm4b:s4+s2], $0x80, v3, vm0, $0xb8;
	[tilespmem:$0x18100] =	vst v63  }
0x13f: {  	s14 =	simm.s32 $0x11900  }
0x140: {  	[tilespmem:s14], [sflag:$0x2] =	stream.indirect_vreg.gather [hbm4b:s5+s2], $0x80, v3, vm0, $0xb8;
	[tilespmem:$0x18100] =	vst v63  }
0x141: {  	v3 =	vld [tilespmem:$0xA0];
	_ =	sdelay $0x4  }
0x142: {  	v62 =	vshrl.u32 v3, $0x3  }
0x143: {  	v4 =	vmul.u32 $0x30, v62  }
0x144: {  	v3 =	vand.u32 $0x7, v3  }
0x145: {  	v3 =	vor.u32 v3, v4  }
0x146: {  	v4 =	vperm.xlane v3, v0;
	_ =	sdelay $0x1  }
0x147: {  	v4 =	vadd.s32 v1, v4;
	_ =	sdelay $0x3  }
0x148: {  	s8 =	simm.s32 $0x12100;
	v3 =	vperm.xlane v3, v2  }
0x149: {  	[tilespmem:s8], [sflag:$0x2] =	stream.indirect_vreg.gather [hbm4b:s3+s2], $0x80, v4, vm0, $0xb8;
	[tilespmem:$0x18100] =	vst v63  }
0x14a: {  	s14 =	simm.s32 $0x12900;
	v3 =	vadd.s32 v1, v3  }
0x14b: {  	[tilespmem:s14], [sflag:$0x2] =	stream.indirect_vreg.gather [hbm4b:s4+s2], $0x80, v4, vm0, $0xb8;
	[tilespmem:$0x18100] =	vst v63  }
0x14c: {  	s8 =	simm.s32 $0x13100  }
0x14d: {  	[tilespmem:s8], [sflag:$0x2] =	stream.indirect_vreg.gather [hbm4b:s5+s2], $0x80, v4, vm0, $0xb8;
	[tilespmem:$0x18100] =	vst v63  }
0x14e: {  	s14 =	simm.s32 $0x13900  }
0x14f: {  	[tilespmem:s14], [sflag:$0x2] =	stream.indirect_vreg.gather [hbm4b:s3+s2], $0x80, v3, vm0, $0xb8;
	[tilespmem:$0x18100] =	vst v63  }
0x150: {  	s8 =	simm.s32 $0x14100  }
0x151: {  	[tilespmem:s8], [sflag:$0x2] =	stream.indirect_vreg.gather [hbm4b:s4+s2], $0x80, v3, vm0, $0xb8;
	[tilespmem:$0x18100] =	vst v63  }
0x152: {  	s14 =	simm.s32 $0x14900  }
0x153: {  	[tilespmem:s14], [sflag:$0x2] =	stream.indirect_vreg.gather [hbm4b:s5+s2], $0x80, v3, vm0, $0xb8;
	[tilespmem:$0x18100] =	vst v63  }
0x154: {  	v3 =	vld [tilespmem:$0xB0];
	_ =	sdelay $0x4  }
0x155: {  	v63 =	vshrl.u32 v3, $0x3  }
0x156: {  	v4 =	vmul.u32 $0x30, v63  }
0x157: {  	v3 =	vand.u32 $0x7, v3  }
0x158: {  	v3 =	vor.u32 v3, v4  }
0x159: {  	v4 =	vperm.xlane v3, v0;
	_ =	sdelay $0x1  }
0x15a: {  	v4 =	vadd.s32 v1, v4;
	_ =	sdelay $0x3  }
0x15b: {  	s8 =	simm.s32 $0x15100;
	v3 =	vperm.xlane v3, v2  }
0x15c: {  	[tilespmem:s8], [sflag:$0x2] =	stream.indirect_vreg.gather [hbm4b:s3+s2], $0x80, v4, vm0, $0xb8;
	[tilespmem:$0x18100] =	vst v63  }
0x15d: {  	s14 =	simm.s32 $0x15900;
	v3 =	vadd.s32 v1, v3  }
0x15e: {  	[tilespmem:s14], [sflag:$0x2] =	stream.indirect_vreg.gather [hbm4b:s4+s2], $0x80, v4, vm0, $0xb8;
	[tilespmem:$0x18100] =	vst v63  }
0x15f: {  	s8 =	simm.s32 $0x16100  }
0x160: {  	[tilespmem:s8], [sflag:$0x2] =	stream.indirect_vreg.gather [hbm4b:s5+s2], $0x80, v4, vm0, $0xb8;
	[tilespmem:$0x18100] =	vst v63  }
0x161: {  	s14 =	simm.s32 $0x16900  }
0x162: {  	[tilespmem:s14], [sflag:$0x2] =	stream.indirect_vreg.gather [hbm4b:s3+s2], $0x80, v3, vm0, $0xb8;
	[tilespmem:$0x18100] =	vst v63  }
0x163: {  	s8 =	simm.s32 $0x17100  }
0x164: {  	[tilespmem:s8], [sflag:$0x2] =	stream.indirect_vreg.gather [hbm4b:s4+s2], $0x80, v3, vm0, $0xb8;
	[tilespmem:$0x18100] =	vst v63  }
0x165: {  	s14 =	simm.s32 $0x17900  }
0x166: {  	[tilespmem:s14], [sflag:$0x2] =	stream.indirect_vreg.gather [hbm4b:s5+s2], $0x80, v3, vm0, $0xb8;
	[tilespmem:$0x18100] =	vst v63  }
0x167: {  	_ =	swait.ge [sflag:s11], $0xC000  }
0x168: {  	[sflag:s11] =	ssyncset.done $0x0  }
0x169: {  	s8 =	simm.s32 $0x100;
	s1 =	rddreg [dreg:$0x9];
	[sflag:s11] =	ssyncadd.s32 $0xFFFF4000  }
0x16a: {  	[hbm4b:s1+s2] =	stream.linear.scatter [tilespmem:s8], [sflag:$0x3], $0xC000, $0x38;
	[tilespmem:$0x18100] =	vst v63  }
0x16b: {  	_ =	swait.ge [sflag:s12], $0xC000  }
0x16c: {  	[sflag:s12] =	ssyncset.done $0x0  }
0x16d: {  	s8 =	rddreg [dreg:$0xa];
	[sflag:s12] =	ssyncadd.s32 $0xFFFF4000  }
0x16e: {  	[hbm4b:s8+s2] =	stream.linear.scatter [tilespmem:s0], [sflag:$0x4], $0xC000, $0x38;
	[tilespmem:$0x18100] =	vst v63  }
0x16f: {  	p0 =	sne.s32 s6, $0x1;
	_ =	swait.ge [sflag:s9], $0xC000  }
.Ltmp0:
0x170: {  	[sflag:s9] =	ssyncset.done $0x0;
	(pc) =	sbr.rel @p0 .LBB2_1-.Ltmp0, $4  }
0x171: {  	[sflag:s9] =	ssyncadd.s32 $0xFFFF4000  }
0x172: {  	_ =	swait.ge [sflag:s13], $0xC000  }
0x173: {  	[sflag:s13] =	ssyncset.done $0x0  }
0x174: {  	s6 =	sadd.s32 $0xFFFFFFFF, s6;
	[sflag:s13] =	ssyncadd.s32 $0xFFFF4000  }
0x175: {  	_ =	sfence.sel $0x180000  }
0x176: {  	[bflag:$0x0] =	sbarrier.arrive $0xFFFF  }
0x177: {  	_ =	strace $0x9000004A  }
0x178: {  	s0 =	stileid.u32;
	[bflag:$0x2] =	sbarrier.arrive $0xFFFF  }
0x179: {  	p0 =	sne.s32 s0, $0x0;
	s0 =	rddreg [dreg:$0x2]  }
0x17a: {  	s0 =	sadd.s32 @!p0 $0x100000, s0  }
0x17b: {  	[sflag:s0] =	ssyncadd.tile.s32 @!p0 $0x1;
	_ =	shalt  }
.Lfunc_end2:
_tile_overlayer_lowered:
.L_overlay_start_2:
0x17c: {  	(tag) =	ssettag $0x2  }
0x17d: {  	s0 =	rddreg [dreg:$0x0];
	s2 =	stileid.u32  }
0x17e: {  	s1 =	rddreg [dreg:$0x1];
	p0 =	sne.s32 s2, $0x0  }
0x17f: {  	s3 =	rddreg [dreg:$0x2];
	[bflag:$0x3] =	sbarrier.arrive $0xFFFF;
	s2 =	simm.s32 @!p0 $0x1C05  }
0x180: {  	[timem:s3], [sflag:s2] =	dma.local @!p0 [hbm:s0], s1  }
0x181: {  	s0 =	simm.s32 @!p0 $0x5  }
0x182: {  	_ =	swait.ge @!p0 [sflag:s0], s1  }
0x183: {  	s1 =	ssub.s32 @!p0 $0x0, s1;
	[sflag:s0] =	ssyncset.done @!p0 $0x0  }
0x184: {  	[sflag:s0] =	ssyncadd.s32 @!p0 s1  }
0x185: {  	[bflag:$0x3] =	sbarrier.arrive $0xFFFF  }
0x186: {  	_ =	shalt  }

</sc_bundles>
